<compile_context>
chip_gen: v7x
topology: tpu7x:2x2x1
jax: 0.10.2.dev20260603
libtpu: 0.0.44.dev20260713+nightly
codegen_flags: <defaults>
</compile_context>

<pallas_src>
import functools

import jax
import jax.numpy as jnp
from jax import lax
from jax.experimental import pallas as pl
from jax.experimental.pallas import tpu as pltpu
from jax.experimental.pallas import tpu_sc as plsc

N = 10000
NN = 10240
E = 320000
H = 64
D_IN = 128
G = 64
NTILES = 32
NSUB = 16
CK = 128
NCK = 80
EPT = E // NTILES
RPT = NN // NSUB
DEGW = 16
RBLK = 2560


def _deg_body(edges_hbm, ones_hbm, zero_hbm, out_hbm, dst_v, ones_v, acc_sh,
              sem):
    c = lax.axis_index("c")
    s = lax.axis_index("s")
    wid = c * NSUB + s
    pltpu.sync_copy(zero_hbm, acc_sh.at[pl.ds(s * RPT, RPT)])
    pltpu.sync_copy(edges_hbm.at[1, wid], dst_v)
    pltpu.sync_copy(ones_hbm, ones_v)
    plsc.subcore_barrier()

    def body(j, carry):
        pltpu.sync_copy(ones_v, acc_sh.at[dst_v.at[j]], add=True)
        return carry

    lax.fori_loop(0, NCK, body, 0)
    plsc.subcore_barrier()
    pltpu.sync_copy(acc_sh.at[pl.ds(s * RPT, RPT)],
                    out_hbm.at[c, pl.ds(s * RPT, RPT), pl.ds(0, DEGW)])
    del sem


_deg_call = functools.partial(
    pl.kernel,
    out_type=jax.ShapeDtypeStruct((2, NN, 128), jnp.float32),
    mesh=plsc.VectorSubcoreMesh(core_axis_name="c", subcore_axis_name="s"),
    compiler_params=pltpu.CompilerParams(use_tc_tiling_on_sc=False),
    scratch_types=[
        pltpu.VMEM((NCK, CK), jnp.int32),
        pltpu.VMEM((CK, DEGW), jnp.float32),
        pltpu.VMEM_SHARED((NN, DEGW), jnp.float32),
        pltpu.SemaphoreType.DMA,
    ],
)(_deg_body)


NBUF = 8


def _mp_body(edges_hbm, hs_hbm, zero_hbm, out_hbm,
             src_v, dst_v, r0, r1, r2, r3, r4, r5, r6, r7, acc_sh,
             gsem, ssem):
    c = lax.axis_index("c")
    s = lax.axis_index("s")
    wid = c * NSUB + s
    rbuf = (r0, r1, r2, r3, r4, r5, r6, r7)
    pltpu.sync_copy(zero_hbm, acc_sh.at[pl.ds(s * RPT, RPT)])
    pltpu.sync_copy(edges_hbm.at[0, wid], src_v)
    pltpu.sync_copy(edges_hbm.at[1, wid], dst_v)
    plsc.subcore_barrier()

    for b in range(NBUF):
        pltpu.async_copy(hs_hbm.at[src_v.at[b]], rbuf[b], gsem)

    def grp(i, carry):
        base = i * NBUF
        for b in range(NBUF):
            j = base + b
            pltpu.make_async_copy(hs_hbm.at[src_v.at[j]], rbuf[b],
                                  gsem).wait()
            pltpu.async_copy(rbuf[b], acc_sh.at[dst_v.at[j]], ssem, add=True)
        for b in range(NBUF):
            j = base + b
            pltpu.make_async_copy(rbuf[b], acc_sh.at[dst_v.at[j]],
                                  ssem).wait()

            @pl.when(j + NBUF < NCK)
            def _():
                pltpu.async_copy(hs_hbm.at[src_v.at[j + NBUF]], rbuf[b], gsem)

        return carry

    lax.fori_loop(0, NCK // NBUF, grp, 0)
    plsc.subcore_barrier()
    pltpu.sync_copy(acc_sh.at[pl.ds(s * RPT, RPT)],
                    out_hbm.at[c, pl.ds(s * RPT, RPT), pl.ds(0, H)])


_mp_call = functools.partial(
    pl.kernel,
    out_type=jax.ShapeDtypeStruct((2, NN, 128), jnp.float32),
    mesh=plsc.VectorSubcoreMesh(core_axis_name="c", subcore_axis_name="s"),
    compiler_params=pltpu.CompilerParams(use_tc_tiling_on_sc=False),
    scratch_types=[
        pltpu.VMEM((NCK, CK), jnp.int32),
        pltpu.VMEM((NCK, CK), jnp.int32),
        pltpu.VMEM((CK, H), jnp.float32),
        pltpu.VMEM((CK, H), jnp.float32),
        pltpu.VMEM((CK, H), jnp.float32),
        pltpu.VMEM((CK, H), jnp.float32),
        pltpu.VMEM((CK, H), jnp.float32),
        pltpu.VMEM((CK, H), jnp.float32),
        pltpu.VMEM((CK, H), jnp.float32),
        pltpu.VMEM((CK, H), jnp.float32),
        pltpu.VMEM_SHARED((NN, H), jnp.float32),
        pltpu.SemaphoreType.DMA,
        pltpu.SemaphoreType.DMA,
    ],
)(_mp_body)


def _merge_pair(ap_ref):
    a = ap_ref[...][:, :, :H]
    return a[0] + a[1]


def _tca_body(x_ref, w1_ref, dp_ref, hs_ref, dinv_ref):
    i = pl.program_id(0)
    d = dp_ref[...]
    dinv = lax.rsqrt(d[0, :, :1] + d[1, :, :1] + 1.0)
    h = jnp.dot(x_ref[...], w1_ref[...], preferred_element_type=jnp.float32)
    rows = i * RBLK + lax.broadcasted_iota(jnp.int32, (RBLK, 1), 0)
    hs_ref[...] = jnp.where(rows < N, h * dinv, 0.0)
    dinv_ref[...] = jnp.broadcast_to(dinv, (RBLK, H))


def _tcd_body(ap_ref, hs1_ref, dinv_ref, b1_ref, w2_ref, hs2_ref):
    dinv = dinv_ref[...]
    agg = dinv * (_merge_pair(ap_ref) + hs1_ref[...]) + b1_ref[...]
    out1 = jnp.maximum(agg, 0.0)
    h2 = jnp.dot(out1, w2_ref[...], preferred_element_type=jnp.float32)
    hs2_ref[...] = h2 * dinv


def _tcf_body(ap_ref, hs2_ref, dinv_ref, b2_ref, batch_ref,
              depth_ref, wpool_ref, wd_ref, bout_ref, out_ref,
              sums_scr, cnts_scr):
    i = pl.program_id(0)

    @pl.when(i == 0)
    def _():
        sums_scr[...] = jnp.zeros_like(sums_scr)
        cnts_scr[...] = jnp.zeros_like(cnts_scr)

    dinv = dinv_ref[...]
    agg = dinv * (_merge_pair(ap_ref) + hs2_ref[...]) + b2_ref[...]
    out2 = jnp.maximum(agg, 0.0)
    b = batch_ref[...]
    gids = lax.broadcasted_iota(jnp.int32, (RBLK, G), 1)
    onehot = (b == gids).astype(jnp.float32)
    dn = (((0,), (0,)), ((), ()))
    sums_scr[...] += lax.dot_general(onehot, out2, dn,
                                     preferred_element_type=jnp.float32)
    cnts_scr[...] += lax.dot_general(onehot, jnp.ones((RBLK, 1), jnp.float32),
                                     dn, preferred_element_type=jnp.float32)

    @pl.when(i == pl.num_programs(0) - 1)
    def _():
        pooled = sums_scr[...] / jnp.maximum(cnts_scr[...], 1.0)
        res = jnp.dot(pooled, wpool_ref[...],
                      preferred_element_type=jnp.float32)
        out_ref[...] = res + depth_ref[...] * wd_ref[...] + bout_ref[...]


def _row_spec(w):
    return pl.BlockSpec((RBLK, w), lambda i: (i, 0))


def _pair_spec():
    return pl.BlockSpec((2, RBLK, 128), lambda i: (0, i, 0))


def _full_spec(shape):
    return pl.BlockSpec(shape, lambda i: (0, 0))


_GRID = NN // RBLK

_tca_call = pl.pallas_call(
    _tca_body,
    grid=(_GRID,),
    in_specs=[_row_spec(D_IN), _full_spec((D_IN, H)),
              _pair_spec()],
    out_specs=[_row_spec(H), _row_spec(H)],
    out_shape=[jax.ShapeDtypeStruct((NN, H), jnp.float32),
               jax.ShapeDtypeStruct((NN, H), jnp.float32)],
)

_tcd_call = pl.pallas_call(
    _tcd_body,
    grid=(_GRID,),
    in_specs=[_pair_spec(), _row_spec(H), _row_spec(H),
              _full_spec((1, H)), _full_spec((H, H))],
    out_specs=_row_spec(H),
    out_shape=jax.ShapeDtypeStruct((NN, H), jnp.float32),
)

_tcf_call = pl.pallas_call(
    _tcf_body,
    grid=(_GRID,),
    in_specs=[_pair_spec(), _row_spec(H), _row_spec(H),
              _full_spec((1, H)), _row_spec(1),
              _full_spec((G, 1)), _full_spec((H, 1)),
              _full_spec((1, 1)), _full_spec((1, 1))],
    out_specs=_full_spec((G, 1)),
    out_shape=jax.ShapeDtypeStruct((G, 1), jnp.float32),
    scratch_shapes=[pltpu.VMEM((G, H), jnp.float32),
                    pltpu.VMEM((G, 1), jnp.float32)],
)


def kernel(x, edge_index, batch, depth, W1, b1, W2, b2, W_out, b_out):
    ppt = NCK * CK - EPT
    trash = jnp.broadcast_to(N + jnp.arange(ppt, dtype=jnp.int32) % (NN - N),
                             (2, NTILES, ppt))
    ep = jnp.concatenate(
        [edge_index.reshape(2, NTILES, EPT), trash],
        axis=2).reshape(2, NTILES, NCK, CK)
    batchp = jnp.concatenate(
        [batch, jnp.full((NN - N,), G, jnp.int32)]).reshape(NN, 1)
    ones_rows = jnp.ones((CK, DEGW), jnp.float32)
    zero16 = jnp.zeros((RPT, DEGW), jnp.float32)
    zero64 = jnp.zeros((RPT, H), jnp.float32)
    b1r = b1.reshape(1, H)
    b2r = b2.reshape(1, H)
    depthr = depth.reshape(G, 1)
    wpool = W_out[:H, :]
    wd = W_out[H:, :]
    boutr = b_out.reshape(1, 1)

    degp = _deg_call(ep, ones_rows, zero16)
    hs1, dinvp = _tca_call(x, W1, degp)
    a1p = _mp_call(ep, hs1, zero64)
    hs2 = _tcd_call(a1p, hs1, dinvp, b1r, W2)
    a2p = _mp_call(ep, hs2, zero64)
    res = _tcf_call(a2p, hs2, dinvp, b2r, batchp,
                    depthr, wpool, wd, boutr)
    return res.reshape(G)

# --- scband reference (transcript-rebuilt; emitter-appended) ---
"""Pipeline reference for scband-basic-gnn-10763188043954 (READ-ONLY COPY).

The authoritative reference and input builder live on the scoring server;
editing this copy changes nothing except your own understanding.
"""

import jax, jax.numpy as jnp
import numpy as np

N = 10000
E = 320000
D_IN = 128
H = 64
G = 64


def setup_inputs(seed: int = 0) -> dict:
    key = jax.random.key(seed)
    ks = jax.random.split(key, 10)
    x = jax.random.normal(ks[0], (N, D_IN), dtype=jnp.float32)
    edge_index = jax.random.randint(ks[1], (2, E), 0, N, dtype=jnp.int32)
    batch = jnp.sort(jax.random.randint(ks[2], (N,), 0, G, dtype=jnp.int32))
    depth = jax.random.uniform(ks[3], (G,), dtype=jnp.float32)
    W1 = jax.random.normal(ks[4], (D_IN, H), dtype=jnp.float32) * (1.0 / np.sqrt(D_IN))
    b1 = jnp.zeros((H,), dtype=jnp.float32)
    W2 = jax.random.normal(ks[5], (H, H), dtype=jnp.float32) * (1.0 / np.sqrt(H))
    b2 = jnp.zeros((H,), dtype=jnp.float32)
    W_out = jax.random.normal(ks[6], (H + 1, 1), dtype=jnp.float32) * (1.0 / np.sqrt(H + 1))
    b_out = jnp.zeros((1,), dtype=jnp.float32)
    return {"x": x, "edge_index": edge_index, "batch": batch, "depth": depth,
            "W1": W1, "b1": b1, "W2": W2, "b2": b2, "W_out": W_out, "b_out": b_out}


def _gcn_conv(x, edge_index, W, b):
    # PyG GCNConv: add self-loops, symmetric normalization D^-1/2 (A+I) D^-1/2 X W + b
    src = edge_index[0]
    dst = edge_index[1]
    loop = jnp.arange(N, dtype=src.dtype)
    src = jnp.concatenate([src, loop])
    dst = jnp.concatenate([dst, loop])
    deg = jax.ops.segment_sum(jnp.ones(src.shape[0], dtype=x.dtype), dst, num_segments=N)
    dinv = jnp.where(deg > 0, jax.lax.rsqrt(jnp.maximum(deg, 1e-12)), 0.0)
    norm = dinv[src] * dinv[dst]
    h = x @ W
    msg = h[src] * norm[:, None]
    out = jax.ops.segment_sum(msg, dst, num_segments=N)
    return out + b


def reference(x, edge_index, batch, depth, W1, b1, W2, b2, W_out, b_out):
    h = jax.nn.relu(_gcn_conv(x, edge_index, W1, b1))
    h = jax.nn.relu(_gcn_conv(h, edge_index, W2, b2))
    sums = jax.ops.segment_sum(h, batch, num_segments=G)
    counts = jax.ops.segment_sum(jnp.ones((h.shape[0],), dtype=h.dtype), batch, num_segments=G)
    pooled = sums / jnp.maximum(counts, 1.0)[:, None]
    z = jnp.concatenate([pooled, depth[:, None]], axis=-1)
    return (z @ W_out + b_out).squeeze(-1)

if __name__ == "__main__":
    import jax
    _d = setup_inputs()
    print(jax.jit(kernel)(*tuple(_d.values())))

</pallas_src>

<mosaic_0001>
#map = affine_map<(d0, d1) -> (0, 0, 0, 0)>
#map1 = affine_map<(d0, d1) -> (0, 0)>
#map2 = affine_map<(d0, d1) -> (0, 0, 0)>
module attributes {stable_mosaic.version = 14 : i64} {
  func.func @_deg_body(%arg0: i32, %arg1: i32, %arg2: memref<2x32x80x128xi32, #tpu.memory_space<hbm>>, %arg3: memref<128x16xf32, #tpu.memory_space<hbm>>, %arg4: memref<640x16xf32, #tpu.memory_space<hbm>>, %arg5: memref<2x10240x128xf32, #tpu.memory_space<hbm>>, %arg6: memref<80x128xi32, #tpu.memory_space<vmem>>, %arg7: memref<128x16xf32, #tpu.memory_space<vmem>>, %arg8: memref<10240x16xf32, #tpu.memory_space<vmem_shared>>, %arg9: memref<!tpu.dma_semaphore, #tpu.memory_space<semaphore_mem>>) attributes {dimension_semantics = [#tpu.dimension_semantics<core_parallel>, #tpu.dimension_semantics<subcore_parallel>], iteration_bounds = array<i64: 2, 16>, scalar_prefetch = 0 : i64, scratch_operands = 4 : i64, tpu.core_type = #tpu.core_type<sc_vector_subcore>, window_params = [{transform_indices = #map}, {transform_indices = #map1}, {transform_indices = #map1}, {transform_indices = #map2}]} {
    %mul3A = arith.constant 16 : i32
    %mul3A_0 = arith.muli %arg0, %mul3A : i32
    %add3A = arith.addi %mul3A_0, %arg1 : i32
    %mul3A_1 = arith.constant 640 : i32
    %mul3A_2 = arith.muli %arg1, %mul3A_1 : i32
    "tpu.region"() ({
      %run_scoped3A_13 = tpu.sem_alloc : memref<!tpu.dma_semaphore, #tpu.memory_space<semaphore_mem>>
      %dma_start3A = arith.constant 0 : i32
      %dma_start3A_14 = tpu.memref_slice %arg8[%mul3A_2, %dma_start3A] : memref<10240x16xf32, #tpu.memory_space<vmem_shared>> -> memref<640x16xf32, #tpu.memory_space<vmem_shared>>
      tpu.enqueue_dma source(%arg4 : memref<640x16xf32, #tpu.memory_space<hbm>>) target(%dma_start3A_14 : memref<640x16xf32, #tpu.memory_space<vmem_shared>>) target_semaphore(%run_scoped3A_13 : memref<!tpu.dma_semaphore, #tpu.memory_space<semaphore_mem>>)
      %dma_wait3A = arith.constant 0 : i32
      %dma_wait3A_15 = tpu.memref_slice %arg8[%mul3A_2, %dma_wait3A] : memref<10240x16xf32, #tpu.memory_space<vmem_shared>> -> memref<640x16xf32, #tpu.memory_space<vmem_shared>>
      tpu.wait_dma2 semaphore(%run_scoped3A_13 : memref<!tpu.dma_semaphore, #tpu.memory_space<semaphore_mem>>) src(%arg4 : memref<640x16xf32, #tpu.memory_space<hbm>>) dst(%dma_wait3A_15 : memref<640x16xf32, #tpu.memory_space<vmem_shared>>)
      tpu.yield
    }) : () -> ()
    %run_scoped3A = arith.constant 1 : i32
    "tpu.region"() ({
      %run_scoped3A_13 = tpu.sem_alloc : memref<!tpu.dma_semaphore, #tpu.memory_space<semaphore_mem>>
      %dma_start3A = arith.constant 0 : i32
      %dma_start3A_14 = arith.constant 0 : i32
      %dma_start3A_15 = tpu.memref_slice %arg2[%run_scoped3A, %add3A, %dma_start3A, %dma_start3A_14] : memref<2x32x80x128xi32, #tpu.memory_space<hbm>> -> memref<1x1x80x128xi32, #tpu.memory_space<hbm>>
      %dma_start3A_16 = tpu.memref_squeeze %dma_start3A_15 : memref<1x1x80x128xi32, #tpu.memory_space<hbm>> -> memref<80x128xi32, #tpu.memory_space<hbm>>
      %dma_start3A_17 = arith.constant 0 : i32
      %dma_start3A_18 = arith.constant 0 : i32
      %dma_start3A_19 = tpu.memref_slice %arg2[%run_scoped3A, %add3A, %dma_start3A_17, %dma_start3A_18] : memref<2x32x80x128xi32, #tpu.memory_space<hbm>> -> memref<1x1x80x128xi32, #tpu.memory_space<hbm>>
      %dma_start3A_20 = tpu.memref_squeeze %dma_start3A_19 : memref<1x1x80x128xi32, #tpu.memory_space<hbm>> -> memref<80x128xi32, #tpu.memory_space<hbm>>
      tpu.enqueue_dma source(%dma_start3A_20 : memref<80x128xi32, #tpu.memory_space<hbm>>) target(%arg6 : memref<80x128xi32, #tpu.memory_space<vmem>>) target_semaphore(%run_scoped3A_13 : memref<!tpu.dma_semaphore, #tpu.memory_space<semaphore_mem>>)
      %dma_wait3A = arith.constant 0 : i32
      %dma_wait3A_21 = arith.constant 0 : i32
      %dma_wait3A_22 = tpu.memref_slice %arg2[%run_scoped3A, %add3A, %dma_wait3A, %dma_wait3A_21] : memref<2x32x80x128xi32, #tpu.memory_space<hbm>> -> memref<1x1x80x128xi32, #tpu.memory_space<hbm>>
      %dma_wait3A_23 = tpu.memref_squeeze %dma_wait3A_22 : memref<1x1x80x128xi32, #tpu.memory_space<hbm>> -> memref<80x128xi32, #tpu.memory_space<hbm>>
      %dma_wait3A_24 = arith.constant 0 : i32
      %dma_wait3A_25 = arith.constant 0 : i32
      %dma_wait3A_26 = tpu.memref_slice %arg2[%run_scoped3A, %add3A, %dma_wait3A_24, %dma_wait3A_25] : memref<2x32x80x128xi32, #tpu.memory_space<hbm>> -> memref<1x1x80x128xi32, #tpu.memory_space<hbm>>
      %dma_wait3A_27 = tpu.memref_squeeze %dma_wait3A_26 : memref<1x1x80x128xi32, #tpu.memory_space<hbm>> -> memref<80x128xi32, #tpu.memory_space<hbm>>
      tpu.wait_dma2 semaphore(%run_scoped3A_13 : memref<!tpu.dma_semaphore, #tpu.memory_space<semaphore_mem>>) src(%dma_wait3A_27 : memref<80x128xi32, #tpu.memory_space<hbm>>) dst(%arg6 : memref<80x128xi32, #tpu.memory_space<vmem>>)
      tpu.yield
    }) : () -> ()
    "tpu.region"() ({
      %run_scoped3A_13 = tpu.sem_alloc : memref<!tpu.dma_semaphore, #tpu.memory_space<semaphore_mem>>
      tpu.enqueue_dma source(%arg3 : memref<128x16xf32, #tpu.memory_space<hbm>>) target(%arg7 : memref<128x16xf32, #tpu.memory_space<vmem>>) target_semaphore(%run_scoped3A_13 : memref<!tpu.dma_semaphore, #tpu.memory_space<semaphore_mem>>)
      tpu.wait_dma2 semaphore(%run_scoped3A_13 : memref<!tpu.dma_semaphore, #tpu.memory_space<semaphore_mem>>) src(%arg3 : memref<128x16xf32, #tpu.memory_space<hbm>>) dst(%arg7 : memref<128x16xf32, #tpu.memory_space<vmem>>)
      tpu.yield
    }) : () -> ()
    %barrier3A = arith.constant 0 : index
    tpu.barrier barrier_id(%barrier3A)
    %scan3A = arith.constant 0 : i32
    %scan3A_3 = arith.constant 0 : i32
    %scan3A_4 = arith.constant 80 : i32
    %scan3A_5 = arith.addi %scan3A_3, %scan3A_4 : i32
    %scan3A_6 = arith.constant 1 : i32
    scf.for %scan3A_13 = %scan3A_3 to %scan3A_5 step %scan3A_6  : i32 {
      "tpu.region"() ({
        %run_scoped3A_14 = tpu.sem_alloc : memref<!tpu.dma_semaphore, #tpu.memory_space<semaphore_mem>>
        %dma_start3A = arith.constant 0 : i32
        %dma_start3A_15 = tpu.memref_slice %arg6[%scan3A_13, %dma_start3A] : memref<80x128xi32, #tpu.memory_space<vmem>> -> memref<1x128xi32, #tpu.memory_space<vmem>>
        %dma_start3A_16 = tpu.memref_squeeze %dma_start3A_15 : memref<1x128xi32, #tpu.memory_space<vmem>> -> memref<128xi32, #tpu.memory_space<vmem>>
        %dma_start3A_17 = arith.constant 0 : i32
        %dma_start3A_18 = arith.constant 0 : i32
        %dma_start3A_19 = tpu.memref_slice %arg8[%dma_start3A_17, %dma_start3A_18] : memref<10240x16xf32, #tpu.memory_space<vmem_shared>> -> memref<10240x16xf32, #tpu.memory_space<vmem_shared>>
        tpu.enqueue_indirect_dma source(%arg7 : memref<128x16xf32, #tpu.memory_space<vmem>>) target(%dma_start3A_19 : memref<10240x16xf32, #tpu.memory_space<vmem_shared>>) offsets(%dma_start3A_16 : memref<128xi32, #tpu.memory_space<vmem>>) semaphore(%run_scoped3A_14 : memref<!tpu.dma_semaphore, #tpu.memory_space<semaphore_mem>>) {add = true}
        %dma_wait3A = arith.constant 0 : i32
        %dma_wait3A_20 = tpu.memref_slice %arg6[%scan3A_13, %dma_wait3A] : memref<80x128xi32, #tpu.memory_space<vmem>> -> memref<1x128xi32, #tpu.memory_space<vmem>>
        %dma_wait3A_21 = tpu.memref_squeeze %dma_wait3A_20 : memref<1x128xi32, #tpu.memory_space<vmem>> -> memref<128xi32, #tpu.memory_space<vmem>>
        %dma_wait3A_22 = arith.constant 0 : i32
        %dma_wait3A_23 = arith.constant 0 : i32
        %dma_wait3A_24 = tpu.memref_slice %arg8[%dma_wait3A_22, %dma_wait3A_23] : memref<10240x16xf32, #tpu.memory_space<vmem_shared>> -> memref<10240x16xf32, #tpu.memory_space<vmem_shared>>
        tpu.wait_indirect_dma semaphore(%run_scoped3A_14 : memref<!tpu.dma_semaphore, #tpu.memory_space<semaphore_mem>>) src(%arg7 : memref<128x16xf32, #tpu.memory_space<vmem>>) dst(%dma_wait3A_24 : memref<10240x16xf32, #tpu.memory_space<vmem_shared>>)
        tpu.yield
      }) : () -> ()
    }
    %scan3A_7 = arith.constant 80 : i32
    %barrier3A_8 = arith.constant 0 : index
    tpu.barrier barrier_id(%barrier3A_8)
    %mul3A_9 = arith.constant 640 : i32
    %mul3A_10 = arith.muli %arg1, %mul3A_9 : i32
    %mul3A_11 = arith.constant 640 : i32
    %mul3A_12 = arith.muli %arg1, %mul3A_11 : i32
    "tpu.region"() ({
      %run_scoped3A_13 = tpu.sem_alloc : memref<!tpu.dma_semaphore, #tpu.memory_space<semaphore_mem>>
      %dma_start3A = arith.constant 0 : i32
      %dma_start3A_14 = tpu.memref_slice %arg5[%arg0, %mul3A_12, %dma_start3A] : memref<2x10240x128xf32, #tpu.memory_space<hbm>> -> memref<1x640x16xf32, #tpu.memory_space<hbm>>
      %dma_start3A_15 = tpu.memref_squeeze %dma_start3A_14 : memref<1x640x16xf32, #tpu.memory_space<hbm>> -> memref<640x16xf32, #tpu.memory_space<hbm>>
      %dma_start3A_16 = arith.constant 0 : i32
      %dma_start3A_17 = tpu.memref_slice %arg8[%mul3A_10, %dma_start3A_16] : memref<10240x16xf32, #tpu.memory_space<vmem_shared>> -> memref<640x16xf32, #tpu.memory_space<vmem_shared>>
      tpu.enqueue_dma source(%dma_start3A_17 : memref<640x16xf32, #tpu.memory_space<vmem_shared>>) target(%dma_start3A_15 : memref<640x16xf32, #tpu.memory_space<hbm>>) target_semaphore(%run_scoped3A_13 : memref<!tpu.dma_semaphore, #tpu.memory_space<semaphore_mem>>)
      %dma_wait3A = arith.constant 0 : i32
      %dma_wait3A_18 = tpu.memref_slice %arg5[%arg0, %mul3A_12, %dma_wait3A] : memref<2x10240x128xf32, #tpu.memory_space<hbm>> -> memref<1x640x16xf32, #tpu.memory_space<hbm>>
      %dma_wait3A_19 = tpu.memref_squeeze %dma_wait3A_18 : memref<1x640x16xf32, #tpu.memory_space<hbm>> -> memref<640x16xf32, #tpu.memory_space<hbm>>
      %dma_wait3A_20 = arith.constant 0 : i32
      %dma_wait3A_21 = tpu.memref_slice %arg8[%mul3A_10, %dma_wait3A_20] : memref<10240x16xf32, #tpu.memory_space<vmem_shared>> -> memref<640x16xf32, #tpu.memory_space<vmem_shared>>
      tpu.wait_dma2 semaphore(%run_scoped3A_13 : memref<!tpu.dma_semaphore, #tpu.memory_space<semaphore_mem>>) src(%dma_wait3A_21 : memref<640x16xf32, #tpu.memory_space<vmem_shared>>) dst(%dma_wait3A_19 : memref<640x16xf32, #tpu.memory_space<hbm>>)
      tpu.yield
    }) : () -> ()
    return
  }
}

#map = affine_map<(d0, d1) -> (0, 0, 0, 0)>
#map1 = affine_map<(d0, d1) -> (0, 0)>
#map2 = affine_map<(d0, d1) -> (0, 0, 0)>
module attributes {stable_mosaic.version = 14 : i64} {
  func.func @_mp_body(%arg0: i32, %arg1: i32, %arg2: memref<2x32x80x128xi32, #tpu.memory_space<hbm>>, %arg3: memref<10240x64xf32, #tpu.memory_space<hbm>>, %arg4: memref<640x64xf32, #tpu.memory_space<hbm>>, %arg5: memref<2x10240x128xf32, #tpu.memory_space<hbm>>, %arg6: memref<80x128xi32, #tpu.memory_space<vmem>>, %arg7: memref<80x128xi32, #tpu.memory_space<vmem>>, %arg8: memref<128x64xf32, #tpu.memory_space<vmem>>, %arg9: memref<128x64xf32, #tpu.memory_space<vmem>>, %arg10: memref<128x64xf32, #tpu.memory_space<vmem>>, %arg11: memref<128x64xf32, #tpu.memory_space<vmem>>, %arg12: memref<128x64xf32, #tpu.memory_space<vmem>>, %arg13: memref<128x64xf32, #tpu.memory_space<vmem>>, %arg14: memref<128x64xf32, #tpu.memory_space<vmem>>, %arg15: memref<128x64xf32, #tpu.memory_space<vmem>>, %arg16: memref<10240x64xf32, #tpu.memory_space<vmem_shared>>, %arg17: memref<!tpu.dma_semaphore, #tpu.memory_space<semaphore_mem>>, %arg18: memref<!tpu.dma_semaphore, #tpu.memory_space<semaphore_mem>>) attributes {dimension_semantics = [#tpu.dimension_semantics<core_parallel>, #tpu.dimension_semantics<subcore_parallel>], iteration_bounds = array<i64: 2, 16>, scalar_prefetch = 0 : i64, scratch_operands = 13 : i64, tpu.core_type = #tpu.core_type<sc_vector_subcore>, window_params = [{transform_indices = #map}, {transform_indices = #map1}, {transform_indices = #map1}, {transform_indices = #map2}]} {
    %mul3A = arith.constant 16 : i32
    %mul3A_0 = arith.muli %arg0, %mul3A : i32
    %add3A = arith.addi %mul3A_0, %arg1 : i32
    %mul3A_1 = arith.constant 640 : i32
    %mul3A_2 = arith.muli %arg1, %mul3A_1 : i32
    "tpu.region"() ({
      %run_scoped3A_69 = tpu.sem_alloc : memref<!tpu.dma_semaphore, #tpu.memory_space<semaphore_mem>>
      %dma_start3A_70 = arith.constant 0 : i32
      %dma_start3A_71 = tpu.memref_slice %arg16[%mul3A_2, %dma_start3A_70] : memref<10240x64xf32, #tpu.memory_space<vmem_shared>> -> memref<640x64xf32, #tpu.memory_space<vmem_shared>>
      tpu.enqueue_dma source(%arg4 : memref<640x64xf32, #tpu.memory_space<hbm>>) target(%dma_start3A_71 : memref<640x64xf32, #tpu.memory_space<vmem_shared>>) target_semaphore(%run_scoped3A_69 : memref<!tpu.dma_semaphore, #tpu.memory_space<semaphore_mem>>)
      %dma_wait3A = arith.constant 0 : i32
      %dma_wait3A_72 = tpu.memref_slice %arg16[%mul3A_2, %dma_wait3A] : memref<10240x64xf32, #tpu.memory_space<vmem_shared>> -> memref<640x64xf32, #tpu.memory_space<vmem_shared>>
      tpu.wait_dma2 semaphore(%run_scoped3A_69 : memref<!tpu.dma_semaphore, #tpu.memory_space<semaphore_mem>>) src(%arg4 : memref<640x64xf32, #tpu.memory_space<hbm>>) dst(%dma_wait3A_72 : memref<640x64xf32, #tpu.memory_space<vmem_shared>>)
      tpu.yield
    }) : () -> ()
    %run_scoped3A = arith.constant 0 : i32
    "tpu.region"() ({
      %run_scoped3A_69 = tpu.sem_alloc : memref<!tpu.dma_semaphore, #tpu.memory_space<semaphore_mem>>
      %dma_start3A_70 = arith.constant 0 : i32
      %dma_start3A_71 = arith.constant 0 : i32
      %dma_start3A_72 = tpu.memref_slice %arg2[%run_scoped3A, %add3A, %dma_start3A_70, %dma_start3A_71] : memref<2x32x80x128xi32, #tpu.memory_space<hbm>> -> memref<1x1x80x128xi32, #tpu.memory_space<hbm>>
      %dma_start3A_73 = tpu.memref_squeeze %dma_start3A_72 : memref<1x1x80x128xi32, #tpu.memory_space<hbm>> -> memref<80x128xi32, #tpu.memory_space<hbm>>
      %dma_start3A_74 = arith.constant 0 : i32
      %dma_start3A_75 = arith.constant 0 : i32
      %dma_start3A_76 = tpu.memref_slice %arg2[%run_scoped3A, %add3A, %dma_start3A_74, %dma_start3A_75] : memref<2x32x80x128xi32, #tpu.memory_space<hbm>> -> memref<1x1x80x128xi32, #tpu.memory_space<hbm>>
      %dma_start3A_77 = tpu.memref_squeeze %dma_start3A_76 : memref<1x1x80x128xi32, #tpu.memory_space<hbm>> -> memref<80x128xi32, #tpu.memory_space<hbm>>
      tpu.enqueue_dma source(%dma_start3A_77 : memref<80x128xi32, #tpu.memory_space<hbm>>) target(%arg6 : memref<80x128xi32, #tpu.memory_space<vmem>>) target_semaphore(%run_scoped3A_69 : memref<!tpu.dma_semaphore, #tpu.memory_space<semaphore_mem>>)
      %dma_wait3A = arith.constant 0 : i32
      %dma_wait3A_78 = arith.constant 0 : i32
      %dma_wait3A_79 = tpu.memref_slice %arg2[%run_scoped3A, %add3A, %dma_wait3A, %dma_wait3A_78] : memref<2x32x80x128xi32, #tpu.memory_space<hbm>> -> memref<1x1x80x128xi32, #tpu.memory_space<hbm>>
      %dma_wait3A_80 = tpu.memref_squeeze %dma_wait3A_79 : memref<1x1x80x128xi32, #tpu.memory_space<hbm>> -> memref<80x128xi32, #tpu.memory_space<hbm>>
      %dma_wait3A_81 = arith.constant 0 : i32
      %dma_wait3A_82 = arith.constant 0 : i32
      %dma_wait3A_83 = tpu.memref_slice %arg2[%run_scoped3A, %add3A, %dma_wait3A_81, %dma_wait3A_82] : memref<2x32x80x128xi32, #tpu.memory_space<hbm>> -> memref<1x1x80x128xi32, #tpu.memory_space<hbm>>
      %dma_wait3A_84 = tpu.memref_squeeze %dma_wait3A_83 : memref<1x1x80x128xi32, #tpu.memory_space<hbm>> -> memref<80x128xi32, #tpu.memory_space<hbm>>
      tpu.wait_dma2 semaphore(%run_scoped3A_69 : memref<!tpu.dma_semaphore, #tpu.memory_space<semaphore_mem>>) src(%dma_wait3A_84 : memref<80x128xi32, #tpu.memory_space<hbm>>) dst(%arg6 : memref<80x128xi32, #tpu.memory_space<vmem>>)
      tpu.yield
    }) : () -> ()
    %run_scoped3A_3 = arith.constant 1 : i32
    "tpu.region"() ({
      %run_scoped3A_69 = tpu.sem_alloc : memref<!tpu.dma_semaphore, #tpu.memory_space<semaphore_mem>>
      %dma_start3A_70 = arith.constant 0 : i32
      %dma_start3A_71 = arith.constant 0 : i32
      %dma_start3A_72 = tpu.memref_slice %arg2[%run_scoped3A_3, %add3A, %dma_start3A_70, %dma_start3A_71] : memref<2x32x80x128xi32, #tpu.memory_space<hbm>> -> memref<1x1x80x128xi32, #tpu.memory_space<hbm>>
      %dma_start3A_73 = tpu.memref_squeeze %dma_start3A_72 : memref<1x1x80x128xi32, #tpu.memory_space<hbm>> -> memref<80x128xi32, #tpu.memory_space<hbm>>
      %dma_start3A_74 = arith.constant 0 : i32
      %dma_start3A_75 = arith.constant 0 : i32
      %dma_start3A_76 = tpu.memref_slice %arg2[%run_scoped3A_3, %add3A, %dma_start3A_74, %dma_start3A_75] : memref<2x32x80x128xi32, #tpu.memory_space<hbm>> -> memref<1x1x80x128xi32, #tpu.memory_space<hbm>>
      %dma_start3A_77 = tpu.memref_squeeze %dma_start3A_76 : memref<1x1x80x128xi32, #tpu.memory_space<hbm>> -> memref<80x128xi32, #tpu.memory_space<hbm>>
      tpu.enqueue_dma source(%dma_start3A_77 : memref<80x128xi32, #tpu.memory_space<hbm>>) target(%arg7 : memref<80x128xi32, #tpu.memory_space<vmem>>) target_semaphore(%run_scoped3A_69 : memref<!tpu.dma_semaphore, #tpu.memory_space<semaphore_mem>>)
      %dma_wait3A = arith.constant 0 : i32
      %dma_wait3A_78 = arith.constant 0 : i32
      %dma_wait3A_79 = tpu.memref_slice %arg2[%run_scoped3A_3, %add3A, %dma_wait3A, %dma_wait3A_78] : memref<2x32x80x128xi32, #tpu.memory_space<hbm>> -> memref<1x1x80x128xi32, #tpu.memory_space<hbm>>
      %dma_wait3A_80 = tpu.memref_squeeze %dma_wait3A_79 : memref<1x1x80x128xi32, #tpu.memory_space<hbm>> -> memref<80x128xi32, #tpu.memory_space<hbm>>
      %dma_wait3A_81 = arith.constant 0 : i32
      %dma_wait3A_82 = arith.constant 0 : i32
      %dma_wait3A_83 = tpu.memref_slice %arg2[%run_scoped3A_3, %add3A, %dma_wait3A_81, %dma_wait3A_82] : memref<2x32x80x128xi32, #tpu.memory_space<hbm>> -> memref<1x1x80x128xi32, #tpu.memory_space<hbm>>
      %dma_wait3A_84 = tpu.memref_squeeze %dma_wait3A_83 : memref<1x1x80x128xi32, #tpu.memory_space<hbm>> -> memref<80x128xi32, #tpu.memory_space<hbm>>
      tpu.wait_dma2 semaphore(%run_scoped3A_69 : memref<!tpu.dma_semaphore, #tpu.memory_space<semaphore_mem>>) src(%dma_wait3A_84 : memref<80x128xi32, #tpu.memory_space<hbm>>) dst(%arg7 : memref<80x128xi32, #tpu.memory_space<vmem>>)
      tpu.yield
    }) : () -> ()
    %barrier3A = arith.constant 0 : index
    tpu.barrier barrier_id(%barrier3A)
    %dma_start3A = arith.constant 0 : i32
    %dma_start3A_4 = arith.constant 0 : i32
    %dma_start3A_5 = tpu.memref_slice %arg6[%dma_start3A, %dma_start3A_4] : memref<80x128xi32, #tpu.memory_space<vmem>> -> memref<1x128xi32, #tpu.memory_space<vmem>>
    %dma_start3A_6 = tpu.memref_squeeze %dma_start3A_5 : memref<1x128xi32, #tpu.memory_space<vmem>> -> memref<128xi32, #tpu.memory_space<vmem>>
    %dma_start3A_7 = arith.constant 0 : i32
    %dma_start3A_8 = arith.constant 0 : i32
    %dma_start3A_9 = tpu.memref_slice %arg3[%dma_start3A_7, %dma_start3A_8] : memref<10240x64xf32, #tpu.memory_space<hbm>> -> memref<10240x64xf32, #tpu.memory_space<hbm>>
    tpu.enqueue_indirect_dma source(%dma_start3A_9 : memref<10240x64xf32, #tpu.memory_space<hbm>>) target(%arg8 : memref<128x64xf32, #tpu.memory_space<vmem>>) offsets(%dma_start3A_6 : memref<128xi32, #tpu.memory_space<vmem>>) semaphore(%arg17 : memref<!tpu.dma_semaphore, #tpu.memory_space<semaphore_mem>>)
    %dma_start3A_10 = arith.constant 1 : i32
    %dma_start3A_11 = arith.constant 0 : i32
    %dma_start3A_12 = tpu.memref_slice %arg6[%dma_start3A_10, %dma_start3A_11] : memref<80x128xi32, #tpu.memory_space<vmem>> -> memref<1x128xi32, #tpu.memory_space<vmem>>
    %dma_start3A_13 = tpu.memref_squeeze %dma_start3A_12 : memref<1x128xi32, #tpu.memory_space<vmem>> -> memref<128xi32, #tpu.memory_space<vmem>>
    %dma_start3A_14 = arith.constant 0 : i32
    %dma_start3A_15 = arith.constant 0 : i32
    %dma_start3A_16 = tpu.memref_slice %arg3[%dma_start3A_14, %dma_start3A_15] : memref<10240x64xf32, #tpu.memory_space<hbm>> -> memref<10240x64xf32, #tpu.memory_space<hbm>>
    tpu.enqueue_indirect_dma source(%dma_start3A_16 : memref<10240x64xf32, #tpu.memory_space<hbm>>) target(%arg9 : memref<128x64xf32, #tpu.memory_space<vmem>>) offsets(%dma_start3A_13 : memref<128xi32, #tpu.memory_space<vmem>>) semaphore(%arg17 : memref<!tpu.dma_semaphore, #tpu.memory_space<semaphore_mem>>)
    %dma_start3A_17 = arith.constant 2 : i32
    %dma_start3A_18 = arith.constant 0 : i32
    %dma_start3A_19 = tpu.memref_slice %arg6[%dma_start3A_17, %dma_start3A_18] : memref<80x128xi32, #tpu.memory_space<vmem>> -> memref<1x128xi32, #tpu.memory_space<vmem>>
    %dma_start3A_20 = tpu.memref_squeeze %dma_start3A_19 : memref<1x128xi32, #tpu.memory_space<vmem>> -> memref<128xi32, #tpu.memory_space<vmem>>
    %dma_start3A_21 = arith.constant 0 : i32
    %dma_start3A_22 = arith.constant 0 : i32
    %dma_start3A_23 = tpu.memref_slice %arg3[%dma_start3A_21, %dma_start3A_22] : memref<10240x64xf32, #tpu.memory_space<hbm>> -> memref<10240x64xf32, #tpu.memory_space<hbm>>
    tpu.enqueue_indirect_dma source(%dma_start3A_23 : memref<10240x64xf32, #tpu.memory_space<hbm>>) target(%arg10 : memref<128x64xf32, #tpu.memory_space<vmem>>) offsets(%dma_start3A_20 : memref<128xi32, #tpu.memory_space<vmem>>) semaphore(%arg17 : memref<!tpu.dma_semaphore, #tpu.memory_space<semaphore_mem>>)
    %dma_start3A_24 = arith.constant 3 : i32
    %dma_start3A_25 = arith.constant 0 : i32
    %dma_start3A_26 = tpu.memref_slice %arg6[%dma_start3A_24, %dma_start3A_25] : memref<80x128xi32, #tpu.memory_space<vmem>> -> memref<1x128xi32, #tpu.memory_space<vmem>>
    %dma_start3A_27 = tpu.memref_squeeze %dma_start3A_26 : memref<1x128xi32, #tpu.memory_space<vmem>> -> memref<128xi32, #tpu.memory_space<vmem>>
    %dma_start3A_28 = arith.constant 0 : i32
    %dma_start3A_29 = arith.constant 0 : i32
    %dma_start3A_30 = tpu.memref_slice %arg3[%dma_start3A_28, %dma_start3A_29] : memref<10240x64xf32, #tpu.memory_space<hbm>> -> memref<10240x64xf32, #tpu.memory_space<hbm>>
    tpu.enqueue_indirect_dma source(%dma_start3A_30 : memref<10240x64xf32, #tpu.memory_space<hbm>>) target(%arg11 : memref<128x64xf32, #tpu.memory_space<vmem>>) offsets(%dma_start3A_27 : memref<128xi32, #tpu.memory_space<vmem>>) semaphore(%arg17 : memref<!tpu.dma_semaphore, #tpu.memory_space<semaphore_mem>>)
    %dma_start3A_31 = arith.constant 4 : i32
    %dma_start3A_32 = arith.constant 0 : i32
    %dma_start3A_33 = tpu.memref_slice %arg6[%dma_start3A_31, %dma_start3A_32] : memref<80x128xi32, #tpu.memory_space<vmem>> -> memref<1x128xi32, #tpu.memory_space<vmem>>
    %dma_start3A_34 = tpu.memref_squeeze %dma_start3A_33 : memref<1x128xi32, #tpu.memory_space<vmem>> -> memref<128xi32, #tpu.memory_space<vmem>>
    %dma_start3A_35 = arith.constant 0 : i32
    %dma_start3A_36 = arith.constant 0 : i32
    %dma_start3A_37 = tpu.memref_slice %arg3[%dma_start3A_35, %dma_start3A_36] : memref<10240x64xf32, #tpu.memory_space<hbm>> -> memref<10240x64xf32, #tpu.memory_space<hbm>>
    tpu.enqueue_indirect_dma source(%dma_start3A_37 : memref<10240x64xf32, #tpu.memory_space<hbm>>) target(%arg12 : memref<128x64xf32, #tpu.memory_space<vmem>>) offsets(%dma_start3A_34 : memref<128xi32, #tpu.memory_space<vmem>>) semaphore(%arg17 : memref<!tpu.dma_semaphore, #tpu.memory_space<semaphore_mem>>)
    %dma_start3A_38 = arith.constant 5 : i32
    %dma_start3A_39 = arith.constant 0 : i32
    %dma_start3A_40 = tpu.memref_slice %arg6[%dma_start3A_38, %dma_start3A_39] : memref<80x128xi32, #tpu.memory_space<vmem>> -> memref<1x128xi32, #tpu.memory_space<vmem>>
    %dma_start3A_41 = tpu.memref_squeeze %dma_start3A_40 : memref<1x128xi32, #tpu.memory_space<vmem>> -> memref<128xi32, #tpu.memory_space<vmem>>
    %dma_start3A_42 = arith.constant 0 : i32
    %dma_start3A_43 = arith.constant 0 : i32
    %dma_start3A_44 = tpu.memref_slice %arg3[%dma_start3A_42, %dma_start3A_43] : memref<10240x64xf32, #tpu.memory_space<hbm>> -> memref<10240x64xf32, #tpu.memory_space<hbm>>
    tpu.enqueue_indirect_dma source(%dma_start3A_44 : memref<10240x64xf32, #tpu.memory_space<hbm>>) target(%arg13 : memref<128x64xf32, #tpu.memory_space<vmem>>) offsets(%dma_start3A_41 : memref<128xi32, #tpu.memory_space<vmem>>) semaphore(%arg17 : memref<!tpu.dma_semaphore, #tpu.memory_space<semaphore_mem>>)
    %dma_start3A_45 = arith.constant 6 : i32
    %dma_start3A_46 = arith.constant 0 : i32
    %dma_start3A_47 = tpu.memref_slice %arg6[%dma_start3A_45, %dma_start3A_46] : memref<80x128xi32, #tpu.memory_space<vmem>> -> memref<1x128xi32, #tpu.memory_space<vmem>>
    %dma_start3A_48 = tpu.memref_squeeze %dma_start3A_47 : memref<1x128xi32, #tpu.memory_space<vmem>> -> memref<128xi32, #tpu.memory_space<vmem>>
    %dma_start3A_49 = arith.constant 0 : i32
    %dma_start3A_50 = arith.constant 0 : i32
    %dma_start3A_51 = tpu.memref_slice %arg3[%dma_start3A_49, %dma_start3A_50] : memref<10240x64xf32, #tpu.memory_space<hbm>> -> memref<10240x64xf32, #tpu.memory_space<hbm>>
    tpu.enqueue_indirect_dma source(%dma_start3A_51 : memref<10240x64xf32, #tpu.memory_space<hbm>>) target(%arg14 : memref<128x64xf32, #tpu.memory_space<vmem>>) offsets(%dma_start3A_48 : memref<128xi32, #tpu.memory_space<vmem>>) semaphore(%arg17 : memref<!tpu.dma_semaphore, #tpu.memory_space<semaphore_mem>>)
    %dma_start3A_52 = arith.constant 7 : i32
    %dma_start3A_53 = arith.constant 0 : i32
    %dma_start3A_54 = tpu.memref_slice %arg6[%dma_start3A_52, %dma_start3A_53] : memref<80x128xi32, #tpu.memory_space<vmem>> -> memref<1x128xi32, #tpu.memory_space<vmem>>
    %dma_start3A_55 = tpu.memref_squeeze %dma_start3A_54 : memref<1x128xi32, #tpu.memory_space<vmem>> -> memref<128xi32, #tpu.memory_space<vmem>>
    %dma_start3A_56 = arith.constant 0 : i32
    %dma_start3A_57 = arith.constant 0 : i32
    %dma_start3A_58 = tpu.memref_slice %arg3[%dma_start3A_56, %dma_start3A_57] : memref<10240x64xf32, #tpu.memory_space<hbm>> -> memref<10240x64xf32, #tpu.memory_space<hbm>>
    tpu.enqueue_indirect_dma source(%dma_start3A_58 : memref<10240x64xf32, #tpu.memory_space<hbm>>) target(%arg15 : memref<128x64xf32, #tpu.memory_space<vmem>>) offsets(%dma_start3A_55 : memref<128xi32, #tpu.memory_space<vmem>>) semaphore(%arg17 : memref<!tpu.dma_semaphore, #tpu.memory_space<semaphore_mem>>)
    %scan3A = arith.constant 0 : i32
    %scan3A_59 = arith.constant 0 : i32
    %scan3A_60 = arith.constant 10 : i32
    %scan3A_61 = arith.addi %scan3A_59, %scan3A_60 : i32
    %scan3A_62 = arith.constant 1 : i32
    scf.for %scan3A_69 = %scan3A_59 to %scan3A_61 step %scan3A_62  : i32 {
      %mul3A_70 = arith.constant 8 : i32
      %mul3A_71 = arith.muli %scan3A_69, %mul3A_70 : i32
      %add3A_72 = arith.constant 0 : i32
      %add3A_73 = arith.addi %mul3A_71, %add3A_72 : i32
      %dma_wait3A = arith.constant 0 : i32
      %dma_wait3A_74 = tpu.memref_slice %arg6[%add3A_73, %dma_wait3A] : memref<80x128xi32, #tpu.memory_space<vmem>> -> memref<1x128xi32, #tpu.memory_space<vmem>>
      %dma_wait3A_75 = tpu.memref_squeeze %dma_wait3A_74 : memref<1x128xi32, #tpu.memory_space<vmem>> -> memref<128xi32, #tpu.memory_space<vmem>>
      %dma_wait3A_76 = arith.constant 0 : i32
      %dma_wait3A_77 = arith.constant 0 : i32
      %dma_wait3A_78 = tpu.memref_slice %arg3[%dma_wait3A_76, %dma_wait3A_77] : memref<10240x64xf32, #tpu.memory_space<hbm>> -> memref<10240x64xf32, #tpu.memory_space<hbm>>
      tpu.wait_indirect_dma semaphore(%arg17 : memref<!tpu.dma_semaphore, #tpu.memory_space<semaphore_mem>>) src(%dma_wait3A_78 : memref<10240x64xf32, #tpu.memory_space<hbm>>) dst(%arg8 : memref<128x64xf32, #tpu.memory_space<vmem>>)
      %dma_start3A_79 = arith.constant 0 : i32
      %dma_start3A_80 = tpu.memref_slice %arg7[%add3A_73, %dma_start3A_79] : memref<80x128xi32, #tpu.memory_space<vmem>> -> memref<1x128xi32, #tpu.memory_space<vmem>>
      %dma_start3A_81 = tpu.memref_squeeze %dma_start3A_80 : memref<1x128xi32, #tpu.memory_space<vmem>> -> memref<128xi32, #tpu.memory_space<vmem>>
      %dma_start3A_82 = arith.constant 0 : i32
      %dma_start3A_83 = arith.constant 0 : i32
      %dma_start3A_84 = tpu.memref_slice %arg16[%dma_start3A_82, %dma_start3A_83] : memref<10240x64xf32, #tpu.memory_space<vmem_shared>> -> memref<10240x64xf32, #tpu.memory_space<vmem_shared>>
      tpu.enqueue_indirect_dma source(%arg8 : memref<128x64xf32, #tpu.memory_space<vmem>>) target(%dma_start3A_84 : memref<10240x64xf32, #tpu.memory_space<vmem_shared>>) offsets(%dma_start3A_81 : memref<128xi32, #tpu.memory_space<vmem>>) semaphore(%arg18 : memref<!tpu.dma_semaphore, #tpu.memory_space<semaphore_mem>>) {add = true}
      %add3A_85 = arith.constant 1 : i32
      %add3A_86 = arith.addi %mul3A_71, %add3A_85 : i32
      %dma_wait3A_87 = arith.constant 0 : i32
      %dma_wait3A_88 = tpu.memref_slice %arg6[%add3A_86, %dma_wait3A_87] : memref<80x128xi32, #tpu.memory_space<vmem>> -> memref<1x128xi32, #tpu.memory_space<vmem>>
      %dma_wait3A_89 = tpu.memref_squeeze %dma_wait3A_88 : memref<1x128xi32, #tpu.memory_space<vmem>> -> memref<128xi32, #tpu.memory_space<vmem>>
      %dma_wait3A_90 = arith.constant 0 : i32
      %dma_wait3A_91 = arith.constant 0 : i32
      %dma_wait3A_92 = tpu.memref_slice %arg3[%dma_wait3A_90, %dma_wait3A_91] : memref<10240x64xf32, #tpu.memory_space<hbm>> -> memref<10240x64xf32, #tpu.memory_space<hbm>>
      tpu.wait_indirect_dma semaphore(%arg17 : memref<!tpu.dma_semaphore, #tpu.memory_space<semaphore_mem>>) src(%dma_wait3A_92 : memref<10240x64xf32, #tpu.memory_space<hbm>>) dst(%arg9 : memref<128x64xf32, #tpu.memory_space<vmem>>)
      %dma_start3A_93 = arith.constant 0 : i32
      %dma_start3A_94 = tpu.memref_slice %arg7[%add3A_86, %dma_start3A_93] : memref<80x128xi32, #tpu.memory_space<vmem>> -> memref<1x128xi32, #tpu.memory_space<vmem>>
      %dma_start3A_95 = tpu.memref_squeeze %dma_start3A_94 : memref<1x128xi32, #tpu.memory_space<vmem>> -> memref<128xi32, #tpu.memory_space<vmem>>
      %dma_start3A_96 = arith.constant 0 : i32
      %dma_start3A_97 = arith.constant 0 : i32
      %dma_start3A_98 = tpu.memref_slice %arg16[%dma_start3A_96, %dma_start3A_97] : memref<10240x64xf32, #tpu.memory_space<vmem_shared>> -> memref<10240x64xf32, #tpu.memory_space<vmem_shared>>
      tpu.enqueue_indirect_dma source(%arg9 : memref<128x64xf32, #tpu.memory_space<vmem>>) target(%dma_start3A_98 : memref<10240x64xf32, #tpu.memory_space<vmem_shared>>) offsets(%dma_start3A_95 : memref<128xi32, #tpu.memory_space<vmem>>) semaphore(%arg18 : memref<!tpu.dma_semaphore, #tpu.memory_space<semaphore_mem>>) {add = true}
      %add3A_99 = arith.constant 2 : i32
      %add3A_100 = arith.addi %mul3A_71, %add3A_99 : i32
      %dma_wait3A_101 = arith.constant 0 : i32
      %dma_wait3A_102 = tpu.memref_slice %arg6[%add3A_100, %dma_wait3A_101] : memref<80x128xi32, #tpu.memory_space<vmem>> -> memref<1x128xi32, #tpu.memory_space<vmem>>
      %dma_wait3A_103 = tpu.memref_squeeze %dma_wait3A_102 : memref<1x128xi32, #tpu.memory_space<vmem>> -> memref<128xi32, #tpu.memory_space<vmem>>
      %dma_wait3A_104 = arith.constant 0 : i32
      %dma_wait3A_105 = arith.constant 0 : i32
      %dma_wait3A_106 = tpu.memref_slice %arg3[%dma_wait3A_104, %dma_wait3A_105] : memref<10240x64xf32, #tpu.memory_space<hbm>> -> memref<10240x64xf32, #tpu.memory_space<hbm>>
      tpu.wait_indirect_dma semaphore(%arg17 : memref<!tpu.dma_semaphore, #tpu.memory_space<semaphore_mem>>) src(%dma_wait3A_106 : memref<10240x64xf32, #tpu.memory_space<hbm>>) dst(%arg10 : memref<128x64xf32, #tpu.memory_space<vmem>>)
      %dma_start3A_107 = arith.constant 0 : i32
      %dma_start3A_108 = tpu.memref_slice %arg7[%add3A_100, %dma_start3A_107] : memref<80x128xi32, #tpu.memory_space<vmem>> -> memref<1x128xi32, #tpu.memory_space<vmem>>
      %dma_start3A_109 = tpu.memref_squeeze %dma_start3A_108 : memref<1x128xi32, #tpu.memory_space<vmem>> -> memref<128xi32, #tpu.memory_space<vmem>>
      %dma_start3A_110 = arith.constant 0 : i32
      %dma_start3A_111 = arith.constant 0 : i32
      %dma_start3A_112 = tpu.memref_slice %arg16[%dma_start3A_110, %dma_start3A_111] : memref<10240x64xf32, #tpu.memory_space<vmem_shared>> -> memref<10240x64xf32, #tpu.memory_space<vmem_shared>>
      tpu.enqueue_indirect_dma source(%arg10 : memref<128x64xf32, #tpu.memory_space<vmem>>) target(%dma_start3A_112 : memref<10240x64xf32, #tpu.memory_space<vmem_shared>>) offsets(%dma_start3A_109 : memref<128xi32, #tpu.memory_space<vmem>>) semaphore(%arg18 : memref<!tpu.dma_semaphore, #tpu.memory_space<semaphore_mem>>) {add = true}
      %add3A_113 = arith.constant 3 : i32
      %add3A_114 = arith.addi %mul3A_71, %add3A_113 : i32
      %dma_wait3A_115 = arith.constant 0 : i32
      %dma_wait3A_116 = tpu.memref_slice %arg6[%add3A_114, %dma_wait3A_115] : memref<80x128xi32, #tpu.memory_space<vmem>> -> memref<1x128xi32, #tpu.memory_space<vmem>>
      %dma_wait3A_117 = tpu.memref_squeeze %dma_wait3A_116 : memref<1x128xi32, #tpu.memory_space<vmem>> -> memref<128xi32, #tpu.memory_space<vmem>>
      %dma_wait3A_118 = arith.constant 0 : i32
      %dma_wait3A_119 = arith.constant 0 : i32
      %dma_wait3A_120 = tpu.memref_slice %arg3[%dma_wait3A_118, %dma_wait3A_119] : memref<10240x64xf32, #tpu.memory_space<hbm>> -> memref<10240x64xf32, #tpu.memory_space<hbm>>
      tpu.wait_indirect_dma semaphore(%arg17 : memref<!tpu.dma_semaphore, #tpu.memory_space<semaphore_mem>>) src(%dma_wait3A_120 : memref<10240x64xf32, #tpu.memory_space<hbm>>) dst(%arg11 : memref<128x64xf32, #tpu.memory_space<vmem>>)
      %dma_start3A_121 = arith.constant 0 : i32
      %dma_start3A_122 = tpu.memref_slice %arg7[%add3A_114, %dma_start3A_121] : memref<80x128xi32, #tpu.memory_space<vmem>> -> memref<1x128xi32, #tpu.memory_space<vmem>>
      %dma_start3A_123 = tpu.memref_squeeze %dma_start3A_122 : memref<1x128xi32, #tpu.memory_space<vmem>> -> memref<128xi32, #tpu.memory_space<vmem>>
      %dma_start3A_124 = arith.constant 0 : i32
      %dma_start3A_125 = arith.constant 0 : i32
      %dma_start3A_126 = tpu.memref_slice %arg16[%dma_start3A_124, %dma_start3A_125] : memref<10240x64xf32, #tpu.memory_space<vmem_shared>> -> memref<10240x64xf32, #tpu.memory_space<vmem_shared>>
      tpu.enqueue_indirect_dma source(%arg11 : memref<128x64xf32, #tpu.memory_space<vmem>>) target(%dma_start3A_126 : memref<10240x64xf32, #tpu.memory_space<vmem_shared>>) offsets(%dma_start3A_123 : memref<128xi32, #tpu.memory_space<vmem>>) semaphore(%arg18 : memref<!tpu.dma_semaphore, #tpu.memory_space<semaphore_mem>>) {add = true}
      %add3A_127 = arith.constant 4 : i32
      %add3A_128 = arith.addi %mul3A_71, %add3A_127 : i32
      %dma_wait3A_129 = arith.constant 0 : i32
      %dma_wait3A_130 = tpu.memref_slice %arg6[%add3A_128, %dma_wait3A_129] : memref<80x128xi32, #tpu.memory_space<vmem>> -> memref<1x128xi32, #tpu.memory_space<vmem>>
      %dma_wait3A_131 = tpu.memref_squeeze %dma_wait3A_130 : memref<1x128xi32, #tpu.memory_space<vmem>> -> memref<128xi32, #tpu.memory_space<vmem>>
      %dma_wait3A_132 = arith.constant 0 : i32
      %dma_wait3A_133 = arith.constant 0 : i32
      %dma_wait3A_134 = tpu.memref_slice %arg3[%dma_wait3A_132, %dma_wait3A_133] : memref<10240x64xf32, #tpu.memory_space<hbm>> -> memref<10240x64xf32, #tpu.memory_space<hbm>>
      tpu.wait_indirect_dma semaphore(%arg17 : memref<!tpu.dma_semaphore, #tpu.memory_space<semaphore_mem>>) src(%dma_wait3A_134 : memref<10240x64xf32, #tpu.memory_space<hbm>>) dst(%arg12 : memref<128x64xf32, #tpu.memory_space<vmem>>)
      %dma_start3A_135 = arith.constant 0 : i32
      %dma_start3A_136 = tpu.memref_slice %arg7[%add3A_128, %dma_start3A_135] : memref<80x128xi32, #tpu.memory_space<vmem>> -> memref<1x128xi32, #tpu.memory_space<vmem>>
      %dma_start3A_137 = tpu.memref_squeeze %dma_start3A_136 : memref<1x128xi32, #tpu.memory_space<vmem>> -> memref<128xi32, #tpu.memory_space<vmem>>
      %dma_start3A_138 = arith.constant 0 : i32
      %dma_start3A_139 = arith.constant 0 : i32
      %dma_start3A_140 = tpu.memref_slice %arg16[%dma_start3A_138, %dma_start3A_139] : memref<10240x64xf32, #tpu.memory_space<vmem_shared>> -> memref<10240x64xf32, #tpu.memory_space<vmem_shared>>
      tpu.enqueue_indirect_dma source(%arg12 : memref<128x64xf32, #tpu.memory_space<vmem>>) target(%dma_start3A_140 : memref<10240x64xf32, #tpu.memory_space<vmem_shared>>) offsets(%dma_start3A_137 : memref<128xi32, #tpu.memory_space<vmem>>) semaphore(%arg18 : memref<!tpu.dma_semaphore, #tpu.memory_space<semaphore_mem>>) {add = true}
      %add3A_141 = arith.constant 5 : i32
      %add3A_142 = arith.addi %mul3A_71, %add3A_141 : i32
      %dma_wait3A_143 = arith.constant 0 : i32
      %dma_wait3A_144 = tpu.memref_slice %arg6[%add3A_142, %dma_wait3A_143] : memref<80x128xi32, #tpu.memory_space<vmem>> -> memref<1x128xi32, #tpu.memory_space<vmem>>
      %dma_wait3A_145 = tpu.memref_squeeze %dma_wait3A_144 : memref<1x128xi32, #tpu.memory_space<vmem>> -> memref<128xi32, #tpu.memory_space<vmem>>
      %dma_wait3A_146 = arith.constant 0 : i32
      %dma_wait3A_147 = arith.constant 0 : i32
      %dma_wait3A_148 = tpu.memref_slice %arg3[%dma_wait3A_146, %dma_wait3A_147] : memref<10240x64xf32, #tpu.memory_space<hbm>> -> memref<10240x64xf32, #tpu.memory_space<hbm>>
      tpu.wait_indirect_dma semaphore(%arg17 : memref<!tpu.dma_semaphore, #tpu.memory_space<semaphore_mem>>) src(%dma_wait3A_148 : memref<10240x64xf32, #tpu.memory_space<hbm>>) dst(%arg13 : memref<128x64xf32, #tpu.memory_space<vmem>>)
      %dma_start3A_149 = arith.constant 0 : i32
      %dma_start3A_150 = tpu.memref_slice %arg7[%add3A_142, %dma_start3A_149] : memref<80x128xi32, #tpu.memory_space<vmem>> -> memref<1x128xi32, #tpu.memory_space<vmem>>
      %dma_start3A_151 = tpu.memref_squeeze %dma_start3A_150 : memref<1x128xi32, #tpu.memory_space<vmem>> -> memref<128xi32, #tpu.memory_space<vmem>>
      %dma_start3A_152 = arith.constant 0 : i32
      %dma_start3A_153 = arith.constant 0 : i32
      %dma_start3A_154 = tpu.memref_slice %arg16[%dma_start3A_152, %dma_start3A_153] : memref<10240x64xf32, #tpu.memory_space<vmem_shared>> -> memref<10240x64xf32, #tpu.memory_space<vmem_shared>>
      tpu.enqueue_indirect_dma source(%arg13 : memref<128x64xf32, #tpu.memory_space<vmem>>) target(%dma_start3A_154 : memref<10240x64xf32, #tpu.memory_space<vmem_shared>>) offsets(%dma_start3A_151 : memref<128xi32, #tpu.memory_space<vmem>>) semaphore(%arg18 : memref<!tpu.dma_semaphore, #tpu.memory_space<semaphore_mem>>) {add = true}
      %add3A_155 = arith.constant 6 : i32
      %add3A_156 = arith.addi %mul3A_71, %add3A_155 : i32
      %dma_wait3A_157 = arith.constant 0 : i32
      %dma_wait3A_158 = tpu.memref_slice %arg6[%add3A_156, %dma_wait3A_157] : memref<80x128xi32, #tpu.memory_space<vmem>> -> memref<1x128xi32, #tpu.memory_space<vmem>>
      %dma_wait3A_159 = tpu.memref_squeeze %dma_wait3A_158 : memref<1x128xi32, #tpu.memory_space<vmem>> -> memref<128xi32, #tpu.memory_space<vmem>>
      %dma_wait3A_160 = arith.constant 0 : i32
      %dma_wait3A_161 = arith.constant 0 : i32
      %dma_wait3A_162 = tpu.memref_slice %arg3[%dma_wait3A_160, %dma_wait3A_161] : memref<10240x64xf32, #tpu.memory_space<hbm>> -> memref<10240x64xf32, #tpu.memory_space<hbm>>
      tpu.wait_indirect_dma semaphore(%arg17 : memref<!tpu.dma_semaphore, #tpu.memory_space<semaphore_mem>>) src(%dma_wait3A_162 : memref<10240x64xf32, #tpu.memory_space<hbm>>) dst(%arg14 : memref<128x64xf32, #tpu.memory_space<vmem>>)
      %dma_start3A_163 = arith.constant 0 : i32
      %dma_start3A_164 = tpu.memref_slice %arg7[%add3A_156, %dma_start3A_163] : memref<80x128xi32, #tpu.memory_space<vmem>> -> memref<1x128xi32, #tpu.memory_space<vmem>>
      %dma_start3A_165 = tpu.memref_squeeze %dma_start3A_164 : memref<1x128xi32, #tpu.memory_space<vmem>> -> memref<128xi32, #tpu.memory_space<vmem>>
      %dma_start3A_166 = arith.constant 0 : i32
      %dma_start3A_167 = arith.constant 0 : i32
      %dma_start3A_168 = tpu.memref_slice %arg16[%dma_start3A_166, %dma_start3A_167] : memref<10240x64xf32, #tpu.memory_space<vmem_shared>> -> memref<10240x64xf32, #tpu.memory_space<vmem_shared>>
      tpu.enqueue_indirect_dma source(%arg14 : memref<128x64xf32, #tpu.memory_space<vmem>>) target(%dma_start3A_168 : memref<10240x64xf32, #tpu.memory_space<vmem_shared>>) offsets(%dma_start3A_165 : memref<128xi32, #tpu.memory_space<vmem>>) semaphore(%arg18 : memref<!tpu.dma_semaphore, #tpu.memory_space<semaphore_mem>>) {add = true}
      %add3A_169 = arith.constant 7 : i32
      %add3A_170 = arith.addi %mul3A_71, %add3A_169 : i32
      %dma_wait3A_171 = arith.constant 0 : i32
      %dma_wait3A_172 = tpu.memref_slice %arg6[%add3A_170, %dma_wait3A_171] : memref<80x128xi32, #tpu.memory_space<vmem>> -> memref<1x128xi32, #tpu.memory_space<vmem>>
      %dma_wait3A_173 = tpu.memref_squeeze %dma_wait3A_172 : memref<1x128xi32, #tpu.memory_space<vmem>> -> memref<128xi32, #tpu.memory_space<vmem>>
      %dma_wait3A_174 = arith.constant 0 : i32
      %dma_wait3A_175 = arith.constant 0 : i32
      %dma_wait3A_176 = tpu.memref_slice %arg3[%dma_wait3A_174, %dma_wait3A_175] : memref<10240x64xf32, #tpu.memory_space<hbm>> -> memref<10240x64xf32, #tpu.memory_space<hbm>>
      tpu.wait_indirect_dma semaphore(%arg17 : memref<!tpu.dma_semaphore, #tpu.memory_space<semaphore_mem>>) src(%dma_wait3A_176 : memref<10240x64xf32, #tpu.memory_space<hbm>>) dst(%arg15 : memref<128x64xf32, #tpu.memory_space<vmem>>)
      %dma_start3A_177 = arith.constant 0 : i32
      %dma_start3A_178 = tpu.memref_slice %arg7[%add3A_170, %dma_start3A_177] : memref<80x128xi32, #tpu.memory_space<vmem>> -> memref<1x128xi32, #tpu.memory_space<vmem>>
      %dma_start3A_179 = tpu.memref_squeeze %dma_start3A_178 : memref<1x128xi32, #tpu.memory_space<vmem>> -> memref<128xi32, #tpu.memory_space<vmem>>
      %dma_start3A_180 = arith.constant 0 : i32
      %dma_start3A_181 = arith.constant 0 : i32
      %dma_start3A_182 = tpu.memref_slice %arg16[%dma_start3A_180, %dma_start3A_181] : memref<10240x64xf32, #tpu.memory_space<vmem_shared>> -> memref<10240x64xf32, #tpu.memory_space<vmem_shared>>
      tpu.enqueue_indirect_dma source(%arg15 : memref<128x64xf32, #tpu.memory_space<vmem>>) target(%dma_start3A_182 : memref<10240x64xf32, #tpu.memory_space<vmem_shared>>) offsets(%dma_start3A_179 : memref<128xi32, #tpu.memory_space<vmem>>) semaphore(%arg18 : memref<!tpu.dma_semaphore, #tpu.memory_space<semaphore_mem>>) {add = true}
      %add3A_183 = arith.constant 0 : i32
      %add3A_184 = arith.addi %mul3A_71, %add3A_183 : i32
      %dma_wait3A_185 = arith.constant 0 : i32
      %dma_wait3A_186 = tpu.memref_slice %arg7[%add3A_184, %dma_wait3A_185] : memref<80x128xi32, #tpu.memory_space<vmem>> -> memref<1x128xi32, #tpu.memory_space<vmem>>
      %dma_wait3A_187 = tpu.memref_squeeze %dma_wait3A_186 : memref<1x128xi32, #tpu.memory_space<vmem>> -> memref<128xi32, #tpu.memory_space<vmem>>
      %dma_wait3A_188 = arith.constant 0 : i32
      %dma_wait3A_189 = arith.constant 0 : i32
      %dma_wait3A_190 = tpu.memref_slice %arg16[%dma_wait3A_188, %dma_wait3A_189] : memref<10240x64xf32, #tpu.memory_space<vmem_shared>> -> memref<10240x64xf32, #tpu.memory_space<vmem_shared>>
      tpu.wait_indirect_dma semaphore(%arg18 : memref<!tpu.dma_semaphore, #tpu.memory_space<semaphore_mem>>) src(%arg8 : memref<128x64xf32, #tpu.memory_space<vmem>>) dst(%dma_wait3A_190 : memref<10240x64xf32, #tpu.memory_space<vmem_shared>>)
      %add3A_191 = arith.constant 8 : i32
      %add3A_192 = arith.addi %add3A_184, %add3A_191 : i32
      %lt3A = arith.constant 80 : i32
      %lt3A_193 = arith.cmpi slt, %add3A_192, %lt3A : i32
      %convert_element_type3A = arith.extui %lt3A_193 : i1 to i32
      %cond3A = arith.constant 0 : i32
      %cond3A_194 = arith.cmpi ne, %convert_element_type3A, %cond3A : i32
      scf.if %cond3A_194 {
        %add3A_300 = arith.constant 8 : i32
        %add3A_301 = arith.addi %add3A_184, %add3A_300 : i32
        %dma_start3A_302 = arith.constant 0 : i32
        %dma_start3A_303 = tpu.memref_slice %arg6[%add3A_301, %dma_start3A_302] : memref<80x128xi32, #tpu.memory_space<vmem>> -> memref<1x128xi32, #tpu.memory_space<vmem>>
        %dma_start3A_304 = tpu.memref_squeeze %dma_start3A_303 : memref<1x128xi32, #tpu.memory_space<vmem>> -> memref<128xi32, #tpu.memory_space<vmem>>
        %dma_start3A_305 = arith.constant 0 : i32
        %dma_start3A_306 = arith.constant 0 : i32
        %dma_start3A_307 = tpu.memref_slice %arg3[%dma_start3A_305, %dma_start3A_306] : memref<10240x64xf32, #tpu.memory_space<hbm>> -> memref<10240x64xf32, #tpu.memory_space<hbm>>
        tpu.enqueue_indirect_dma source(%dma_start3A_307 : memref<10240x64xf32, #tpu.memory_space<hbm>>) target(%arg8 : memref<128x64xf32, #tpu.memory_space<vmem>>) offsets(%dma_start3A_304 : memref<128xi32, #tpu.memory_space<vmem>>) semaphore(%arg17 : memref<!tpu.dma_semaphore, #tpu.memory_space<semaphore_mem>>)
      } else {
      }
      %add3A_195 = arith.constant 1 : i32
      %add3A_196 = arith.addi %mul3A_71, %add3A_195 : i32
      %dma_wait3A_197 = arith.constant 0 : i32
      %dma_wait3A_198 = tpu.memref_slice %arg7[%add3A_196, %dma_wait3A_197] : memref<80x128xi32, #tpu.memory_space<vmem>> -> memref<1x128xi32, #tpu.memory_space<vmem>>
      %dma_wait3A_199 = tpu.memref_squeeze %dma_wait3A_198 : memref<1x128xi32, #tpu.memory_space<vmem>> -> memref<128xi32, #tpu.memory_space<vmem>>
      %dma_wait3A_200 = arith.constant 0 : i32
      %dma_wait3A_201 = arith.constant 0 : i32
      %dma_wait3A_202 = tpu.memref_slice %arg16[%dma_wait3A_200, %dma_wait3A_201] : memref<10240x64xf32, #tpu.memory_space<vmem_shared>> -> memref<10240x64xf32, #tpu.memory_space<vmem_shared>>
      tpu.wait_indirect_dma semaphore(%arg18 : memref<!tpu.dma_semaphore, #tpu.memory_space<semaphore_mem>>) src(%arg9 : memref<128x64xf32, #tpu.memory_space<vmem>>) dst(%dma_wait3A_202 : memref<10240x64xf32, #tpu.memory_space<vmem_shared>>)
      %add3A_203 = arith.constant 8 : i32
      %add3A_204 = arith.addi %add3A_196, %add3A_203 : i32
      %lt3A_205 = arith.constant 80 : i32
      %lt3A_206 = arith.cmpi slt, %add3A_204, %lt3A_205 : i32
      %convert_element_type3A_207 = arith.extui %lt3A_206 : i1 to i32
      %cond3A_208 = arith.constant 0 : i32
      %cond3A_209 = arith.cmpi ne, %convert_element_type3A_207, %cond3A_208 : i32
      scf.if %cond3A_209 {
        %add3A_300 = arith.constant 8 : i32
        %add3A_301 = arith.addi %add3A_196, %add3A_300 : i32
        %dma_start3A_302 = arith.constant 0 : i32
        %dma_start3A_303 = tpu.memref_slice %arg6[%add3A_301, %dma_start3A_302] : memref<80x128xi32, #tpu.memory_space<vmem>> -> memref<1x128xi32, #tpu.memory_space<vmem>>
        %dma_start3A_304 = tpu.memref_squeeze %dma_start3A_303 : memref<1x128xi32, #tpu.memory_space<vmem>> -> memref<128xi32, #tpu.memory_space<vmem>>
        %dma_start3A_305 = arith.constant 0 : i32
        %dma_start3A_306 = arith.constant 0 : i32
        %dma_start3A_307 = tpu.memref_slice %arg3[%dma_start3A_305, %dma_start3A_306] : memref<10240x64xf32, #tpu.memory_space<hbm>> -> memref<10240x64xf32, #tpu.memory_space<hbm>>
        tpu.enqueue_indirect_dma source(%dma_start3A_307 : memref<10240x64xf32, #tpu.memory_space<hbm>>) target(%arg9 : memref<128x64xf32, #tpu.memory_space<vmem>>) offsets(%dma_start3A_304 : memref<128xi32, #tpu.memory_space<vmem>>) semaphore(%arg17 : memref<!tpu.dma_semaphore, #tpu.memory_space<semaphore_mem>>)
      } else {
      }
      %add3A_210 = arith.constant 2 : i32
      %add3A_211 = arith.addi %mul3A_71, %add3A_210 : i32
      %dma_wait3A_212 = arith.constant 0 : i32
      %dma_wait3A_213 = tpu.memref_slice %arg7[%add3A_211, %dma_wait3A_212] : memref<80x128xi32, #tpu.memory_space<vmem>> -> memref<1x128xi32, #tpu.memory_space<vmem>>
      %dma_wait3A_214 = tpu.memref_squeeze %dma_wait3A_213 : memref<1x128xi32, #tpu.memory_space<vmem>> -> memref<128xi32, #tpu.memory_space<vmem>>
      %dma_wait3A_215 = arith.constant 0 : i32
      %dma_wait3A_216 = arith.constant 0 : i32
      %dma_wait3A_217 = tpu.memref_slice %arg16[%dma_wait3A_215, %dma_wait3A_216] : memref<10240x64xf32, #tpu.memory_space<vmem_shared>> -> memref<10240x64xf32, #tpu.memory_space<vmem_shared>>
      tpu.wait_indirect_dma semaphore(%arg18 : memref<!tpu.dma_semaphore, #tpu.memory_space<semaphore_mem>>) src(%arg10 : memref<128x64xf32, #tpu.memory_space<vmem>>) dst(%dma_wait3A_217 : memref<10240x64xf32, #tpu.memory_space<vmem_shared>>)
      %add3A_218 = arith.constant 8 : i32
      %add3A_219 = arith.addi %add3A_211, %add3A_218 : i32
      %lt3A_220 = arith.constant 80 : i32
      %lt3A_221 = arith.cmpi slt, %add3A_219, %lt3A_220 : i32
      %convert_element_type3A_222 = arith.extui %lt3A_221 : i1 to i32
      %cond3A_223 = arith.constant 0 : i32
      %cond3A_224 = arith.cmpi ne, %convert_element_type3A_222, %cond3A_223 : i32
      scf.if %cond3A_224 {
        %add3A_300 = arith.constant 8 : i32
        %add3A_301 = arith.addi %add3A_211, %add3A_300 : i32
        %dma_start3A_302 = arith.constant 0 : i32
        %dma_start3A_303 = tpu.memref_slice %arg6[%add3A_301, %dma_start3A_302] : memref<80x128xi32, #tpu.memory_space<vmem>> -> memref<1x128xi32, #tpu.memory_space<vmem>>
        %dma_start3A_304 = tpu.memref_squeeze %dma_start3A_303 : memref<1x128xi32, #tpu.memory_space<vmem>> -> memref<128xi32, #tpu.memory_space<vmem>>
        %dma_start3A_305 = arith.constant 0 : i32
        %dma_start3A_306 = arith.constant 0 : i32
        %dma_start3A_307 = tpu.memref_slice %arg3[%dma_start3A_305, %dma_start3A_306] : memref<10240x64xf32, #tpu.memory_space<hbm>> -> memref<10240x64xf32, #tpu.memory_space<hbm>>
        tpu.enqueue_indirect_dma source(%dma_start3A_307 : memref<10240x64xf32, #tpu.memory_space<hbm>>) target(%arg10 : memref<128x64xf32, #tpu.memory_space<vmem>>) offsets(%dma_start3A_304 : memref<128xi32, #tpu.memory_space<vmem>>) semaphore(%arg17 : memref<!tpu.dma_semaphore, #tpu.memory_space<semaphore_mem>>)
      } else {
      }
      %add3A_225 = arith.constant 3 : i32
      %add3A_226 = arith.addi %mul3A_71, %add3A_225 : i32
      %dma_wait3A_227 = arith.constant 0 : i32
      %dma_wait3A_228 = tpu.memref_slice %arg7[%add3A_226, %dma_wait3A_227] : memref<80x128xi32, #tpu.memory_space<vmem>> -> memref<1x128xi32, #tpu.memory_space<vmem>>
      %dma_wait3A_229 = tpu.memref_squeeze %dma_wait3A_228 : memref<1x128xi32, #tpu.memory_space<vmem>> -> memref<128xi32, #tpu.memory_space<vmem>>
      %dma_wait3A_230 = arith.constant 0 : i32
      %dma_wait3A_231 = arith.constant 0 : i32
      %dma_wait3A_232 = tpu.memref_slice %arg16[%dma_wait3A_230, %dma_wait3A_231] : memref<10240x64xf32, #tpu.memory_space<vmem_shared>> -> memref<10240x64xf32, #tpu.memory_space<vmem_shared>>
      tpu.wait_indirect_dma semaphore(%arg18 : memref<!tpu.dma_semaphore, #tpu.memory_space<semaphore_mem>>) src(%arg11 : memref<128x64xf32, #tpu.memory_space<vmem>>) dst(%dma_wait3A_232 : memref<10240x64xf32, #tpu.memory_space<vmem_shared>>)
      %add3A_233 = arith.constant 8 : i32
      %add3A_234 = arith.addi %add3A_226, %add3A_233 : i32
      %lt3A_235 = arith.constant 80 : i32
      %lt3A_236 = arith.cmpi slt, %add3A_234, %lt3A_235 : i32
      %convert_element_type3A_237 = arith.extui %lt3A_236 : i1 to i32
      %cond3A_238 = arith.constant 0 : i32
      %cond3A_239 = arith.cmpi ne, %convert_element_type3A_237, %cond3A_238 : i32
      scf.if %cond3A_239 {
        %add3A_300 = arith.constant 8 : i32
        %add3A_301 = arith.addi %add3A_226, %add3A_300 : i32
        %dma_start3A_302 = arith.constant 0 : i32
        %dma_start3A_303 = tpu.memref_slice %arg6[%add3A_301, %dma_start3A_302] : memref<80x128xi32, #tpu.memory_space<vmem>> -> memref<1x128xi32, #tpu.memory_space<vmem>>
        %dma_start3A_304 = tpu.memref_squeeze %dma_start3A_303 : memref<1x128xi32, #tpu.memory_space<vmem>> -> memref<128xi32, #tpu.memory_space<vmem>>
        %dma_start3A_305 = arith.constant 0 : i32
        %dma_start3A_306 = arith.constant 0 : i32
        %dma_start3A_307 = tpu.memref_slice %arg3[%dma_start3A_305, %dma_start3A_306] : memref<10240x64xf32, #tpu.memory_space<hbm>> -> memref<10240x64xf32, #tpu.memory_space<hbm>>
        tpu.enqueue_indirect_dma source(%dma_start3A_307 : memref<10240x64xf32, #tpu.memory_space<hbm>>) target(%arg11 : memref<128x64xf32, #tpu.memory_space<vmem>>) offsets(%dma_start3A_304 : memref<128xi32, #tpu.memory_space<vmem>>) semaphore(%arg17 : memref<!tpu.dma_semaphore, #tpu.memory_space<semaphore_mem>>)
      } else {
      }
      %add3A_240 = arith.constant 4 : i32
      %add3A_241 = arith.addi %mul3A_71, %add3A_240 : i32
      %dma_wait3A_242 = arith.constant 0 : i32
      %dma_wait3A_243 = tpu.memref_slice %arg7[%add3A_241, %dma_wait3A_242] : memref<80x128xi32, #tpu.memory_space<vmem>> -> memref<1x128xi32, #tpu.memory_space<vmem>>
      %dma_wait3A_244 = tpu.memref_squeeze %dma_wait3A_243 : memref<1x128xi32, #tpu.memory_space<vmem>> -> memref<128xi32, #tpu.memory_space<vmem>>
      %dma_wait3A_245 = arith.constant 0 : i32
      %dma_wait3A_246 = arith.constant 0 : i32
      %dma_wait3A_247 = tpu.memref_slice %arg16[%dma_wait3A_245, %dma_wait3A_246] : memref<10240x64xf32, #tpu.memory_space<vmem_shared>> -> memref<10240x64xf32, #tpu.memory_space<vmem_shared>>
      tpu.wait_indirect_dma semaphore(%arg18 : memref<!tpu.dma_semaphore, #tpu.memory_space<semaphore_mem>>) src(%arg12 : memref<128x64xf32, #tpu.memory_space<vmem>>) dst(%dma_wait3A_247 : memref<10240x64xf32, #tpu.memory_space<vmem_shared>>)
      %add3A_248 = arith.constant 8 : i32
      %add3A_249 = arith.addi %add3A_241, %add3A_248 : i32
      %lt3A_250 = arith.constant 80 : i32
      %lt3A_251 = arith.cmpi slt, %add3A_249, %lt3A_250 : i32
      %convert_element_type3A_252 = arith.extui %lt3A_251 : i1 to i32
      %cond3A_253 = arith.constant 0 : i32
      %cond3A_254 = arith.cmpi ne, %convert_element_type3A_252, %cond3A_253 : i32
      scf.if %cond3A_254 {
        %add3A_300 = arith.constant 8 : i32
        %add3A_301 = arith.addi %add3A_241, %add3A_300 : i32
        %dma_start3A_302 = arith.constant 0 : i32
        %dma_start3A_303 = tpu.memref_slice %arg6[%add3A_301, %dma_start3A_302] : memref<80x128xi32, #tpu.memory_space<vmem>> -> memref<1x128xi32, #tpu.memory_space<vmem>>
        %dma_start3A_304 = tpu.memref_squeeze %dma_start3A_303 : memref<1x128xi32, #tpu.memory_space<vmem>> -> memref<128xi32, #tpu.memory_space<vmem>>
        %dma_start3A_305 = arith.constant 0 : i32
        %dma_start3A_306 = arith.constant 0 : i32
        %dma_start3A_307 = tpu.memref_slice %arg3[%dma_start3A_305, %dma_start3A_306] : memref<10240x64xf32, #tpu.memory_space<hbm>> -> memref<10240x64xf32, #tpu.memory_space<hbm>>
        tpu.enqueue_indirect_dma source(%dma_start3A_307 : memref<10240x64xf32, #tpu.memory_space<hbm>>) target(%arg12 : memref<128x64xf32, #tpu.memory_space<vmem>>) offsets(%dma_start3A_304 : memref<128xi32, #tpu.memory_space<vmem>>) semaphore(%arg17 : memref<!tpu.dma_semaphore, #tpu.memory_space<semaphore_mem>>)
      } else {
      }
      %add3A_255 = arith.constant 5 : i32
      %add3A_256 = arith.addi %mul3A_71, %add3A_255 : i32
      %dma_wait3A_257 = arith.constant 0 : i32
      %dma_wait3A_258 = tpu.memref_slice %arg7[%add3A_256, %dma_wait3A_257] : memref<80x128xi32, #tpu.memory_space<vmem>> -> memref<1x128xi32, #tpu.memory_space<vmem>>
      %dma_wait3A_259 = tpu.memref_squeeze %dma_wait3A_258 : memref<1x128xi32, #tpu.memory_space<vmem>> -> memref<128xi32, #tpu.memory_space<vmem>>
      %dma_wait3A_260 = arith.constant 0 : i32
      %dma_wait3A_261 = arith.constant 0 : i32
      %dma_wait3A_262 = tpu.memref_slice %arg16[%dma_wait3A_260, %dma_wait3A_261] : memref<10240x64xf32, #tpu.memory_space<vmem_shared>> -> memref<10240x64xf32, #tpu.memory_space<vmem_shared>>
      tpu.wait_indirect_dma semaphore(%arg18 : memref<!tpu.dma_semaphore, #tpu.memory_space<semaphore_mem>>) src(%arg13 : memref<128x64xf32, #tpu.memory_space<vmem>>) dst(%dma_wait3A_262 : memref<10240x64xf32, #tpu.memory_space<vmem_shared>>)
      %add3A_263 = arith.constant 8 : i32
      %add3A_264 = arith.addi %add3A_256, %add3A_263 : i32
      %lt3A_265 = arith.constant 80 : i32
      %lt3A_266 = arith.cmpi slt, %add3A_264, %lt3A_265 : i32
      %convert_element_type3A_267 = arith.extui %lt3A_266 : i1 to i32
      %cond3A_268 = arith.constant 0 : i32
      %cond3A_269 = arith.cmpi ne, %convert_element_type3A_267, %cond3A_268 : i32
      scf.if %cond3A_269 {
        %add3A_300 = arith.constant 8 : i32
        %add3A_301 = arith.addi %add3A_256, %add3A_300 : i32
        %dma_start3A_302 = arith.constant 0 : i32
        %dma_start3A_303 = tpu.memref_slice %arg6[%add3A_301, %dma_start3A_302] : memref<80x128xi32, #tpu.memory_space<vmem>> -> memref<1x128xi32, #tpu.memory_space<vmem>>
        %dma_start3A_304 = tpu.memref_squeeze %dma_start3A_303 : memref<1x128xi32, #tpu.memory_space<vmem>> -> memref<128xi32, #tpu.memory_space<vmem>>
        %dma_start3A_305 = arith.constant 0 : i32
        %dma_start3A_306 = arith.constant 0 : i32
        %dma_start3A_307 = tpu.memref_slice %arg3[%dma_start3A_305, %dma_start3A_306] : memref<10240x64xf32, #tpu.memory_space<hbm>> -> memref<10240x64xf32, #tpu.memory_space<hbm>>
        tpu.enqueue_indirect_dma source(%dma_start3A_307 : memref<10240x64xf32, #tpu.memory_space<hbm>>) target(%arg13 : memref<128x64xf32, #tpu.memory_space<vmem>>) offsets(%dma_start3A_304 : memref<128xi32, #tpu.memory_space<vmem>>) semaphore(%arg17 : memref<!tpu.dma_semaphore, #tpu.memory_space<semaphore_mem>>)
      } else {
      }
      %add3A_270 = arith.constant 6 : i32
      %add3A_271 = arith.addi %mul3A_71, %add3A_270 : i32
      %dma_wait3A_272 = arith.constant 0 : i32
      %dma_wait3A_273 = tpu.memref_slice %arg7[%add3A_271, %dma_wait3A_272] : memref<80x128xi32, #tpu.memory_space<vmem>> -> memref<1x128xi32, #tpu.memory_space<vmem>>
      %dma_wait3A_274 = tpu.memref_squeeze %dma_wait3A_273 : memref<1x128xi32, #tpu.memory_space<vmem>> -> memref<128xi32, #tpu.memory_space<vmem>>
      %dma_wait3A_275 = arith.constant 0 : i32
      %dma_wait3A_276 = arith.constant 0 : i32
      %dma_wait3A_277 = tpu.memref_slice %arg16[%dma_wait3A_275, %dma_wait3A_276] : memref<10240x64xf32, #tpu.memory_space<vmem_shared>> -> memref<10240x64xf32, #tpu.memory_space<vmem_shared>>
      tpu.wait_indirect_dma semaphore(%arg18 : memref<!tpu.dma_semaphore, #tpu.memory_space<semaphore_mem>>) src(%arg14 : memref<128x64xf32, #tpu.memory_space<vmem>>) dst(%dma_wait3A_277 : memref<10240x64xf32, #tpu.memory_space<vmem_shared>>)
      %add3A_278 = arith.constant 8 : i32
      %add3A_279 = arith.addi %add3A_271, %add3A_278 : i32
      %lt3A_280 = arith.constant 80 : i32
      %lt3A_281 = arith.cmpi slt, %add3A_279, %lt3A_280 : i32
      %convert_element_type3A_282 = arith.extui %lt3A_281 : i1 to i32
      %cond3A_283 = arith.constant 0 : i32
      %cond3A_284 = arith.cmpi ne, %convert_element_type3A_282, %cond3A_283 : i32
      scf.if %cond3A_284 {
        %add3A_300 = arith.constant 8 : i32
        %add3A_301 = arith.addi %add3A_271, %add3A_300 : i32
        %dma_start3A_302 = arith.constant 0 : i32
        %dma_start3A_303 = tpu.memref_slice %arg6[%add3A_301, %dma_start3A_302] : memref<80x128xi32, #tpu.memory_space<vmem>> -> memref<1x128xi32, #tpu.memory_space<vmem>>
        %dma_start3A_304 = tpu.memref_squeeze %dma_start3A_303 : memref<1x128xi32, #tpu.memory_space<vmem>> -> memref<128xi32, #tpu.memory_space<vmem>>
        %dma_start3A_305 = arith.constant 0 : i32
        %dma_start3A_306 = arith.constant 0 : i32
        %dma_start3A_307 = tpu.memref_slice %arg3[%dma_start3A_305, %dma_start3A_306] : memref<10240x64xf32, #tpu.memory_space<hbm>> -> memref<10240x64xf32, #tpu.memory_space<hbm>>
        tpu.enqueue_indirect_dma source(%dma_start3A_307 : memref<10240x64xf32, #tpu.memory_space<hbm>>) target(%arg14 : memref<128x64xf32, #tpu.memory_space<vmem>>) offsets(%dma_start3A_304 : memref<128xi32, #tpu.memory_space<vmem>>) semaphore(%arg17 : memref<!tpu.dma_semaphore, #tpu.memory_space<semaphore_mem>>)
      } else {
      }
      %add3A_285 = arith.constant 7 : i32
      %add3A_286 = arith.addi %mul3A_71, %add3A_285 : i32
      %dma_wait3A_287 = arith.constant 0 : i32
      %dma_wait3A_288 = tpu.memref_slice %arg7[%add3A_286, %dma_wait3A_287] : memref<80x128xi32, #tpu.memory_space<vmem>> -> memref<1x128xi32, #tpu.memory_space<vmem>>
      %dma_wait3A_289 = tpu.memref_squeeze %dma_wait3A_288 : memref<1x128xi32, #tpu.memory_space<vmem>> -> memref<128xi32, #tpu.memory_space<vmem>>
      %dma_wait3A_290 = arith.constant 0 : i32
      %dma_wait3A_291 = arith.constant 0 : i32
      %dma_wait3A_292 = tpu.memref_slice %arg16[%dma_wait3A_290, %dma_wait3A_291] : memref<10240x64xf32, #tpu.memory_space<vmem_shared>> -> memref<10240x64xf32, #tpu.memory_space<vmem_shared>>
      tpu.wait_indirect_dma semaphore(%arg18 : memref<!tpu.dma_semaphore, #tpu.memory_space<semaphore_mem>>) src(%arg15 : memref<128x64xf32, #tpu.memory_space<vmem>>) dst(%dma_wait3A_292 : memref<10240x64xf32, #tpu.memory_space<vmem_shared>>)
      %add3A_293 = arith.constant 8 : i32
      %add3A_294 = arith.addi %add3A_286, %add3A_293 : i32
      %lt3A_295 = arith.constant 80 : i32
      %lt3A_296 = arith.cmpi slt, %add3A_294, %lt3A_295 : i32
      %convert_element_type3A_297 = arith.extui %lt3A_296 : i1 to i32
      %cond3A_298 = arith.constant 0 : i32
      %cond3A_299 = arith.cmpi ne, %convert_element_type3A_297, %cond3A_298 : i32
      scf.if %cond3A_299 {
        %add3A_300 = arith.constant 8 : i32
        %add3A_301 = arith.addi %add3A_286, %add3A_300 : i32
        %dma_start3A_302 = arith.constant 0 : i32
        %dma_start3A_303 = tpu.memref_slice %arg6[%add3A_301, %dma_start3A_302] : memref<80x128xi32, #tpu.memory_space<vmem>> -> memref<1x128xi32, #tpu.memory_space<vmem>>
        %dma_start3A_304 = tpu.memref_squeeze %dma_start3A_303 : memref<1x128xi32, #tpu.memory_space<vmem>> -> memref<128xi32, #tpu.memory_space<vmem>>
        %dma_start3A_305 = arith.constant 0 : i32
        %dma_start3A_306 = arith.constant 0 : i32
        %dma_start3A_307 = tpu.memref_slice %arg3[%dma_start3A_305, %dma_start3A_306] : memref<10240x64xf32, #tpu.memory_space<hbm>> -> memref<10240x64xf32, #tpu.memory_space<hbm>>
        tpu.enqueue_indirect_dma source(%dma_start3A_307 : memref<10240x64xf32, #tpu.memory_space<hbm>>) target(%arg15 : memref<128x64xf32, #tpu.memory_space<vmem>>) offsets(%dma_start3A_304 : memref<128xi32, #tpu.memory_space<vmem>>) semaphore(%arg17 : memref<!tpu.dma_semaphore, #tpu.memory_space<semaphore_mem>>)
      } else {
      }
    }
    %scan3A_63 = arith.constant 10 : i32
    %barrier3A_64 = arith.constant 0 : index
    tpu.barrier barrier_id(%barrier3A_64)
    %mul3A_65 = arith.constant 640 : i32
    %mul3A_66 = arith.muli %arg1, %mul3A_65 : i32
    %mul3A_67 = arith.constant 640 : i32
    %mul3A_68 = arith.muli %arg1, %mul3A_67 : i32
    "tpu.region"() ({
      %run_scoped3A_69 = tpu.sem_alloc : memref<!tpu.dma_semaphore, #tpu.memory_space<semaphore_mem>>
      %dma_start3A_70 = arith.constant 0 : i32
      %dma_start3A_71 = tpu.memref_slice %arg5[%arg0, %mul3A_68, %dma_start3A_70] : memref<2x10240x128xf32, #tpu.memory_space<hbm>> -> memref<1x640x64xf32, #tpu.memory_space<hbm>>
      %dma_start3A_72 = tpu.memref_squeeze %dma_start3A_71 : memref<1x640x64xf32, #tpu.memory_space<hbm>> -> memref<640x64xf32, #tpu.memory_space<hbm>>
      %dma_start3A_73 = arith.constant 0 : i32
      %dma_start3A_74 = tpu.memref_slice %arg16[%mul3A_66, %dma_start3A_73] : memref<10240x64xf32, #tpu.memory_space<vmem_shared>> -> memref<640x64xf32, #tpu.memory_space<vmem_shared>>
      tpu.enqueue_dma source(%dma_start3A_74 : memref<640x64xf32, #tpu.memory_space<vmem_shared>>) target(%dma_start3A_72 : memref<640x64xf32, #tpu.memory_space<hbm>>) target_semaphore(%run_scoped3A_69 : memref<!tpu.dma_semaphore, #tpu.memory_space<semaphore_mem>>)
      %dma_wait3A = arith.constant 0 : i32
      %dma_wait3A_75 = tpu.memref_slice %arg5[%arg0, %mul3A_68, %dma_wait3A] : memref<2x10240x128xf32, #tpu.memory_space<hbm>> -> memref<1x640x64xf32, #tpu.memory_space<hbm>>
      %dma_wait3A_76 = tpu.memref_squeeze %dma_wait3A_75 : memref<1x640x64xf32, #tpu.memory_space<hbm>> -> memref<640x64xf32, #tpu.memory_space<hbm>>
      %dma_wait3A_77 = arith.constant 0 : i32
      %dma_wait3A_78 = tpu.memref_slice %arg16[%mul3A_66, %dma_wait3A_77] : memref<10240x64xf32, #tpu.memory_space<vmem_shared>> -> memref<640x64xf32, #tpu.memory_space<vmem_shared>>
      tpu.wait_dma2 semaphore(%run_scoped3A_69 : memref<!tpu.dma_semaphore, #tpu.memory_space<semaphore_mem>>) src(%dma_wait3A_78 : memref<640x64xf32, #tpu.memory_space<vmem_shared>>) dst(%dma_wait3A_76 : memref<640x64xf32, #tpu.memory_space<hbm>>)
      tpu.yield
    }) : () -> ()
    return
  }
}

#map = affine_map<(d0, d1) -> (0, 0, 0, 0)>
#map1 = affine_map<(d0, d1) -> (0, 0)>
#map2 = affine_map<(d0, d1) -> (0, 0, 0)>
module attributes {stable_mosaic.version = 14 : i64} {
  func.func @_mp_body(%arg0: i32, %arg1: i32, %arg2: memref<2x32x80x128xi32, #tpu.memory_space<hbm>>, %arg3: memref<10240x64xf32, #tpu.memory_space<hbm>>, %arg4: memref<640x64xf32, #tpu.memory_space<hbm>>, %arg5: memref<2x10240x128xf32, #tpu.memory_space<hbm>>, %arg6: memref<80x128xi32, #tpu.memory_space<vmem>>, %arg7: memref<80x128xi32, #tpu.memory_space<vmem>>, %arg8: memref<128x64xf32, #tpu.memory_space<vmem>>, %arg9: memref<128x64xf32, #tpu.memory_space<vmem>>, %arg10: memref<128x64xf32, #tpu.memory_space<vmem>>, %arg11: memref<128x64xf32, #tpu.memory_space<vmem>>, %arg12: memref<128x64xf32, #tpu.memory_space<vmem>>, %arg13: memref<128x64xf32, #tpu.memory_space<vmem>>, %arg14: memref<128x64xf32, #tpu.memory_space<vmem>>, %arg15: memref<128x64xf32, #tpu.memory_space<vmem>>, %arg16: memref<10240x64xf32, #tpu.memory_space<vmem_shared>>, %arg17: memref<!tpu.dma_semaphore, #tpu.memory_space<semaphore_mem>>, %arg18: memref<!tpu.dma_semaphore, #tpu.memory_space<semaphore_mem>>) attributes {dimension_semantics = [#tpu.dimension_semantics<core_parallel>, #tpu.dimension_semantics<subcore_parallel>], iteration_bounds = array<i64: 2, 16>, scalar_prefetch = 0 : i64, scratch_operands = 13 : i64, tpu.core_type = #tpu.core_type<sc_vector_subcore>, window_params = [{transform_indices = #map}, {transform_indices = #map1}, {transform_indices = #map1}, {transform_indices = #map2}]} {
    %mul3A = arith.constant 16 : i32
    %mul3A_0 = arith.muli %arg0, %mul3A : i32
    %add3A = arith.addi %mul3A_0, %arg1 : i32
    %mul3A_1 = arith.constant 640 : i32
    %mul3A_2 = arith.muli %arg1, %mul3A_1 : i32
    "tpu.region"() ({
      %run_scoped3A_69 = tpu.sem_alloc : memref<!tpu.dma_semaphore, #tpu.memory_space<semaphore_mem>>
      %dma_start3A_70 = arith.constant 0 : i32
      %dma_start3A_71 = tpu.memref_slice %arg16[%mul3A_2, %dma_start3A_70] : memref<10240x64xf32, #tpu.memory_space<vmem_shared>> -> memref<640x64xf32, #tpu.memory_space<vmem_shared>>
      tpu.enqueue_dma source(%arg4 : memref<640x64xf32, #tpu.memory_space<hbm>>) target(%dma_start3A_71 : memref<640x64xf32, #tpu.memory_space<vmem_shared>>) target_semaphore(%run_scoped3A_69 : memref<!tpu.dma_semaphore, #tpu.memory_space<semaphore_mem>>)
      %dma_wait3A = arith.constant 0 : i32
      %dma_wait3A_72 = tpu.memref_slice %arg16[%mul3A_2, %dma_wait3A] : memref<10240x64xf32, #tpu.memory_space<vmem_shared>> -> memref<640x64xf32, #tpu.memory_space<vmem_shared>>
      tpu.wait_dma2 semaphore(%run_scoped3A_69 : memref<!tpu.dma_semaphore, #tpu.memory_space<semaphore_mem>>) src(%arg4 : memref<640x64xf32, #tpu.memory_space<hbm>>) dst(%dma_wait3A_72 : memref<640x64xf32, #tpu.memory_space<vmem_shared>>)
      tpu.yield
    }) : () -> ()
    %run_scoped3A = arith.constant 0 : i32
    "tpu.region"() ({
      %run_scoped3A_69 = tpu.sem_alloc : memref<!tpu.dma_semaphore, #tpu.memory_space<semaphore_mem>>
      %dma_start3A_70 = arith.constant 0 : i32
      %dma_start3A_71 = arith.constant 0 : i32
      %dma_start3A_72 = tpu.memref_slice %arg2[%run_scoped3A, %add3A, %dma_start3A_70, %dma_start3A_71] : memref<2x32x80x128xi32, #tpu.memory_space<hbm>> -> memref<1x1x80x128xi32, #tpu.memory_space<hbm>>
      %dma_start3A_73 = tpu.memref_squeeze %dma_start3A_72 : memref<1x1x80x128xi32, #tpu.memory_space<hbm>> -> memref<80x128xi32, #tpu.memory_space<hbm>>
      %dma_start3A_74 = arith.constant 0 : i32
      %dma_start3A_75 = arith.constant 0 : i32
      %dma_start3A_76 = tpu.memref_slice %arg2[%run_scoped3A, %add3A, %dma_start3A_74, %dma_start3A_75] : memref<2x32x80x128xi32, #tpu.memory_space<hbm>> -> memref<1x1x80x128xi32, #tpu.memory_space<hbm>>
      %dma_start3A_77 = tpu.memref_squeeze %dma_start3A_76 : memref<1x1x80x128xi32, #tpu.memory_space<hbm>> -> memref<80x128xi32, #tpu.memory_space<hbm>>
      tpu.enqueue_dma source(%dma_start3A_77 : memref<80x128xi32, #tpu.memory_space<hbm>>) target(%arg6 : memref<80x128xi32, #tpu.memory_space<vmem>>) target_semaphore(%run_scoped3A_69 : memref<!tpu.dma_semaphore, #tpu.memory_space<semaphore_mem>>)
      %dma_wait3A = arith.constant 0 : i32
      %dma_wait3A_78 = arith.constant 0 : i32
      %dma_wait3A_79 = tpu.memref_slice %arg2[%run_scoped3A, %add3A, %dma_wait3A, %dma_wait3A_78] : memref<2x32x80x128xi32, #tpu.memory_space<hbm>> -> memref<1x1x80x128xi32, #tpu.memory_space<hbm>>
      %dma_wait3A_80 = tpu.memref_squeeze %dma_wait3A_79 : memref<1x1x80x128xi32, #tpu.memory_space<hbm>> -> memref<80x128xi32, #tpu.memory_space<hbm>>
      %dma_wait3A_81 = arith.constant 0 : i32
      %dma_wait3A_82 = arith.constant 0 : i32
      %dma_wait3A_83 = tpu.memref_slice %arg2[%run_scoped3A, %add3A, %dma_wait3A_81, %dma_wait3A_82] : memref<2x32x80x128xi32, #tpu.memory_space<hbm>> -> memref<1x1x80x128xi32, #tpu.memory_space<hbm>>
      %dma_wait3A_84 = tpu.memref_squeeze %dma_wait3A_83 : memref<1x1x80x128xi32, #tpu.memory_space<hbm>> -> memref<80x128xi32, #tpu.memory_space<hbm>>
      tpu.wait_dma2 semaphore(%run_scoped3A_69 : memref<!tpu.dma_semaphore, #tpu.memory_space<semaphore_mem>>) src(%dma_wait3A_84 : memref<80x128xi32, #tpu.memory_space<hbm>>) dst(%arg6 : memref<80x128xi32, #tpu.memory_space<vmem>>)
      tpu.yield
    }) : () -> ()
    %run_scoped3A_3 = arith.constant 1 : i32
    "tpu.region"() ({
      %run_scoped3A_69 = tpu.sem_alloc : memref<!tpu.dma_semaphore, #tpu.memory_space<semaphore_mem>>
      %dma_start3A_70 = arith.constant 0 : i32
      %dma_start3A_71 = arith.constant 0 : i32
      %dma_start3A_72 = tpu.memref_slice %arg2[%run_scoped3A_3, %add3A, %dma_start3A_70, %dma_start3A_71] : memref<2x32x80x128xi32, #tpu.memory_space<hbm>> -> memref<1x1x80x128xi32, #tpu.memory_space<hbm>>
      %dma_start3A_73 = tpu.memref_squeeze %dma_start3A_72 : memref<1x1x80x128xi32, #tpu.memory_space<hbm>> -> memref<80x128xi32, #tpu.memory_space<hbm>>
      %dma_start3A_74 = arith.constant 0 : i32
      %dma_start3A_75 = arith.constant 0 : i32
      %dma_start3A_76 = tpu.memref_slice %arg2[%run_scoped3A_3, %add3A, %dma_start3A_74, %dma_start3A_75] : memref<2x32x80x128xi32, #tpu.memory_space<hbm>> -> memref<1x1x80x128xi32, #tpu.memory_space<hbm>>
      %dma_start3A_77 = tpu.memref_squeeze %dma_start3A_76 : memref<1x1x80x128xi32, #tpu.memory_space<hbm>> -> memref<80x128xi32, #tpu.memory_space<hbm>>
      tpu.enqueue_dma source(%dma_start3A_77 : memref<80x128xi32, #tpu.memory_space<hbm>>) target(%arg7 : memref<80x128xi32, #tpu.memory_space<vmem>>) target_semaphore(%run_scoped3A_69 : memref<!tpu.dma_semaphore, #tpu.memory_space<semaphore_mem>>)
      %dma_wait3A = arith.constant 0 : i32
      %dma_wait3A_78 = arith.constant 0 : i32
      %dma_wait3A_79 = tpu.memref_slice %arg2[%run_scoped3A_3, %add3A, %dma_wait3A, %dma_wait3A_78] : memref<2x32x80x128xi32, #tpu.memory_space<hbm>> -> memref<1x1x80x128xi32, #tpu.memory_space<hbm>>
      %dma_wait3A_80 = tpu.memref_squeeze %dma_wait3A_79 : memref<1x1x80x128xi32, #tpu.memory_space<hbm>> -> memref<80x128xi32, #tpu.memory_space<hbm>>
      %dma_wait3A_81 = arith.constant 0 : i32
      %dma_wait3A_82 = arith.constant 0 : i32
      %dma_wait3A_83 = tpu.memref_slice %arg2[%run_scoped3A_3, %add3A, %dma_wait3A_81, %dma_wait3A_82] : memref<2x32x80x128xi32, #tpu.memory_space<hbm>> -> memref<1x1x80x128xi32, #tpu.memory_space<hbm>>
      %dma_wait3A_84 = tpu.memref_squeeze %dma_wait3A_83 : memref<1x1x80x128xi32, #tpu.memory_space<hbm>> -> memref<80x128xi32, #tpu.memory_space<hbm>>
      tpu.wait_dma2 semaphore(%run_scoped3A_69 : memref<!tpu.dma_semaphore, #tpu.memory_space<semaphore_mem>>) src(%dma_wait3A_84 : memref<80x128xi32, #tpu.memory_space<hbm>>) dst(%arg7 : memref<80x128xi32, #tpu.memory_space<vmem>>)
      tpu.yield
    }) : () -> ()
    %barrier3A = arith.constant 0 : index
    tpu.barrier barrier_id(%barrier3A)
    %dma_start3A = arith.constant 0 : i32
    %dma_start3A_4 = arith.constant 0 : i32
    %dma_start3A_5 = tpu.memref_slice %arg6[%dma_start3A, %dma_start3A_4] : memref<80x128xi32, #tpu.memory_space<vmem>> -> memref<1x128xi32, #tpu.memory_space<vmem>>
    %dma_start3A_6 = tpu.memref_squeeze %dma_start3A_5 : memref<1x128xi32, #tpu.memory_space<vmem>> -> memref<128xi32, #tpu.memory_space<vmem>>
    %dma_start3A_7 = arith.constant 0 : i32
    %dma_start3A_8 = arith.constant 0 : i32
    %dma_start3A_9 = tpu.memref_slice %arg3[%dma_start3A_7, %dma_start3A_8] : memref<10240x64xf32, #tpu.memory_space<hbm>> -> memref<10240x64xf32, #tpu.memory_space<hbm>>
    tpu.enqueue_indirect_dma source(%dma_start3A_9 : memref<10240x64xf32, #tpu.memory_space<hbm>>) target(%arg8 : memref<128x64xf32, #tpu.memory_space<vmem>>) offsets(%dma_start3A_6 : memref<128xi32, #tpu.memory_space<vmem>>) semaphore(%arg17 : memref<!tpu.dma_semaphore, #tpu.memory_space<semaphore_mem>>)
    %dma_start3A_10 = arith.constant 1 : i32
    %dma_start3A_11 = arith.constant 0 : i32
    %dma_start3A_12 = tpu.memref_slice %arg6[%dma_start3A_10, %dma_start3A_11] : memref<80x128xi32, #tpu.memory_space<vmem>> -> memref<1x128xi32, #tpu.memory_space<vmem>>
    %dma_start3A_13 = tpu.memref_squeeze %dma_start3A_12 : memref<1x128xi32, #tpu.memory_space<vmem>> -> memref<128xi32, #tpu.memory_space<vmem>>
    %dma_start3A_14 = arith.constant 0 : i32
    %dma_start3A_15 = arith.constant 0 : i32
    %dma_start3A_16 = tpu.memref_slice %arg3[%dma_start3A_14, %dma_start3A_15] : memref<10240x64xf32, #tpu.memory_space<hbm>> -> memref<10240x64xf32, #tpu.memory_space<hbm>>
    tpu.enqueue_indirect_dma source(%dma_start3A_16 : memref<10240x64xf32, #tpu.memory_space<hbm>>) target(%arg9 : memref<128x64xf32, #tpu.memory_space<vmem>>) offsets(%dma_start3A_13 : memref<128xi32, #tpu.memory_space<vmem>>) semaphore(%arg17 : memref<!tpu.dma_semaphore, #tpu.memory_space<semaphore_mem>>)
    %dma_start3A_17 = arith.constant 2 : i32
    %dma_start3A_18 = arith.constant 0 : i32
    %dma_start3A_19 = tpu.memref_slice %arg6[%dma_start3A_17, %dma_start3A_18] : memref<80x128xi32, #tpu.memory_space<vmem>> -> memref<1x128xi32, #tpu.memory_space<vmem>>
    %dma_start3A_20 = tpu.memref_squeeze %dma_start3A_19 : memref<1x128xi32, #tpu.memory_space<vmem>> -> memref<128xi32, #tpu.memory_space<vmem>>
    %dma_start3A_21 = arith.constant 0 : i32
    %dma_start3A_22 = arith.constant 0 : i32
    %dma_start3A_23 = tpu.memref_slice %arg3[%dma_start3A_21, %dma_start3A_22] : memref<10240x64xf32, #tpu.memory_space<hbm>> -> memref<10240x64xf32, #tpu.memory_space<hbm>>
    tpu.enqueue_indirect_dma source(%dma_start3A_23 : memref<10240x64xf32, #tpu.memory_space<hbm>>) target(%arg10 : memref<128x64xf32, #tpu.memory_space<vmem>>) offsets(%dma_start3A_20 : memref<128xi32, #tpu.memory_space<vmem>>) semaphore(%arg17 : memref<!tpu.dma_semaphore, #tpu.memory_space<semaphore_mem>>)
    %dma_start3A_24 = arith.constant 3 : i32
    %dma_start3A_25 = arith.constant 0 : i32
    %dma_start3A_26 = tpu.memref_slice %arg6[%dma_start3A_24, %dma_start3A_25] : memref<80x128xi32, #tpu.memory_space<vmem>> -> memref<1x128xi32, #tpu.memory_space<vmem>>
    %dma_start3A_27 = tpu.memref_squeeze %dma_start3A_26 : memref<1x128xi32, #tpu.memory_space<vmem>> -> memref<128xi32, #tpu.memory_space<vmem>>
    %dma_start3A_28 = arith.constant 0 : i32
    %dma_start3A_29 = arith.constant 0 : i32
    %dma_start3A_30 = tpu.memref_slice %arg3[%dma_start3A_28, %dma_start3A_29] : memref<10240x64xf32, #tpu.memory_space<hbm>> -> memref<10240x64xf32, #tpu.memory_space<hbm>>
    tpu.enqueue_indirect_dma source(%dma_start3A_30 : memref<10240x64xf32, #tpu.memory_space<hbm>>) target(%arg11 : memref<128x64xf32, #tpu.memory_space<vmem>>) offsets(%dma_start3A_27 : memref<128xi32, #tpu.memory_space<vmem>>) semaphore(%arg17 : memref<!tpu.dma_semaphore, #tpu.memory_space<semaphore_mem>>)
    %dma_start3A_31 = arith.constant 4 : i32
    %dma_start3A_32 = arith.constant 0 : i32
    %dma_start3A_33 = tpu.memref_slice %arg6[%dma_start3A_31, %dma_start3A_32] : memref<80x128xi32, #tpu.memory_space<vmem>> -> memref<1x128xi32, #tpu.memory_space<vmem>>
    %dma_start3A_34 = tpu.memref_squeeze %dma_start3A_33 : memref<1x128xi32, #tpu.memory_space<vmem>> -> memref<128xi32, #tpu.memory_space<vmem>>
    %dma_start3A_35 = arith.constant 0 : i32
    %dma_start3A_36 = arith.constant 0 : i32
    %dma_start3A_37 = tpu.memref_slice %arg3[%dma_start3A_35, %dma_start3A_36] : memref<10240x64xf32, #tpu.memory_space<hbm>> -> memref<10240x64xf32, #tpu.memory_space<hbm>>
    tpu.enqueue_indirect_dma source(%dma_start3A_37 : memref<10240x64xf32, #tpu.memory_space<hbm>>) target(%arg12 : memref<128x64xf32, #tpu.memory_space<vmem>>) offsets(%dma_start3A_34 : memref<128xi32, #tpu.memory_space<vmem>>) semaphore(%arg17 : memref<!tpu.dma_semaphore, #tpu.memory_space<semaphore_mem>>)
    %dma_start3A_38 = arith.constant 5 : i32
    %dma_start3A_39 = arith.constant 0 : i32
    %dma_start3A_40 = tpu.memref_slice %arg6[%dma_start3A_38, %dma_start3A_39] : memref<80x128xi32, #tpu.memory_space<vmem>> -> memref<1x128xi32, #tpu.memory_space<vmem>>
    %dma_start3A_41 = tpu.memref_squeeze %dma_start3A_40 : memref<1x128xi32, #tpu.memory_space<vmem>> -> memref<128xi32, #tpu.memory_space<vmem>>
    %dma_start3A_42 = arith.constant 0 : i32
    %dma_start3A_43 = arith.constant 0 : i32
    %dma_start3A_44 = tpu.memref_slice %arg3[%dma_start3A_42, %dma_start3A_43] : memref<10240x64xf32, #tpu.memory_space<hbm>> -> memref<10240x64xf32, #tpu.memory_space<hbm>>
    tpu.enqueue_indirect_dma source(%dma_start3A_44 : memref<10240x64xf32, #tpu.memory_space<hbm>>) target(%arg13 : memref<128x64xf32, #tpu.memory_space<vmem>>) offsets(%dma_start3A_41 : memref<128xi32, #tpu.memory_space<vmem>>) semaphore(%arg17 : memref<!tpu.dma_semaphore, #tpu.memory_space<semaphore_mem>>)
    %dma_start3A_45 = arith.constant 6 : i32
    %dma_start3A_46 = arith.constant 0 : i32
    %dma_start3A_47 = tpu.memref_slice %arg6[%dma_start3A_45, %dma_start3A_46] : memref<80x128xi32, #tpu.memory_space<vmem>> -> memref<1x128xi32, #tpu.memory_space<vmem>>
    %dma_start3A_48 = tpu.memref_squeeze %dma_start3A_47 : memref<1x128xi32, #tpu.memory_space<vmem>> -> memref<128xi32, #tpu.memory_space<vmem>>
    %dma_start3A_49 = arith.constant 0 : i32
    %dma_start3A_50 = arith.constant 0 : i32
    %dma_start3A_51 = tpu.memref_slice %arg3[%dma_start3A_49, %dma_start3A_50] : memref<10240x64xf32, #tpu.memory_space<hbm>> -> memref<10240x64xf32, #tpu.memory_space<hbm>>
    tpu.enqueue_indirect_dma source(%dma_start3A_51 : memref<10240x64xf32, #tpu.memory_space<hbm>>) target(%arg14 : memref<128x64xf32, #tpu.memory_space<vmem>>) offsets(%dma_start3A_48 : memref<128xi32, #tpu.memory_space<vmem>>) semaphore(%arg17 : memref<!tpu.dma_semaphore, #tpu.memory_space<semaphore_mem>>)
    %dma_start3A_52 = arith.constant 7 : i32
    %dma_start3A_53 = arith.constant 0 : i32
    %dma_start3A_54 = tpu.memref_slice %arg6[%dma_start3A_52, %dma_start3A_53] : memref<80x128xi32, #tpu.memory_space<vmem>> -> memref<1x128xi32, #tpu.memory_space<vmem>>
    %dma_start3A_55 = tpu.memref_squeeze %dma_start3A_54 : memref<1x128xi32, #tpu.memory_space<vmem>> -> memref<128xi32, #tpu.memory_space<vmem>>
    %dma_start3A_56 = arith.constant 0 : i32
    %dma_start3A_57 = arith.constant 0 : i32
    %dma_start3A_58 = tpu.memref_slice %arg3[%dma_start3A_56, %dma_start3A_57] : memref<10240x64xf32, #tpu.memory_space<hbm>> -> memref<10240x64xf32, #tpu.memory_space<hbm>>
    tpu.enqueue_indirect_dma source(%dma_start3A_58 : memref<10240x64xf32, #tpu.memory_space<hbm>>) target(%arg15 : memref<128x64xf32, #tpu.memory_space<vmem>>) offsets(%dma_start3A_55 : memref<128xi32, #tpu.memory_space<vmem>>) semaphore(%arg17 : memref<!tpu.dma_semaphore, #tpu.memory_space<semaphore_mem>>)
    %scan3A = arith.constant 0 : i32
    %scan3A_59 = arith.constant 0 : i32
    %scan3A_60 = arith.constant 10 : i32
    %scan3A_61 = arith.addi %scan3A_59, %scan3A_60 : i32
    %scan3A_62 = arith.constant 1 : i32
    scf.for %scan3A_69 = %scan3A_59 to %scan3A_61 step %scan3A_62  : i32 {
      %mul3A_70 = arith.constant 8 : i32
      %mul3A_71 = arith.muli %scan3A_69, %mul3A_70 : i32
      %add3A_72 = arith.constant 0 : i32
      %add3A_73 = arith.addi %mul3A_71, %add3A_72 : i32
      %dma_wait3A = arith.constant 0 : i32
      %dma_wait3A_74 = tpu.memref_slice %arg6[%add3A_73, %dma_wait3A] : memref<80x128xi32, #tpu.memory_space<vmem>> -> memref<1x128xi32, #tpu.memory_space<vmem>>
      %dma_wait3A_75 = tpu.memref_squeeze %dma_wait3A_74 : memref<1x128xi32, #tpu.memory_space<vmem>> -> memref<128xi32, #tpu.memory_space<vmem>>
      %dma_wait3A_76 = arith.constant 0 : i32
      %dma_wait3A_77 = arith.constant 0 : i32
      %dma_wait3A_78 = tpu.memref_slice %arg3[%dma_wait3A_76, %dma_wait3A_77] : memref<10240x64xf32, #tpu.memory_space<hbm>> -> memref<10240x64xf32, #tpu.memory_space<hbm>>
      tpu.wait_indirect_dma semaphore(%arg17 : memref<!tpu.dma_semaphore, #tpu.memory_space<semaphore_mem>>) src(%dma_wait3A_78 : memref<10240x64xf32, #tpu.memory_space<hbm>>) dst(%arg8 : memref<128x64xf32, #tpu.memory_space<vmem>>)
      %dma_start3A_79 = arith.constant 0 : i32
      %dma_start3A_80 = tpu.memref_slice %arg7[%add3A_73, %dma_start3A_79] : memref<80x128xi32, #tpu.memory_space<vmem>> -> memref<1x128xi32, #tpu.memory_space<vmem>>
      %dma_start3A_81 = tpu.memref_squeeze %dma_start3A_80 : memref<1x128xi32, #tpu.memory_space<vmem>> -> memref<128xi32, #tpu.memory_space<vmem>>
      %dma_start3A_82 = arith.constant 0 : i32
      %dma_start3A_83 = arith.constant 0 : i32
      %dma_start3A_84 = tpu.memref_slice %arg16[%dma_start3A_82, %dma_start3A_83] : memref<10240x64xf32, #tpu.memory_space<vmem_shared>> -> memref<10240x64xf32, #tpu.memory_space<vmem_shared>>
      tpu.enqueue_indirect_dma source(%arg8 : memref<128x64xf32, #tpu.memory_space<vmem>>) target(%dma_start3A_84 : memref<10240x64xf32, #tpu.memory_space<vmem_shared>>) offsets(%dma_start3A_81 : memref<128xi32, #tpu.memory_space<vmem>>) semaphore(%arg18 : memref<!tpu.dma_semaphore, #tpu.memory_space<semaphore_mem>>) {add = true}
      %add3A_85 = arith.constant 1 : i32
      %add3A_86 = arith.addi %mul3A_71, %add3A_85 : i32
      %dma_wait3A_87 = arith.constant 0 : i32
      %dma_wait3A_88 = tpu.memref_slice %arg6[%add3A_86, %dma_wait3A_87] : memref<80x128xi32, #tpu.memory_space<vmem>> -> memref<1x128xi32, #tpu.memory_space<vmem>>
      %dma_wait3A_89 = tpu.memref_squeeze %dma_wait3A_88 : memref<1x128xi32, #tpu.memory_space<vmem>> -> memref<128xi32, #tpu.memory_space<vmem>>
      %dma_wait3A_90 = arith.constant 0 : i32
      %dma_wait3A_91 = arith.constant 0 : i32
      %dma_wait3A_92 = tpu.memref_slice %arg3[%dma_wait3A_90, %dma_wait3A_91] : memref<10240x64xf32, #tpu.memory_space<hbm>> -> memref<10240x64xf32, #tpu.memory_space<hbm>>
      tpu.wait_indirect_dma semaphore(%arg17 : memref<!tpu.dma_semaphore, #tpu.memory_space<semaphore_mem>>) src(%dma_wait3A_92 : memref<10240x64xf32, #tpu.memory_space<hbm>>) dst(%arg9 : memref<128x64xf32, #tpu.memory_space<vmem>>)
      %dma_start3A_93 = arith.constant 0 : i32
      %dma_start3A_94 = tpu.memref_slice %arg7[%add3A_86, %dma_start3A_93] : memref<80x128xi32, #tpu.memory_space<vmem>> -> memref<1x128xi32, #tpu.memory_space<vmem>>
      %dma_start3A_95 = tpu.memref_squeeze %dma_start3A_94 : memref<1x128xi32, #tpu.memory_space<vmem>> -> memref<128xi32, #tpu.memory_space<vmem>>
      %dma_start3A_96 = arith.constant 0 : i32
      %dma_start3A_97 = arith.constant 0 : i32
      %dma_start3A_98 = tpu.memref_slice %arg16[%dma_start3A_96, %dma_start3A_97] : memref<10240x64xf32, #tpu.memory_space<vmem_shared>> -> memref<10240x64xf32, #tpu.memory_space<vmem_shared>>
      tpu.enqueue_indirect_dma source(%arg9 : memref<128x64xf32, #tpu.memory_space<vmem>>) target(%dma_start3A_98 : memref<10240x64xf32, #tpu.memory_space<vmem_shared>>) offsets(%dma_start3A_95 : memref<128xi32, #tpu.memory_space<vmem>>) semaphore(%arg18 : memref<!tpu.dma_semaphore, #tpu.memory_space<semaphore_mem>>) {add = true}
      %add3A_99 = arith.constant 2 : i32
      %add3A_100 = arith.addi %mul3A_71, %add3A_99 : i32
      %dma_wait3A_101 = arith.constant 0 : i32
      %dma_wait3A_102 = tpu.memref_slice %arg6[%add3A_100, %dma_wait3A_101] : memref<80x128xi32, #tpu.memory_space<vmem>> -> memref<1x128xi32, #tpu.memory_space<vmem>>
      %dma_wait3A_103 = tpu.memref_squeeze %dma_wait3A_102 : memref<1x128xi32, #tpu.memory_space<vmem>> -> memref<128xi32, #tpu.memory_space<vmem>>
      %dma_wait3A_104 = arith.constant 0 : i32
      %dma_wait3A_105 = arith.constant 0 : i32
      %dma_wait3A_106 = tpu.memref_slice %arg3[%dma_wait3A_104, %dma_wait3A_105] : memref<10240x64xf32, #tpu.memory_space<hbm>> -> memref<10240x64xf32, #tpu.memory_space<hbm>>
      tpu.wait_indirect_dma semaphore(%arg17 : memref<!tpu.dma_semaphore, #tpu.memory_space<semaphore_mem>>) src(%dma_wait3A_106 : memref<10240x64xf32, #tpu.memory_space<hbm>>) dst(%arg10 : memref<128x64xf32, #tpu.memory_space<vmem>>)
      %dma_start3A_107 = arith.constant 0 : i32
      %dma_start3A_108 = tpu.memref_slice %arg7[%add3A_100, %dma_start3A_107] : memref<80x128xi32, #tpu.memory_space<vmem>> -> memref<1x128xi32, #tpu.memory_space<vmem>>
      %dma_start3A_109 = tpu.memref_squeeze %dma_start3A_108 : memref<1x128xi32, #tpu.memory_space<vmem>> -> memref<128xi32, #tpu.memory_space<vmem>>
      %dma_start3A_110 = arith.constant 0 : i32
      %dma_start3A_111 = arith.constant 0 : i32
      %dma_start3A_112 = tpu.memref_slice %arg16[%dma_start3A_110, %dma_start3A_111] : memref<10240x64xf32, #tpu.memory_space<vmem_shared>> -> memref<10240x64xf32, #tpu.memory_space<vmem_shared>>
      tpu.enqueue_indirect_dma source(%arg10 : memref<128x64xf32, #tpu.memory_space<vmem>>) target(%dma_start3A_112 : memref<10240x64xf32, #tpu.memory_space<vmem_shared>>) offsets(%dma_start3A_109 : memref<128xi32, #tpu.memory_space<vmem>>) semaphore(%arg18 : memref<!tpu.dma_semaphore, #tpu.memory_space<semaphore_mem>>) {add = true}
      %add3A_113 = arith.constant 3 : i32
      %add3A_114 = arith.addi %mul3A_71, %add3A_113 : i32
      %dma_wait3A_115 = arith.constant 0 : i32
      %dma_wait3A_116 = tpu.memref_slice %arg6[%add3A_114, %dma_wait3A_115] : memref<80x128xi32, #tpu.memory_space<vmem>> -> memref<1x128xi32, #tpu.memory_space<vmem>>
      %dma_wait3A_117 = tpu.memref_squeeze %dma_wait3A_116 : memref<1x128xi32, #tpu.memory_space<vmem>> -> memref<128xi32, #tpu.memory_space<vmem>>
      %dma_wait3A_118 = arith.constant 0 : i32
      %dma_wait3A_119 = arith.constant 0 : i32
      %dma_wait3A_120 = tpu.memref_slice %arg3[%dma_wait3A_118, %dma_wait3A_119] : memref<10240x64xf32, #tpu.memory_space<hbm>> -> memref<10240x64xf32, #tpu.memory_space<hbm>>
      tpu.wait_indirect_dma semaphore(%arg17 : memref<!tpu.dma_semaphore, #tpu.memory_space<semaphore_mem>>) src(%dma_wait3A_120 : memref<10240x64xf32, #tpu.memory_space<hbm>>) dst(%arg11 : memref<128x64xf32, #tpu.memory_space<vmem>>)
      %dma_start3A_121 = arith.constant 0 : i32
      %dma_start3A_122 = tpu.memref_slice %arg7[%add3A_114, %dma_start3A_121] : memref<80x128xi32, #tpu.memory_space<vmem>> -> memref<1x128xi32, #tpu.memory_space<vmem>>
      %dma_start3A_123 = tpu.memref_squeeze %dma_start3A_122 : memref<1x128xi32, #tpu.memory_space<vmem>> -> memref<128xi32, #tpu.memory_space<vmem>>
      %dma_start3A_124 = arith.constant 0 : i32
      %dma_start3A_125 = arith.constant 0 : i32
      %dma_start3A_126 = tpu.memref_slice %arg16[%dma_start3A_124, %dma_start3A_125] : memref<10240x64xf32, #tpu.memory_space<vmem_shared>> -> memref<10240x64xf32, #tpu.memory_space<vmem_shared>>
      tpu.enqueue_indirect_dma source(%arg11 : memref<128x64xf32, #tpu.memory_space<vmem>>) target(%dma_start3A_126 : memref<10240x64xf32, #tpu.memory_space<vmem_shared>>) offsets(%dma_start3A_123 : memref<128xi32, #tpu.memory_space<vmem>>) semaphore(%arg18 : memref<!tpu.dma_semaphore, #tpu.memory_space<semaphore_mem>>) {add = true}
      %add3A_127 = arith.constant 4 : i32
      %add3A_128 = arith.addi %mul3A_71, %add3A_127 : i32
      %dma_wait3A_129 = arith.constant 0 : i32
      %dma_wait3A_130 = tpu.memref_slice %arg6[%add3A_128, %dma_wait3A_129] : memref<80x128xi32, #tpu.memory_space<vmem>> -> memref<1x128xi32, #tpu.memory_space<vmem>>
      %dma_wait3A_131 = tpu.memref_squeeze %dma_wait3A_130 : memref<1x128xi32, #tpu.memory_space<vmem>> -> memref<128xi32, #tpu.memory_space<vmem>>
      %dma_wait3A_132 = arith.constant 0 : i32
      %dma_wait3A_133 = arith.constant 0 : i32
      %dma_wait3A_134 = tpu.memref_slice %arg3[%dma_wait3A_132, %dma_wait3A_133] : memref<10240x64xf32, #tpu.memory_space<hbm>> -> memref<10240x64xf32, #tpu.memory_space<hbm>>
      tpu.wait_indirect_dma semaphore(%arg17 : memref<!tpu.dma_semaphore, #tpu.memory_space<semaphore_mem>>) src(%dma_wait3A_134 : memref<10240x64xf32, #tpu.memory_space<hbm>>) dst(%arg12 : memref<128x64xf32, #tpu.memory_space<vmem>>)
      %dma_start3A_135 = arith.constant 0 : i32
      %dma_start3A_136 = tpu.memref_slice %arg7[%add3A_128, %dma_start3A_135] : memref<80x128xi32, #tpu.memory_space<vmem>> -> memref<1x128xi32, #tpu.memory_space<vmem>>
      %dma_start3A_137 = tpu.memref_squeeze %dma_start3A_136 : memref<1x128xi32, #tpu.memory_space<vmem>> -> memref<128xi32, #tpu.memory_space<vmem>>
      %dma_start3A_138 = arith.constant 0 : i32
      %dma_start3A_139 = arith.constant 0 : i32
      %dma_start3A_140 = tpu.memref_slice %arg16[%dma_start3A_138, %dma_start3A_139] : memref<10240x64xf32, #tpu.memory_space<vmem_shared>> -> memref<10240x64xf32, #tpu.memory_space<vmem_shared>>
      tpu.enqueue_indirect_dma source(%arg12 : memref<128x64xf32, #tpu.memory_space<vmem>>) target(%dma_start3A_140 : memref<10240x64xf32, #tpu.memory_space<vmem_shared>>) offsets(%dma_start3A_137 : memref<128xi32, #tpu.memory_space<vmem>>) semaphore(%arg18 : memref<!tpu.dma_semaphore, #tpu.memory_space<semaphore_mem>>) {add = true}
      %add3A_141 = arith.constant 5 : i32
      %add3A_142 = arith.addi %mul3A_71, %add3A_141 : i32
      %dma_wait3A_143 = arith.constant 0 : i32
      %dma_wait3A_144 = tpu.memref_slice %arg6[%add3A_142, %dma_wait3A_143] : memref<80x128xi32, #tpu.memory_space<vmem>> -> memref<1x128xi32, #tpu.memory_space<vmem>>
      %dma_wait3A_145 = tpu.memref_squeeze %dma_wait3A_144 : memref<1x128xi32, #tpu.memory_space<vmem>> -> memref<128xi32, #tpu.memory_space<vmem>>
      %dma_wait3A_146 = arith.constant 0 : i32
      %dma_wait3A_147 = arith.constant 0 : i32
      %dma_wait3A_148 = tpu.memref_slice %arg3[%dma_wait3A_146, %dma_wait3A_147] : memref<10240x64xf32, #tpu.memory_space<hbm>> -> memref<10240x64xf32, #tpu.memory_space<hbm>>
      tpu.wait_indirect_dma semaphore(%arg17 : memref<!tpu.dma_semaphore, #tpu.memory_space<semaphore_mem>>) src(%dma_wait3A_148 : memref<10240x64xf32, #tpu.memory_space<hbm>>) dst(%arg13 : memref<128x64xf32, #tpu.memory_space<vmem>>)
      %dma_start3A_149 = arith.constant 0 : i32
      %dma_start3A_150 = tpu.memref_slice %arg7[%add3A_142, %dma_start3A_149] : memref<80x128xi32, #tpu.memory_space<vmem>> -> memref<1x128xi32, #tpu.memory_space<vmem>>
      %dma_start3A_151 = tpu.memref_squeeze %dma_start3A_150 : memref<1x128xi32, #tpu.memory_space<vmem>> -> memref<128xi32, #tpu.memory_space<vmem>>
      %dma_start3A_152 = arith.constant 0 : i32
      %dma_start3A_153 = arith.constant 0 : i32
      %dma_start3A_154 = tpu.memref_slice %arg16[%dma_start3A_152, %dma_start3A_153] : memref<10240x64xf32, #tpu.memory_space<vmem_shared>> -> memref<10240x64xf32, #tpu.memory_space<vmem_shared>>
      tpu.enqueue_indirect_dma source(%arg13 : memref<128x64xf32, #tpu.memory_space<vmem>>) target(%dma_start3A_154 : memref<10240x64xf32, #tpu.memory_space<vmem_shared>>) offsets(%dma_start3A_151 : memref<128xi32, #tpu.memory_space<vmem>>) semaphore(%arg18 : memref<!tpu.dma_semaphore, #tpu.memory_space<semaphore_mem>>) {add = true}
      %add3A_155 = arith.constant 6 : i32
      %add3A_156 = arith.addi %mul3A_71, %add3A_155 : i32
      %dma_wait3A_157 = arith.constant 0 : i32
      %dma_wait3A_158 = tpu.memref_slice %arg6[%add3A_156, %dma_wait3A_157] : memref<80x128xi32, #tpu.memory_space<vmem>> -> memref<1x128xi32, #tpu.memory_space<vmem>>
      %dma_wait3A_159 = tpu.memref_squeeze %dma_wait3A_158 : memref<1x128xi32, #tpu.memory_space<vmem>> -> memref<128xi32, #tpu.memory_space<vmem>>
      %dma_wait3A_160 = arith.constant 0 : i32
      %dma_wait3A_161 = arith.constant 0 : i32
      %dma_wait3A_162 = tpu.memref_slice %arg3[%dma_wait3A_160, %dma_wait3A_161] : memref<10240x64xf32, #tpu.memory_space<hbm>> -> memref<10240x64xf32, #tpu.memory_space<hbm>>
      tpu.wait_indirect_dma semaphore(%arg17 : memref<!tpu.dma_semaphore, #tpu.memory_space<semaphore_mem>>) src(%dma_wait3A_162 : memref<10240x64xf32, #tpu.memory_space<hbm>>) dst(%arg14 : memref<128x64xf32, #tpu.memory_space<vmem>>)
      %dma_start3A_163 = arith.constant 0 : i32
      %dma_start3A_164 = tpu.memref_slice %arg7[%add3A_156, %dma_start3A_163] : memref<80x128xi32, #tpu.memory_space<vmem>> -> memref<1x128xi32, #tpu.memory_space<vmem>>
      %dma_start3A_165 = tpu.memref_squeeze %dma_start3A_164 : memref<1x128xi32, #tpu.memory_space<vmem>> -> memref<128xi32, #tpu.memory_space<vmem>>
      %dma_start3A_166 = arith.constant 0 : i32
      %dma_start3A_167 = arith.constant 0 : i32
      %dma_start3A_168 = tpu.memref_slice %arg16[%dma_start3A_166, %dma_start3A_167] : memref<10240x64xf32, #tpu.memory_space<vmem_shared>> -> memref<10240x64xf32, #tpu.memory_space<vmem_shared>>
      tpu.enqueue_indirect_dma source(%arg14 : memref<128x64xf32, #tpu.memory_space<vmem>>) target(%dma_start3A_168 : memref<10240x64xf32, #tpu.memory_space<vmem_shared>>) offsets(%dma_start3A_165 : memref<128xi32, #tpu.memory_space<vmem>>) semaphore(%arg18 : memref<!tpu.dma_semaphore, #tpu.memory_space<semaphore_mem>>) {add = true}
      %add3A_169 = arith.constant 7 : i32
      %add3A_170 = arith.addi %mul3A_71, %add3A_169 : i32
      %dma_wait3A_171 = arith.constant 0 : i32
      %dma_wait3A_172 = tpu.memref_slice %arg6[%add3A_170, %dma_wait3A_171] : memref<80x128xi32, #tpu.memory_space<vmem>> -> memref<1x128xi32, #tpu.memory_space<vmem>>
      %dma_wait3A_173 = tpu.memref_squeeze %dma_wait3A_172 : memref<1x128xi32, #tpu.memory_space<vmem>> -> memref<128xi32, #tpu.memory_space<vmem>>
      %dma_wait3A_174 = arith.constant 0 : i32
      %dma_wait3A_175 = arith.constant 0 : i32
      %dma_wait3A_176 = tpu.memref_slice %arg3[%dma_wait3A_174, %dma_wait3A_175] : memref<10240x64xf32, #tpu.memory_space<hbm>> -> memref<10240x64xf32, #tpu.memory_space<hbm>>
      tpu.wait_indirect_dma semaphore(%arg17 : memref<!tpu.dma_semaphore, #tpu.memory_space<semaphore_mem>>) src(%dma_wait3A_176 : memref<10240x64xf32, #tpu.memory_space<hbm>>) dst(%arg15 : memref<128x64xf32, #tpu.memory_space<vmem>>)
      %dma_start3A_177 = arith.constant 0 : i32
      %dma_start3A_178 = tpu.memref_slice %arg7[%add3A_170, %dma_start3A_177] : memref<80x128xi32, #tpu.memory_space<vmem>> -> memref<1x128xi32, #tpu.memory_space<vmem>>
      %dma_start3A_179 = tpu.memref_squeeze %dma_start3A_178 : memref<1x128xi32, #tpu.memory_space<vmem>> -> memref<128xi32, #tpu.memory_space<vmem>>
      %dma_start3A_180 = arith.constant 0 : i32
      %dma_start3A_181 = arith.constant 0 : i32
      %dma_start3A_182 = tpu.memref_slice %arg16[%dma_start3A_180, %dma_start3A_181] : memref<10240x64xf32, #tpu.memory_space<vmem_shared>> -> memref<10240x64xf32, #tpu.memory_space<vmem_shared>>
      tpu.enqueue_indirect_dma source(%arg15 : memref<128x64xf32, #tpu.memory_space<vmem>>) target(%dma_start3A_182 : memref<10240x64xf32, #tpu.memory_space<vmem_shared>>) offsets(%dma_start3A_179 : memref<128xi32, #tpu.memory_space<vmem>>) semaphore(%arg18 : memref<!tpu.dma_semaphore, #tpu.memory_space<semaphore_mem>>) {add = true}
      %add3A_183 = arith.constant 0 : i32
      %add3A_184 = arith.addi %mul3A_71, %add3A_183 : i32
      %dma_wait3A_185 = arith.constant 0 : i32
      %dma_wait3A_186 = tpu.memref_slice %arg7[%add3A_184, %dma_wait3A_185] : memref<80x128xi32, #tpu.memory_space<vmem>> -> memref<1x128xi32, #tpu.memory_space<vmem>>
      %dma_wait3A_187 = tpu.memref_squeeze %dma_wait3A_186 : memref<1x128xi32, #tpu.memory_space<vmem>> -> memref<128xi32, #tpu.memory_space<vmem>>
      %dma_wait3A_188 = arith.constant 0 : i32
      %dma_wait3A_189 = arith.constant 0 : i32
      %dma_wait3A_190 = tpu.memref_slice %arg16[%dma_wait3A_188, %dma_wait3A_189] : memref<10240x64xf32, #tpu.memory_space<vmem_shared>> -> memref<10240x64xf32, #tpu.memory_space<vmem_shared>>
      tpu.wait_indirect_dma semaphore(%arg18 : memref<!tpu.dma_semaphore, #tpu.memory_space<semaphore_mem>>) src(%arg8 : memref<128x64xf32, #tpu.memory_space<vmem>>) dst(%dma_wait3A_190 : memref<10240x64xf32, #tpu.memory_space<vmem_shared>>)
      %add3A_191 = arith.constant 8 : i32
      %add3A_192 = arith.addi %add3A_184, %add3A_191 : i32
      %lt3A = arith.constant 80 : i32
      %lt3A_193 = arith.cmpi slt, %add3A_192, %lt3A : i32
      %convert_element_type3A = arith.extui %lt3A_193 : i1 to i32
      %cond3A = arith.constant 0 : i32
      %cond3A_194 = arith.cmpi ne, %convert_element_type3A, %cond3A : i32
      scf.if %cond3A_194 {
        %add3A_300 = arith.constant 8 : i32
        %add3A_301 = arith.addi %add3A_184, %add3A_300 : i32
        %dma_start3A_302 = arith.constant 0 : i32
        %dma_start3A_303 = tpu.memref_slice %arg6[%add3A_301, %dma_start3A_302] : memref<80x128xi32, #tpu.memory_space<vmem>> -> memref<1x128xi32, #tpu.memory_space<vmem>>
        %dma_start3A_304 = tpu.memref_squeeze %dma_start3A_303 : memref<1x128xi32, #tpu.memory_space<vmem>> -> memref<128xi32, #tpu.memory_space<vmem>>
        %dma_start3A_305 = arith.constant 0 : i32
        %dma_start3A_306 = arith.constant 0 : i32
        %dma_start3A_307 = tpu.memref_slice %arg3[%dma_start3A_305, %dma_start3A_306] : memref<10240x64xf32, #tpu.memory_space<hbm>> -> memref<10240x64xf32, #tpu.memory_space<hbm>>
        tpu.enqueue_indirect_dma source(%dma_start3A_307 : memref<10240x64xf32, #tpu.memory_space<hbm>>) target(%arg8 : memref<128x64xf32, #tpu.memory_space<vmem>>) offsets(%dma_start3A_304 : memref<128xi32, #tpu.memory_space<vmem>>) semaphore(%arg17 : memref<!tpu.dma_semaphore, #tpu.memory_space<semaphore_mem>>)
      } else {
      }
      %add3A_195 = arith.constant 1 : i32
      %add3A_196 = arith.addi %mul3A_71, %add3A_195 : i32
      %dma_wait3A_197 = arith.constant 0 : i32
      %dma_wait3A_198 = tpu.memref_slice %arg7[%add3A_196, %dma_wait3A_197] : memref<80x128xi32, #tpu.memory_space<vmem>> -> memref<1x128xi32, #tpu.memory_space<vmem>>
      %dma_wait3A_199 = tpu.memref_squeeze %dma_wait3A_198 : memref<1x128xi32, #tpu.memory_space<vmem>> -> memref<128xi32, #tpu.memory_space<vmem>>
      %dma_wait3A_200 = arith.constant 0 : i32
      %dma_wait3A_201 = arith.constant 0 : i32
      %dma_wait3A_202 = tpu.memref_slice %arg16[%dma_wait3A_200, %dma_wait3A_201] : memref<10240x64xf32, #tpu.memory_space<vmem_shared>> -> memref<10240x64xf32, #tpu.memory_space<vmem_shared>>
      tpu.wait_indirect_dma semaphore(%arg18 : memref<!tpu.dma_semaphore, #tpu.memory_space<semaphore_mem>>) src(%arg9 : memref<128x64xf32, #tpu.memory_space<vmem>>) dst(%dma_wait3A_202 : memref<10240x64xf32, #tpu.memory_space<vmem_shared>>)
      %add3A_203 = arith.constant 8 : i32
      %add3A_204 = arith.addi %add3A_196, %add3A_203 : i32
      %lt3A_205 = arith.constant 80 : i32
      %lt3A_206 = arith.cmpi slt, %add3A_204, %lt3A_205 : i32
      %convert_element_type3A_207 = arith.extui %lt3A_206 : i1 to i32
      %cond3A_208 = arith.constant 0 : i32
      %cond3A_209 = arith.cmpi ne, %convert_element_type3A_207, %cond3A_208 : i32
      scf.if %cond3A_209 {
        %add3A_300 = arith.constant 8 : i32
        %add3A_301 = arith.addi %add3A_196, %add3A_300 : i32
        %dma_start3A_302 = arith.constant 0 : i32
        %dma_start3A_303 = tpu.memref_slice %arg6[%add3A_301, %dma_start3A_302] : memref<80x128xi32, #tpu.memory_space<vmem>> -> memref<1x128xi32, #tpu.memory_space<vmem>>
        %dma_start3A_304 = tpu.memref_squeeze %dma_start3A_303 : memref<1x128xi32, #tpu.memory_space<vmem>> -> memref<128xi32, #tpu.memory_space<vmem>>
        %dma_start3A_305 = arith.constant 0 : i32
        %dma_start3A_306 = arith.constant 0 : i32
        %dma_start3A_307 = tpu.memref_slice %arg3[%dma_start3A_305, %dma_start3A_306] : memref<10240x64xf32, #tpu.memory_space<hbm>> -> memref<10240x64xf32, #tpu.memory_space<hbm>>
        tpu.enqueue_indirect_dma source(%dma_start3A_307 : memref<10240x64xf32, #tpu.memory_space<hbm>>) target(%arg9 : memref<128x64xf32, #tpu.memory_space<vmem>>) offsets(%dma_start3A_304 : memref<128xi32, #tpu.memory_space<vmem>>) semaphore(%arg17 : memref<!tpu.dma_semaphore, #tpu.memory_space<semaphore_mem>>)
      } else {
      }
      %add3A_210 = arith.constant 2 : i32
      %add3A_211 = arith.addi %mul3A_71, %add3A_210 : i32
      %dma_wait3A_212 = arith.constant 0 : i32
      %dma_wait3A_213 = tpu.memref_slice %arg7[%add3A_211, %dma_wait3A_212] : memref<80x128xi32, #tpu.memory_space<vmem>> -> memref<1x128xi32, #tpu.memory_space<vmem>>
      %dma_wait3A_214 = tpu.memref_squeeze %dma_wait3A_213 : memref<1x128xi32, #tpu.memory_space<vmem>> -> memref<128xi32, #tpu.memory_space<vmem>>
      %dma_wait3A_215 = arith.constant 0 : i32
      %dma_wait3A_216 = arith.constant 0 : i32
      %dma_wait3A_217 = tpu.memref_slice %arg16[%dma_wait3A_215, %dma_wait3A_216] : memref<10240x64xf32, #tpu.memory_space<vmem_shared>> -> memref<10240x64xf32, #tpu.memory_space<vmem_shared>>
      tpu.wait_indirect_dma semaphore(%arg18 : memref<!tpu.dma_semaphore, #tpu.memory_space<semaphore_mem>>) src(%arg10 : memref<128x64xf32, #tpu.memory_space<vmem>>) dst(%dma_wait3A_217 : memref<10240x64xf32, #tpu.memory_space<vmem_shared>>)
      %add3A_218 = arith.constant 8 : i32
      %add3A_219 = arith.addi %add3A_211, %add3A_218 : i32
      %lt3A_220 = arith.constant 80 : i32
      %lt3A_221 = arith.cmpi slt, %add3A_219, %lt3A_220 : i32
      %convert_element_type3A_222 = arith.extui %lt3A_221 : i1 to i32
      %cond3A_223 = arith.constant 0 : i32
      %cond3A_224 = arith.cmpi ne, %convert_element_type3A_222, %cond3A_223 : i32
      scf.if %cond3A_224 {
        %add3A_300 = arith.constant 8 : i32
        %add3A_301 = arith.addi %add3A_211, %add3A_300 : i32
        %dma_start3A_302 = arith.constant 0 : i32
        %dma_start3A_303 = tpu.memref_slice %arg6[%add3A_301, %dma_start3A_302] : memref<80x128xi32, #tpu.memory_space<vmem>> -> memref<1x128xi32, #tpu.memory_space<vmem>>
        %dma_start3A_304 = tpu.memref_squeeze %dma_start3A_303 : memref<1x128xi32, #tpu.memory_space<vmem>> -> memref<128xi32, #tpu.memory_space<vmem>>
        %dma_start3A_305 = arith.constant 0 : i32
        %dma_start3A_306 = arith.constant 0 : i32
        %dma_start3A_307 = tpu.memref_slice %arg3[%dma_start3A_305, %dma_start3A_306] : memref<10240x64xf32, #tpu.memory_space<hbm>> -> memref<10240x64xf32, #tpu.memory_space<hbm>>
        tpu.enqueue_indirect_dma source(%dma_start3A_307 : memref<10240x64xf32, #tpu.memory_space<hbm>>) target(%arg10 : memref<128x64xf32, #tpu.memory_space<vmem>>) offsets(%dma_start3A_304 : memref<128xi32, #tpu.memory_space<vmem>>) semaphore(%arg17 : memref<!tpu.dma_semaphore, #tpu.memory_space<semaphore_mem>>)
      } else {
      }
      %add3A_225 = arith.constant 3 : i32
      %add3A_226 = arith.addi %mul3A_71, %add3A_225 : i32
      %dma_wait3A_227 = arith.constant 0 : i32
      %dma_wait3A_228 = tpu.memref_slice %arg7[%add3A_226, %dma_wait3A_227] : memref<80x128xi32, #tpu.memory_space<vmem>> -> memref<1x128xi32, #tpu.memory_space<vmem>>
      %dma_wait3A_229 = tpu.memref_squeeze %dma_wait3A_228 : memref<1x128xi32, #tpu.memory_space<vmem>> -> memref<128xi32, #tpu.memory_space<vmem>>
      %dma_wait3A_230 = arith.constant 0 : i32
      %dma_wait3A_231 = arith.constant 0 : i32
      %dma_wait3A_232 = tpu.memref_slice %arg16[%dma_wait3A_230, %dma_wait3A_231] : memref<10240x64xf32, #tpu.memory_space<vmem_shared>> -> memref<10240x64xf32, #tpu.memory_space<vmem_shared>>
      tpu.wait_indirect_dma semaphore(%arg18 : memref<!tpu.dma_semaphore, #tpu.memory_space<semaphore_mem>>) src(%arg11 : memref<128x64xf32, #tpu.memory_space<vmem>>) dst(%dma_wait3A_232 : memref<10240x64xf32, #tpu.memory_space<vmem_shared>>)
      %add3A_233 = arith.constant 8 : i32
      %add3A_234 = arith.addi %add3A_226, %add3A_233 : i32
      %lt3A_235 = arith.constant 80 : i32
      %lt3A_236 = arith.cmpi slt, %add3A_234, %lt3A_235 : i32
      %convert_element_type3A_237 = arith.extui %lt3A_236 : i1 to i32
      %cond3A_238 = arith.constant 0 : i32
      %cond3A_239 = arith.cmpi ne, %convert_element_type3A_237, %cond3A_238 : i32
      scf.if %cond3A_239 {
        %add3A_300 = arith.constant 8 : i32
        %add3A_301 = arith.addi %add3A_226, %add3A_300 : i32
        %dma_start3A_302 = arith.constant 0 : i32
        %dma_start3A_303 = tpu.memref_slice %arg6[%add3A_301, %dma_start3A_302] : memref<80x128xi32, #tpu.memory_space<vmem>> -> memref<1x128xi32, #tpu.memory_space<vmem>>
        %dma_start3A_304 = tpu.memref_squeeze %dma_start3A_303 : memref<1x128xi32, #tpu.memory_space<vmem>> -> memref<128xi32, #tpu.memory_space<vmem>>
        %dma_start3A_305 = arith.constant 0 : i32
        %dma_start3A_306 = arith.constant 0 : i32
        %dma_start3A_307 = tpu.memref_slice %arg3[%dma_start3A_305, %dma_start3A_306] : memref<10240x64xf32, #tpu.memory_space<hbm>> -> memref<10240x64xf32, #tpu.memory_space<hbm>>
        tpu.enqueue_indirect_dma source(%dma_start3A_307 : memref<10240x64xf32, #tpu.memory_space<hbm>>) target(%arg11 : memref<128x64xf32, #tpu.memory_space<vmem>>) offsets(%dma_start3A_304 : memref<128xi32, #tpu.memory_space<vmem>>) semaphore(%arg17 : memref<!tpu.dma_semaphore, #tpu.memory_space<semaphore_mem>>)
      } else {
      }
      %add3A_240 = arith.constant 4 : i32
      %add3A_241 = arith.addi %mul3A_71, %add3A_240 : i32
      %dma_wait3A_242 = arith.constant 0 : i32
      %dma_wait3A_243 = tpu.memref_slice %arg7[%add3A_241, %dma_wait3A_242] : memref<80x128xi32, #tpu.memory_space<vmem>> -> memref<1x128xi32, #tpu.memory_space<vmem>>
      %dma_wait3A_244 = tpu.memref_squeeze %dma_wait3A_243 : memref<1x128xi32, #tpu.memory_space<vmem>> -> memref<128xi32, #tpu.memory_space<vmem>>
      %dma_wait3A_245 = arith.constant 0 : i32
      %dma_wait3A_246 = arith.constant 0 : i32
      %dma_wait3A_247 = tpu.memref_slice %arg16[%dma_wait3A_245, %dma_wait3A_246] : memref<10240x64xf32, #tpu.memory_space<vmem_shared>> -> memref<10240x64xf32, #tpu.memory_space<vmem_shared>>
      tpu.wait_indirect_dma semaphore(%arg18 : memref<!tpu.dma_semaphore, #tpu.memory_space<semaphore_mem>>) src(%arg12 : memref<128x64xf32, #tpu.memory_space<vmem>>) dst(%dma_wait3A_247 : memref<10240x64xf32, #tpu.memory_space<vmem_shared>>)
      %add3A_248 = arith.constant 8 : i32
      %add3A_249 = arith.addi %add3A_241, %add3A_248 : i32
      %lt3A_250 = arith.constant 80 : i32
      %lt3A_251 = arith.cmpi slt, %add3A_249, %lt3A_250 : i32
      %convert_element_type3A_252 = arith.extui %lt3A_251 : i1 to i32
      %cond3A_253 = arith.constant 0 : i32
      %cond3A_254 = arith.cmpi ne, %convert_element_type3A_252, %cond3A_253 : i32
      scf.if %cond3A_254 {
        %add3A_300 = arith.constant 8 : i32
        %add3A_301 = arith.addi %add3A_241, %add3A_300 : i32
        %dma_start3A_302 = arith.constant 0 : i32
        %dma_start3A_303 = tpu.memref_slice %arg6[%add3A_301, %dma_start3A_302] : memref<80x128xi32, #tpu.memory_space<vmem>> -> memref<1x128xi32, #tpu.memory_space<vmem>>
        %dma_start3A_304 = tpu.memref_squeeze %dma_start3A_303 : memref<1x128xi32, #tpu.memory_space<vmem>> -> memref<128xi32, #tpu.memory_space<vmem>>
        %dma_start3A_305 = arith.constant 0 : i32
        %dma_start3A_306 = arith.constant 0 : i32
        %dma_start3A_307 = tpu.memref_slice %arg3[%dma_start3A_305, %dma_start3A_306] : memref<10240x64xf32, #tpu.memory_space<hbm>> -> memref<10240x64xf32, #tpu.memory_space<hbm>>
        tpu.enqueue_indirect_dma source(%dma_start3A_307 : memref<10240x64xf32, #tpu.memory_space<hbm>>) target(%arg12 : memref<128x64xf32, #tpu.memory_space<vmem>>) offsets(%dma_start3A_304 : memref<128xi32, #tpu.memory_space<vmem>>) semaphore(%arg17 : memref<!tpu.dma_semaphore, #tpu.memory_space<semaphore_mem>>)
      } else {
      }
      %add3A_255 = arith.constant 5 : i32
      %add3A_256 = arith.addi %mul3A_71, %add3A_255 : i32
      %dma_wait3A_257 = arith.constant 0 : i32
      %dma_wait3A_258 = tpu.memref_slice %arg7[%add3A_256, %dma_wait3A_257] : memref<80x128xi32, #tpu.memory_space<vmem>> -> memref<1x128xi32, #tpu.memory_space<vmem>>
      %dma_wait3A_259 = tpu.memref_squeeze %dma_wait3A_258 : memref<1x128xi32, #tpu.memory_space<vmem>> -> memref<128xi32, #tpu.memory_space<vmem>>
      %dma_wait3A_260 = arith.constant 0 : i32
      %dma_wait3A_261 = arith.constant 0 : i32
      %dma_wait3A_262 = tpu.memref_slice %arg16[%dma_wait3A_260, %dma_wait3A_261] : memref<10240x64xf32, #tpu.memory_space<vmem_shared>> -> memref<10240x64xf32, #tpu.memory_space<vmem_shared>>
      tpu.wait_indirect_dma semaphore(%arg18 : memref<!tpu.dma_semaphore, #tpu.memory_space<semaphore_mem>>) src(%arg13 : memref<128x64xf32, #tpu.memory_space<vmem>>) dst(%dma_wait3A_262 : memref<10240x64xf32, #tpu.memory_space<vmem_shared>>)
      %add3A_263 = arith.constant 8 : i32
      %add3A_264 = arith.addi %add3A_256, %add3A_263 : i32
      %lt3A_265 = arith.constant 80 : i32
      %lt3A_266 = arith.cmpi slt, %add3A_264, %lt3A_265 : i32
      %convert_element_type3A_267 = arith.extui %lt3A_266 : i1 to i32
      %cond3A_268 = arith.constant 0 : i32
      %cond3A_269 = arith.cmpi ne, %convert_element_type3A_267, %cond3A_268 : i32
      scf.if %cond3A_269 {
        %add3A_300 = arith.constant 8 : i32
        %add3A_301 = arith.addi %add3A_256, %add3A_300 : i32
        %dma_start3A_302 = arith.constant 0 : i32
        %dma_start3A_303 = tpu.memref_slice %arg6[%add3A_301, %dma_start3A_302] : memref<80x128xi32, #tpu.memory_space<vmem>> -> memref<1x128xi32, #tpu.memory_space<vmem>>
        %dma_start3A_304 = tpu.memref_squeeze %dma_start3A_303 : memref<1x128xi32, #tpu.memory_space<vmem>> -> memref<128xi32, #tpu.memory_space<vmem>>
        %dma_start3A_305 = arith.constant 0 : i32
        %dma_start3A_306 = arith.constant 0 : i32
        %dma_start3A_307 = tpu.memref_slice %arg3[%dma_start3A_305, %dma_start3A_306] : memref<10240x64xf32, #tpu.memory_space<hbm>> -> memref<10240x64xf32, #tpu.memory_space<hbm>>
        tpu.enqueue_indirect_dma source(%dma_start3A_307 : memref<10240x64xf32, #tpu.memory_space<hbm>>) target(%arg13 : memref<128x64xf32, #tpu.memory_space<vmem>>) offsets(%dma_start3A_304 : memref<128xi32, #tpu.memory_space<vmem>>) semaphore(%arg17 : memref<!tpu.dma_semaphore, #tpu.memory_space<semaphore_mem>>)
      } else {
      }
      %add3A_270 = arith.constant 6 : i32
      %add3A_271 = arith.addi %mul3A_71, %add3A_270 : i32
      %dma_wait3A_272 = arith.constant 0 : i32
      %dma_wait3A_273 = tpu.memref_slice %arg7[%add3A_271, %dma_wait3A_272] : memref<80x128xi32, #tpu.memory_space<vmem>> -> memref<1x128xi32, #tpu.memory_space<vmem>>
      %dma_wait3A_274 = tpu.memref_squeeze %dma_wait3A_273 : memref<1x128xi32, #tpu.memory_space<vmem>> -> memref<128xi32, #tpu.memory_space<vmem>>
      %dma_wait3A_275 = arith.constant 0 : i32
      %dma_wait3A_276 = arith.constant 0 : i32
      %dma_wait3A_277 = tpu.memref_slice %arg16[%dma_wait3A_275, %dma_wait3A_276] : memref<10240x64xf32, #tpu.memory_space<vmem_shared>> -> memref<10240x64xf32, #tpu.memory_space<vmem_shared>>
      tpu.wait_indirect_dma semaphore(%arg18 : memref<!tpu.dma_semaphore, #tpu.memory_space<semaphore_mem>>) src(%arg14 : memref<128x64xf32, #tpu.memory_space<vmem>>) dst(%dma_wait3A_277 : memref<10240x64xf32, #tpu.memory_space<vmem_shared>>)
      %add3A_278 = arith.constant 8 : i32
      %add3A_279 = arith.addi %add3A_271, %add3A_278 : i32
      %lt3A_280 = arith.constant 80 : i32
      %lt3A_281 = arith.cmpi slt, %add3A_279, %lt3A_280 : i32
      %convert_element_type3A_282 = arith.extui %lt3A_281 : i1 to i32
      %cond3A_283 = arith.constant 0 : i32
      %cond3A_284 = arith.cmpi ne, %convert_element_type3A_282, %cond3A_283 : i32
      scf.if %cond3A_284 {
        %add3A_300 = arith.constant 8 : i32
        %add3A_301 = arith.addi %add3A_271, %add3A_300 : i32
        %dma_start3A_302 = arith.constant 0 : i32
        %dma_start3A_303 = tpu.memref_slice %arg6[%add3A_301, %dma_start3A_302] : memref<80x128xi32, #tpu.memory_space<vmem>> -> memref<1x128xi32, #tpu.memory_space<vmem>>
        %dma_start3A_304 = tpu.memref_squeeze %dma_start3A_303 : memref<1x128xi32, #tpu.memory_space<vmem>> -> memref<128xi32, #tpu.memory_space<vmem>>
        %dma_start3A_305 = arith.constant 0 : i32
        %dma_start3A_306 = arith.constant 0 : i32
        %dma_start3A_307 = tpu.memref_slice %arg3[%dma_start3A_305, %dma_start3A_306] : memref<10240x64xf32, #tpu.memory_space<hbm>> -> memref<10240x64xf32, #tpu.memory_space<hbm>>
        tpu.enqueue_indirect_dma source(%dma_start3A_307 : memref<10240x64xf32, #tpu.memory_space<hbm>>) target(%arg14 : memref<128x64xf32, #tpu.memory_space<vmem>>) offsets(%dma_start3A_304 : memref<128xi32, #tpu.memory_space<vmem>>) semaphore(%arg17 : memref<!tpu.dma_semaphore, #tpu.memory_space<semaphore_mem>>)
      } else {
      }
      %add3A_285 = arith.constant 7 : i32
      %add3A_286 = arith.addi %mul3A_71, %add3A_285 : i32
      %dma_wait3A_287 = arith.constant 0 : i32
      %dma_wait3A_288 = tpu.memref_slice %arg7[%add3A_286, %dma_wait3A_287] : memref<80x128xi32, #tpu.memory_space<vmem>> -> memref<1x128xi32, #tpu.memory_space<vmem>>
      %dma_wait3A_289 = tpu.memref_squeeze %dma_wait3A_288 : memref<1x128xi32, #tpu.memory_space<vmem>> -> memref<128xi32, #tpu.memory_space<vmem>>
      %dma_wait3A_290 = arith.constant 0 : i32
      %dma_wait3A_291 = arith.constant 0 : i32
      %dma_wait3A_292 = tpu.memref_slice %arg16[%dma_wait3A_290, %dma_wait3A_291] : memref<10240x64xf32, #tpu.memory_space<vmem_shared>> -> memref<10240x64xf32, #tpu.memory_space<vmem_shared>>
      tpu.wait_indirect_dma semaphore(%arg18 : memref<!tpu.dma_semaphore, #tpu.memory_space<semaphore_mem>>) src(%arg15 : memref<128x64xf32, #tpu.memory_space<vmem>>) dst(%dma_wait3A_292 : memref<10240x64xf32, #tpu.memory_space<vmem_shared>>)
      %add3A_293 = arith.constant 8 : i32
      %add3A_294 = arith.addi %add3A_286, %add3A_293 : i32
      %lt3A_295 = arith.constant 80 : i32
      %lt3A_296 = arith.cmpi slt, %add3A_294, %lt3A_295 : i32
      %convert_element_type3A_297 = arith.extui %lt3A_296 : i1 to i32
      %cond3A_298 = arith.constant 0 : i32
      %cond3A_299 = arith.cmpi ne, %convert_element_type3A_297, %cond3A_298 : i32
      scf.if %cond3A_299 {
        %add3A_300 = arith.constant 8 : i32
        %add3A_301 = arith.addi %add3A_286, %add3A_300 : i32
        %dma_start3A_302 = arith.constant 0 : i32
        %dma_start3A_303 = tpu.memref_slice %arg6[%add3A_301, %dma_start3A_302] : memref<80x128xi32, #tpu.memory_space<vmem>> -> memref<1x128xi32, #tpu.memory_space<vmem>>
        %dma_start3A_304 = tpu.memref_squeeze %dma_start3A_303 : memref<1x128xi32, #tpu.memory_space<vmem>> -> memref<128xi32, #tpu.memory_space<vmem>>
        %dma_start3A_305 = arith.constant 0 : i32
        %dma_start3A_306 = arith.constant 0 : i32
        %dma_start3A_307 = tpu.memref_slice %arg3[%dma_start3A_305, %dma_start3A_306] : memref<10240x64xf32, #tpu.memory_space<hbm>> -> memref<10240x64xf32, #tpu.memory_space<hbm>>
        tpu.enqueue_indirect_dma source(%dma_start3A_307 : memref<10240x64xf32, #tpu.memory_space<hbm>>) target(%arg15 : memref<128x64xf32, #tpu.memory_space<vmem>>) offsets(%dma_start3A_304 : memref<128xi32, #tpu.memory_space<vmem>>) semaphore(%arg17 : memref<!tpu.dma_semaphore, #tpu.memory_space<semaphore_mem>>)
      } else {
      }
    }
    %scan3A_63 = arith.constant 10 : i32
    %barrier3A_64 = arith.constant 0 : index
    tpu.barrier barrier_id(%barrier3A_64)
    %mul3A_65 = arith.constant 640 : i32
    %mul3A_66 = arith.muli %arg1, %mul3A_65 : i32
    %mul3A_67 = arith.constant 640 : i32
    %mul3A_68 = arith.muli %arg1, %mul3A_67 : i32
    "tpu.region"() ({
      %run_scoped3A_69 = tpu.sem_alloc : memref<!tpu.dma_semaphore, #tpu.memory_space<semaphore_mem>>
      %dma_start3A_70 = arith.constant 0 : i32
      %dma_start3A_71 = tpu.memref_slice %arg5[%arg0, %mul3A_68, %dma_start3A_70] : memref<2x10240x128xf32, #tpu.memory_space<hbm>> -> memref<1x640x64xf32, #tpu.memory_space<hbm>>
      %dma_start3A_72 = tpu.memref_squeeze %dma_start3A_71 : memref<1x640x64xf32, #tpu.memory_space<hbm>> -> memref<640x64xf32, #tpu.memory_space<hbm>>
      %dma_start3A_73 = arith.constant 0 : i32
      %dma_start3A_74 = tpu.memref_slice %arg16[%mul3A_66, %dma_start3A_73] : memref<10240x64xf32, #tpu.memory_space<vmem_shared>> -> memref<640x64xf32, #tpu.memory_space<vmem_shared>>
      tpu.enqueue_dma source(%dma_start3A_74 : memref<640x64xf32, #tpu.memory_space<vmem_shared>>) target(%dma_start3A_72 : memref<640x64xf32, #tpu.memory_space<hbm>>) target_semaphore(%run_scoped3A_69 : memref<!tpu.dma_semaphore, #tpu.memory_space<semaphore_mem>>)
      %dma_wait3A = arith.constant 0 : i32
      %dma_wait3A_75 = tpu.memref_slice %arg5[%arg0, %mul3A_68, %dma_wait3A] : memref<2x10240x128xf32, #tpu.memory_space<hbm>> -> memref<1x640x64xf32, #tpu.memory_space<hbm>>
      %dma_wait3A_76 = tpu.memref_squeeze %dma_wait3A_75 : memref<1x640x64xf32, #tpu.memory_space<hbm>> -> memref<640x64xf32, #tpu.memory_space<hbm>>
      %dma_wait3A_77 = arith.constant 0 : i32
      %dma_wait3A_78 = tpu.memref_slice %arg16[%mul3A_66, %dma_wait3A_77] : memref<10240x64xf32, #tpu.memory_space<vmem_shared>> -> memref<640x64xf32, #tpu.memory_space<vmem_shared>>
      tpu.wait_dma2 semaphore(%run_scoped3A_69 : memref<!tpu.dma_semaphore, #tpu.memory_space<semaphore_mem>>) src(%dma_wait3A_78 : memref<640x64xf32, #tpu.memory_space<vmem_shared>>) dst(%dma_wait3A_76 : memref<640x64xf32, #tpu.memory_space<hbm>>)
      tpu.yield
    }) : () -> ()
    return
  }
}

module attributes {stable_mosaic.version = 14 : i64} {
  func.func @_tca_body(%arg0: i32, %arg1: memref<2560x128xf32, #tpu.memory_space<vmem>>, %arg2: memref<128x64xf32, #tpu.memory_space<vmem>>, %arg3: memref<2x2560x128xf32, #tpu.memory_space<vmem>>, %arg4: memref<2560x64xf32, #tpu.memory_space<vmem>>, %arg5: memref<2560x64xf32, #tpu.memory_space<vmem>>) attributes {dimension_semantics = [#tpu.dimension_semantics<arbitrary>], iteration_bounds = array<i64: 4>, scalar_prefetch = 0 : i64, scratch_operands = 0 : i64, tpu.core_type = #tpu.core_type<tc>, window_params = [{transform_indices = @transform_0, window_bounds = array<i64: 2560, 128>}, {pipeline_mode = #tpu.pipeline_mode<synchronous>, transform_indices = @transform_1, window_bounds = array<i64: 128, 64>}, {transform_indices = @transform_2, window_bounds = array<i64: 2, 2560, 128>}, {transform_indices = @transform_3, window_bounds = array<i64: 2560, 64>}, {transform_indices = @transform_4, window_bounds = array<i64: 2560, 64>}]} {
    %get3A = arith.constant 0 : index
    %get3A_0 = arith.constant 0 : index
    %get3A_1 = arith.constant 0 : index
    %get3A_2 = vector.load %arg3[%get3A, %get3A_0, %get3A_1] : memref<2x2560x128xf32, #tpu.memory_space<vmem>>, vector<2x2560x128xf32>
    %slice3A = vector.extract_strided_slice %get3A_2 {offsets = [0, 0, 0], sizes = [1, 2560, 1], strides = [1, 1, 1]} : vector<2x2560x128xf32> to vector<1x2560x1xf32>
    %squeeze3A = vector.shape_cast %slice3A : vector<1x2560x1xf32> to vector<2560x1xf32>
    %slice3A_3 = vector.extract_strided_slice %get3A_2 {offsets = [1, 0, 0], sizes = [1, 2560, 1], strides = [1, 1, 1]} : vector<2x2560x128xf32> to vector<1x2560x1xf32>
    %squeeze3A_4 = vector.shape_cast %slice3A_3 : vector<1x2560x1xf32> to vector<2560x1xf32>
    %add3A = arith.addf %squeeze3A, %squeeze3A_4 : vector<2560x1xf32>
    %add3A_5 = arith.constant 1.000000e+00 : f32
    %add3A_6 = vector.broadcast %add3A_5 : f32 to vector<2560x1xf32>
    %add3A_7 = arith.addf %add3A, %add3A_6 : vector<2560x1xf32>
    %rsqrt3A = math.rsqrt %add3A_7 : vector<2560x1xf32>
    %get3A_8 = arith.constant 0 : index
    %get3A_9 = arith.constant 0 : index
    %get3A_10 = vector.load %arg1[%get3A_8, %get3A_9] : memref<2560x128xf32, #tpu.memory_space<vmem>>, vector<2560x128xf32>
    %get3A_11 = arith.constant 0 : index
    %get3A_12 = arith.constant 0 : index
    %get3A_13 = vector.load %arg2[%get3A_11, %get3A_12] : memref<128x64xf32, #tpu.memory_space<vmem>>, vector<128x64xf32>
    %dot_general3A = arith.constant dense<0.000000e+00> : vector<2560x64xf32>
    %dot_general3A_14 = tpu.matmul %get3A_10, %get3A_13, %dot_general3A {dimension_numbers = #tpu.dot_dimension_numbers<[1], [0], [0], [1], [0, 0, 1, 1], [], []>, transpose_lhs_hint = false} : vector<2560x128xf32>, vector<128x64xf32>, vector<2560x64xf32> -> vector<2560x64xf32>
    %mul3A = arith.constant 2560 : i32
    %mul3A_15 = arith.muli %arg0, %mul3A : i32
    %iota3A = tpu.iota {dimensions = array<i32: 0>} : vector<2560x1xi32>
    %add3A_16 = vector.broadcast %mul3A_15 : i32 to vector<2560x1xi32>
    %add3A_17 = arith.addi %add3A_16, %iota3A : vector<2560x1xi32>
    %lt3A = arith.constant 10000 : i32
    %lt3A_18 = vector.broadcast %lt3A : i32 to vector<2560x1xi32>
    %lt3A_19 = arith.cmpi slt, %add3A_17, %lt3A_18 : vector<2560x1xi32>
    %mul3A_20 = vector.broadcast %rsqrt3A : vector<2560x1xf32> to vector<2560x64xf32>
    %mul3A_21 = arith.mulf %dot_general3A_14, %mul3A_20 : vector<2560x64xf32>
    %jit3A = arith.constant 0.000000e+00 : f32
    %broadcast_in_dim3A = vector.shape_cast %lt3A_19 : vector<2560x1xi1> to vector<2560x1xi1>
    %broadcast_in_dim3A_22 = vector.broadcast %broadcast_in_dim3A : vector<2560x1xi1> to vector<2560x64xi1>
    %broadcast_in_dim3A_23 = vector.broadcast %jit3A : f32 to vector<2560x64xf32>
    %select_n3A = arith.select %broadcast_in_dim3A_22, %mul3A_21, %broadcast_in_dim3A_23 : vector<2560x64xi1>, vector<2560x64xf32>
    %swap3A = arith.constant 0 : index
    %swap3A_24 = arith.constant 0 : index
    %swap3A_25 = vector.load %arg4[%swap3A, %swap3A_24] : memref<2560x64xf32, #tpu.memory_space<vmem>>, vector<2560x64xf32>
    tpu.vector_store %arg4[%swap3A, %swap3A_24], %select_n3A {strides = array<i32>} : memref<2560x64xf32, #tpu.memory_space<vmem>>, vector<2560x64xf32>,
    %broadcast_in_dim3A_26 = vector.shape_cast %rsqrt3A : vector<2560x1xf32> to vector<2560x1xf32>
    %broadcast_in_dim3A_27 = vector.broadcast %broadcast_in_dim3A_26 : vector<2560x1xf32> to vector<2560x64xf32>
    %swap3A_28 = arith.constant 0 : index
    %swap3A_29 = arith.constant 0 : index
    %swap3A_30 = vector.load %arg5[%swap3A_28, %swap3A_29] : memref<2560x64xf32, #tpu.memory_space<vmem>>, vector<2560x64xf32>
    tpu.vector_store %arg5[%swap3A_28, %swap3A_29], %broadcast_in_dim3A_27 {strides = array<i32>} : memref<2560x64xf32, #tpu.memory_space<vmem>>, vector<2560x64xf32>,
    return
  }
  func.func @transform_0(%arg0: i32) -> (i32, i32) {
    %c0_i32 = arith.constant 0 : i32
    %c0_i32_0 = arith.constant 0 : i32
    return %arg0, %c0_i32 : i32, i32
  }
  func.func @transform_1(%arg0: i32) -> (i32, i32) {
    %c0_i32 = arith.constant 0 : i32
    %c0_i32_0 = arith.constant 0 : i32
    %c0_i32_1 = arith.constant 0 : i32
    return %c0_i32, %c0_i32_0 : i32, i32
  }
  func.func @transform_2(%arg0: i32) -> (i32, i32, i32) {
    %c0_i32 = arith.constant 0 : i32
    %c0_i32_0 = arith.constant 0 : i32
    %c0_i32_1 = arith.constant 0 : i32
    return %c0_i32, %arg0, %c0_i32_0 : i32, i32, i32
  }
  func.func @transform_3(%arg0: i32) -> (i32, i32) {
    %c0_i32 = arith.constant 0 : i32
    %c0_i32_0 = arith.constant 0 : i32
    return %arg0, %c0_i32 : i32, i32
  }
  func.func @transform_4(%arg0: i32) -> (i32, i32) {
    %c0_i32 = arith.constant 0 : i32
    %c0_i32_0 = arith.constant 0 : i32
    return %arg0, %c0_i32 : i32, i32
  }
}

module attributes {stable_mosaic.version = 14 : i64} {
  func.func @_tcd_body(%arg0: i32, %arg1: memref<2x2560x128xf32, #tpu.memory_space<vmem>>, %arg2: memref<2560x64xf32, #tpu.memory_space<vmem>>, %arg3: memref<2560x64xf32, #tpu.memory_space<vmem>>, %arg4: memref<1x64xf32, #tpu.memory_space<vmem>>, %arg5: memref<64x64xf32, #tpu.memory_space<vmem>>, %arg6: memref<2560x64xf32, #tpu.memory_space<vmem>>) attributes {dimension_semantics = [#tpu.dimension_semantics<arbitrary>], iteration_bounds = array<i64: 4>, scalar_prefetch = 0 : i64, scratch_operands = 0 : i64, tpu.core_type = #tpu.core_type<tc>, window_params = [{transform_indices = @transform_0, window_bounds = array<i64: 2, 2560, 128>}, {transform_indices = @transform_1, window_bounds = array<i64: 2560, 64>}, {transform_indices = @transform_2, window_bounds = array<i64: 2560, 64>}, {pipeline_mode = #tpu.pipeline_mode<synchronous>, transform_indices = @transform_3, window_bounds = array<i64: 1, 64>}, {pipeline_mode = #tpu.pipeline_mode<synchronous>, transform_indices = @transform_4, window_bounds = array<i64: 64, 64>}, {transform_indices = @transform_5, window_bounds = array<i64: 2560, 64>}]} {
    %get3A = arith.constant 0 : index
    %get3A_0 = arith.constant 0 : index
    %get3A_1 = vector.load %arg3[%get3A, %get3A_0] : memref<2560x64xf32, #tpu.memory_space<vmem>>, vector<2560x64xf32>
    %get3A_2 = arith.constant 0 : index
    %get3A_3 = arith.constant 0 : index
    %get3A_4 = arith.constant 0 : index
    %get3A_5 = vector.load %arg1[%get3A_2, %get3A_3, %get3A_4] : memref<2x2560x128xf32, #tpu.memory_space<vmem>>, vector<2x2560x128xf32>
    %slice3A = vector.extract_strided_slice %get3A_5 {offsets = [0, 0, 0], sizes = [2, 2560, 64], strides = [1, 1, 1]} : vector<2x2560x128xf32> to vector<2x2560x64xf32>
    %slice3A_6 = vector.extract_strided_slice %slice3A {offsets = [0, 0, 0], sizes = [1, 2560, 64], strides = [1, 1, 1]} : vector<2x2560x64xf32> to vector<1x2560x64xf32>
    %squeeze3A = vector.shape_cast %slice3A_6 : vector<1x2560x64xf32> to vector<2560x64xf32>
    %slice3A_7 = vector.extract_strided_slice %slice3A {offsets = [1, 0, 0], sizes = [1, 2560, 64], strides = [1, 1, 1]} : vector<2x2560x64xf32> to vector<1x2560x64xf32>
    %squeeze3A_8 = vector.shape_cast %slice3A_7 : vector<1x2560x64xf32> to vector<2560x64xf32>
    %add3A = arith.addf %squeeze3A, %squeeze3A_8 : vector<2560x64xf32>
    %get3A_9 = arith.constant 0 : index
    %get3A_10 = arith.constant 0 : index
    %get3A_11 = vector.load %arg2[%get3A_9, %get3A_10] : memref<2560x64xf32, #tpu.memory_space<vmem>>, vector<2560x64xf32>
    %add3A_12 = arith.addf %add3A, %get3A_11 : vector<2560x64xf32>
    %mul3A = arith.mulf %get3A_1, %add3A_12 : vector<2560x64xf32>
    %get3A_13 = arith.constant 0 : index
    %get3A_14 = arith.constant 0 : index
    %get3A_15 = vector.load %arg4[%get3A_13, %get3A_14] : memref<1x64xf32, #tpu.memory_space<vmem>>, vector<1x64xf32>
    %add3A_16 = vector.broadcast %get3A_15 : vector<1x64xf32> to vector<2560x64xf32>
    %add3A_17 = arith.addf %mul3A, %add3A_16 : vector<2560x64xf32>
    %max3A = arith.constant 0.000000e+00 : f32
    %max3A_18 = vector.broadcast %max3A : f32 to vector<2560x64xf32>
    %max3A_19 = arith.maximumf %add3A_17, %max3A_18 : vector<2560x64xf32>
    %get3A_20 = arith.constant 0 : index
    %get3A_21 = arith.constant 0 : index
    %get3A_22 = vector.load %arg5[%get3A_20, %get3A_21] : memref<64x64xf32, #tpu.memory_space<vmem>>, vector<64x64xf32>
    %dot_general3A = arith.constant dense<0.000000e+00> : vector<2560x64xf32>
    %dot_general3A_23 = tpu.matmul %max3A_19, %get3A_22, %dot_general3A {dimension_numbers = #tpu.dot_dimension_numbers<[1], [0], [0], [1], [0, 0, 1, 1], [], []>, transpose_lhs_hint = false} : vector<2560x64xf32>, vector<64x64xf32>, vector<2560x64xf32> -> vector<2560x64xf32>
    %mul3A_24 = arith.mulf %dot_general3A_23, %get3A_1 : vector<2560x64xf32>
    %swap3A = arith.constant 0 : index
    %swap3A_25 = arith.constant 0 : index
    %swap3A_26 = vector.load %arg6[%swap3A, %swap3A_25] : memref<2560x64xf32, #tpu.memory_space<vmem>>, vector<2560x64xf32>
    tpu.vector_store %arg6[%swap3A, %swap3A_25], %mul3A_24 {strides = array<i32>} : memref<2560x64xf32, #tpu.memory_space<vmem>>, vector<2560x64xf32>,
    return
  }
  func.func @transform_0(%arg0: i32) -> (i32, i32, i32) {
    %c0_i32 = arith.constant 0 : i32
    %c0_i32_0 = arith.constant 0 : i32
    %c0_i32_1 = arith.constant 0 : i32
    return %c0_i32, %arg0, %c0_i32_0 : i32, i32, i32
  }
  func.func @transform_1(%arg0: i32) -> (i32, i32) {
    %c0_i32 = arith.constant 0 : i32
    %c0_i32_0 = arith.constant 0 : i32
    return %arg0, %c0_i32 : i32, i32
  }
  func.func @transform_2(%arg0: i32) -> (i32, i32) {
    %c0_i32 = arith.constant 0 : i32
    %c0_i32_0 = arith.constant 0 : i32
    return %arg0, %c0_i32 : i32, i32
  }
  func.func @transform_3(%arg0: i32) -> (i32, i32) {
    %c0_i32 = arith.constant 0 : i32
    %c0_i32_0 = arith.constant 0 : i32
    %c0_i32_1 = arith.constant 0 : i32
    return %c0_i32, %c0_i32_0 : i32, i32
  }
  func.func @transform_4(%arg0: i32) -> (i32, i32) {
    %c0_i32 = arith.constant 0 : i32
    %c0_i32_0 = arith.constant 0 : i32
    %c0_i32_1 = arith.constant 0 : i32
    return %c0_i32, %c0_i32_0 : i32, i32
  }
  func.func @transform_5(%arg0: i32) -> (i32, i32) {
    %c0_i32 = arith.constant 0 : i32
    %c0_i32_0 = arith.constant 0 : i32
    return %arg0, %c0_i32 : i32, i32
  }
}

module attributes {stable_mosaic.version = 14 : i64} {
  func.func @_tcf_body(%arg0: i32, %arg1: memref<2x2560x128xf32, #tpu.memory_space<vmem>>, %arg2: memref<2560x64xf32, #tpu.memory_space<vmem>>, %arg3: memref<2560x64xf32, #tpu.memory_space<vmem>>, %arg4: memref<1x64xf32, #tpu.memory_space<vmem>>, %arg5: memref<2560x1xi32, #tpu.memory_space<vmem>>, %arg6: memref<64x1xf32, #tpu.memory_space<vmem>>, %arg7: memref<64x1xf32, #tpu.memory_space<vmem>>, %arg8: memref<1x1xf32, #tpu.memory_space<vmem>>, %arg9: memref<1x1xf32, #tpu.memory_space<vmem>>, %arg10: memref<64x1xf32, #tpu.memory_space<vmem>>, %arg11: memref<64x64xf32, #tpu.memory_space<vmem>>, %arg12: memref<64x1xf32, #tpu.memory_space<vmem>>) attributes {dimension_semantics = [#tpu.dimension_semantics<arbitrary>], iteration_bounds = array<i64: 4>, scalar_prefetch = 0 : i64, scratch_operands = 2 : i64, tpu.core_type = #tpu.core_type<tc>, window_params = [{transform_indices = @transform_0, window_bounds = array<i64: 2, 2560, 128>}, {transform_indices = @transform_1, window_bounds = array<i64: 2560, 64>}, {transform_indices = @transform_2, window_bounds = array<i64: 2560, 64>}, {pipeline_mode = #tpu.pipeline_mode<synchronous>, transform_indices = @transform_3, window_bounds = array<i64: 1, 64>}, {transform_indices = @transform_4, window_bounds = array<i64: 2560, 1>}, {pipeline_mode = #tpu.pipeline_mode<synchronous>, transform_indices = @transform_5, window_bounds = array<i64: 64, 1>}, {pipeline_mode = #tpu.pipeline_mode<synchronous>, transform_indices = @transform_6, window_bounds = array<i64: 64, 1>}, {pipeline_mode = #tpu.pipeline_mode<synchronous>, transform_indices = @transform_7, window_bounds = array<i64: 1, 1>}, {pipeline_mode = #tpu.pipeline_mode<synchronous>, transform_indices = @transform_8, window_bounds = array<i64: 1, 1>}, {pipeline_mode = #tpu.pipeline_mode<synchronous>, transform_indices = @transform_9, window_bounds = array<i64: 64, 1>}]} {
    %eq3A = arith.constant 0 : i32
    %eq3A_0 = arith.cmpi eq, %arg0, %eq3A : i32
    %convert_element_type3A = arith.extui %eq3A_0 : i1 to i32
    %cond3A = arith.constant 0 : i32
    %cond3A_1 = arith.cmpi ne, %convert_element_type3A, %cond3A : i32
    scf.if %cond3A_1 {
      %broadcast_in_dim3A_51 = arith.constant 0.000000e+00 : f32
      %broadcast_in_dim3A_52 = vector.broadcast %broadcast_in_dim3A_51 : f32 to vector<64x64xf32>
      %swap3A_53 = arith.constant 0 : index
      %swap3A_54 = arith.constant 0 : index
      %swap3A_55 = vector.load %arg11[%swap3A_53, %swap3A_54] : memref<64x64xf32, #tpu.memory_space<vmem>>, vector<64x64xf32>
      tpu.vector_store %arg11[%swap3A_53, %swap3A_54], %broadcast_in_dim3A_52 {strides = array<i32>} : memref<64x64xf32, #tpu.memory_space<vmem>>, vector<64x64xf32>,
      %broadcast_in_dim3A_56 = arith.constant 0.000000e+00 : f32
      %broadcast_in_dim3A_57 = vector.broadcast %broadcast_in_dim3A_56 : f32 to vector<64x1xf32>
      %swap3A_58 = arith.constant 0 : index
      %swap3A_59 = arith.constant 0 : index
      %swap3A_60 = vector.load %arg12[%swap3A_58, %swap3A_59] : memref<64x1xf32, #tpu.memory_space<vmem>>, vector<64x1xf32>
      tpu.vector_store %arg12[%swap3A_58, %swap3A_59], %broadcast_in_dim3A_57 {strides = array<i32>} : memref<64x1xf32, #tpu.memory_space<vmem>>, vector<64x1xf32>,
    } else {
    }
    %get3A = arith.constant 0 : index
    %get3A_2 = arith.constant 0 : index
    %get3A_3 = vector.load %arg3[%get3A, %get3A_2] : memref<2560x64xf32, #tpu.memory_space<vmem>>, vector<2560x64xf32>
    %get3A_4 = arith.constant 0 : index
    %get3A_5 = arith.constant 0 : index
    %get3A_6 = arith.constant 0 : index
    %get3A_7 = vector.load %arg1[%get3A_4, %get3A_5, %get3A_6] : memref<2x2560x128xf32, #tpu.memory_space<vmem>>, vector<2x2560x128xf32>
    %slice3A = vector.extract_strided_slice %get3A_7 {offsets = [0, 0, 0], sizes = [2, 2560, 64], strides = [1, 1, 1]} : vector<2x2560x128xf32> to vector<2x2560x64xf32>
    %slice3A_8 = vector.extract_strided_slice %slice3A {offsets = [0, 0, 0], sizes = [1, 2560, 64], strides = [1, 1, 1]} : vector<2x2560x64xf32> to vector<1x2560x64xf32>
    %squeeze3A = vector.shape_cast %slice3A_8 : vector<1x2560x64xf32> to vector<2560x64xf32>
    %slice3A_9 = vector.extract_strided_slice %slice3A {offsets = [1, 0, 0], sizes = [1, 2560, 64], strides = [1, 1, 1]} : vector<2x2560x64xf32> to vector<1x2560x64xf32>
    %squeeze3A_10 = vector.shape_cast %slice3A_9 : vector<1x2560x64xf32> to vector<2560x64xf32>
    %add3A = arith.addf %squeeze3A, %squeeze3A_10 : vector<2560x64xf32>
    %get3A_11 = arith.constant 0 : index
    %get3A_12 = arith.constant 0 : index
    %get3A_13 = vector.load %arg2[%get3A_11, %get3A_12] : memref<2560x64xf32, #tpu.memory_space<vmem>>, vector<2560x64xf32>
    %add3A_14 = arith.addf %add3A, %get3A_13 : vector<2560x64xf32>
    %mul3A = arith.mulf %get3A_3, %add3A_14 : vector<2560x64xf32>
    %get3A_15 = arith.constant 0 : index
    %get3A_16 = arith.constant 0 : index
    %get3A_17 = vector.load %arg4[%get3A_15, %get3A_16] : memref<1x64xf32, #tpu.memory_space<vmem>>, vector<1x64xf32>
    %add3A_18 = vector.broadcast %get3A_17 : vector<1x64xf32> to vector<2560x64xf32>
    %add3A_19 = arith.addf %mul3A, %add3A_18 : vector<2560x64xf32>
    %max3A = arith.constant 0.000000e+00 : f32
    %max3A_20 = vector.broadcast %max3A : f32 to vector<2560x64xf32>
    %max3A_21 = arith.maximumf %add3A_19, %max3A_20 : vector<2560x64xf32>
    %get3A_22 = arith.constant 0 : index
    %get3A_23 = arith.constant 0 : index
    %get3A_24 = vector.load %arg5[%get3A_22, %get3A_23] : memref<2560x1xi32, #tpu.memory_space<vmem>>, vector<2560x1xi32>
    %iota3A = tpu.iota {dimensions = array<i32: 1>} : vector<2560x64xi32>
    %eq3A_25 = vector.broadcast %get3A_24 : vector<2560x1xi32> to vector<2560x64xi32>
    %eq3A_26 = arith.cmpi eq, %eq3A_25, %iota3A : vector<2560x64xi32>
    %convert_element_type3A_27 = arith.extui %eq3A_26 : vector<2560x64xi1> to vector<2560x64xi32>
    %convert_element_type3A_28 = arith.sitofp %convert_element_type3A_27 : vector<2560x64xi32> to vector<2560x64xf32>
    %get3A_29 = arith.constant 0 : index
    %get3A_30 = arith.constant 0 : index
    %get3A_31 = vector.load %arg11[%get3A_29, %get3A_30] : memref<64x64xf32, #tpu.memory_space<vmem>>, vector<64x64xf32>
    %dot_general3A = arith.constant dense<0.000000e+00> : vector<64x64xf32>
    %dot_general3A_32 = tpu.matmul %convert_element_type3A_28, %max3A_21, %dot_general3A {dimension_numbers = #tpu.dot_dimension_numbers<[0], [0], [1], [1], [0, 1, 1, 1], [], []>, transpose_lhs_hint = false} : vector<2560x64xf32>, vector<2560x64xf32>, vector<64x64xf32> -> vector<64x64xf32>
    %add3A_33 = arith.addf %get3A_31, %dot_general3A_32 : vector<64x64xf32>
    %swap3A = arith.constant 0 : index
    %swap3A_34 = arith.constant 0 : index
    %swap3A_35 = vector.load %arg11[%swap3A, %swap3A_34] : memref<64x64xf32, #tpu.memory_space<vmem>>, vector<64x64xf32>
    tpu.vector_store %arg11[%swap3A, %swap3A_34], %add3A_33 {strides = array<i32>} : memref<64x64xf32, #tpu.memory_space<vmem>>, vector<64x64xf32>,
    %get3A_36 = arith.constant 0 : index
    %get3A_37 = arith.constant 0 : index
    %get3A_38 = vector.load %arg12[%get3A_36, %get3A_37] : memref<64x1xf32, #tpu.memory_space<vmem>>, vector<64x1xf32>
    %broadcast_in_dim3A = arith.constant 1.000000e+00 : f32
    %broadcast_in_dim3A_39 = vector.broadcast %broadcast_in_dim3A : f32 to vector<2560x1xf32>
    %dot_general3A_40 = arith.constant dense<0.000000e+00> : vector<64x1xf32>
    %dot_general3A_41 = tpu.matmul %convert_element_type3A_28, %broadcast_in_dim3A_39, %dot_general3A_40 {dimension_numbers = #tpu.dot_dimension_numbers<[0], [0], [1], [1], [0, 1, 1, 1], [], []>, transpose_lhs_hint = false} : vector<2560x64xf32>, vector<2560x1xf32>, vector<64x1xf32> -> vector<64x1xf32>
    %add3A_42 = arith.addf %get3A_38, %dot_general3A_41 : vector<64x1xf32>
    %swap3A_43 = arith.constant 0 : index
    %swap3A_44 = arith.constant 0 : index
    %swap3A_45 = vector.load %arg12[%swap3A_43, %swap3A_44] : memref<64x1xf32, #tpu.memory_space<vmem>>, vector<64x1xf32>
    tpu.vector_store %arg12[%swap3A_43, %swap3A_44], %add3A_42 {strides = array<i32>} : memref<64x1xf32, #tpu.memory_space<vmem>>, vector<64x1xf32>,
    %eq3A_46 = arith.constant 3 : i32
    %eq3A_47 = arith.cmpi eq, %arg0, %eq3A_46 : i32
    %convert_element_type3A_48 = arith.extui %eq3A_47 : i1 to i32
    %cond3A_49 = arith.constant 0 : i32
    %cond3A_50 = arith.cmpi ne, %convert_element_type3A_48, %cond3A_49 : i32
    scf.if %cond3A_50 {
      %get3A_51 = arith.constant 0 : index
      %get3A_52 = arith.constant 0 : index
      %get3A_53 = vector.load %arg11[%get3A_51, %get3A_52] : memref<64x64xf32, #tpu.memory_space<vmem>>, vector<64x64xf32>
      %get3A_54 = arith.constant 0 : index
      %get3A_55 = arith.constant 0 : index
      %get3A_56 = vector.load %arg12[%get3A_54, %get3A_55] : memref<64x1xf32, #tpu.memory_space<vmem>>, vector<64x1xf32>
      %max3A_57 = arith.constant 1.000000e+00 : f32
      %max3A_58 = vector.broadcast %max3A_57 : f32 to vector<64x1xf32>
      %max3A_59 = arith.maximumf %get3A_56, %max3A_58 : vector<64x1xf32>
      %div3A = vector.broadcast %max3A_59 : vector<64x1xf32> to vector<64x64xf32>
      %div3A_60 = arith.divf %get3A_53, %div3A : vector<64x64xf32>
      %get3A_61 = arith.constant 0 : index
      %get3A_62 = arith.constant 0 : index
      %get3A_63 = vector.load %arg7[%get3A_61, %get3A_62] : memref<64x1xf32, #tpu.memory_space<vmem>>, vector<64x1xf32>
      %dot_general3A_64 = arith.constant dense<0.000000e+00> : vector<64x1xf32>
      %dot_general3A_65 = tpu.matmul %div3A_60, %get3A_63, %dot_general3A_64 {dimension_numbers = #tpu.dot_dimension_numbers<[1], [0], [0], [1], [0, 0, 1, 1], [], []>, transpose_lhs_hint = false} : vector<64x64xf32>, vector<64x1xf32>, vector<64x1xf32> -> vector<64x1xf32>
      %get3A_66 = arith.constant 0 : index
      %get3A_67 = arith.constant 0 : index
      %get3A_68 = vector.load %arg6[%get3A_66, %get3A_67] : memref<64x1xf32, #tpu.memory_space<vmem>>, vector<64x1xf32>
      %get3A_69 = arith.constant 0 : index
      %get3A_70 = arith.constant 0 : index
      %get3A_71 = vector.load %arg8[%get3A_69, %get3A_70] : memref<1x1xf32, #tpu.memory_space<vmem>>, vector<1x1xf32>
      %mul3A_72 = vector.broadcast %get3A_71 : vector<1x1xf32> to vector<64x1xf32>
      %mul3A_73 = arith.mulf %get3A_68, %mul3A_72 : vector<64x1xf32>
      %add3A_74 = arith.addf %dot_general3A_65, %mul3A_73 : vector<64x1xf32>
      %get3A_75 = arith.constant 0 : index
      %get3A_76 = arith.constant 0 : index
      %get3A_77 = vector.load %arg9[%get3A_75, %get3A_76] : memref<1x1xf32, #tpu.memory_space<vmem>>, vector<1x1xf32>
      %add3A_78 = vector.broadcast %get3A_77 : vector<1x1xf32> to vector<64x1xf32>
      %add3A_79 = arith.addf %add3A_74, %add3A_78 : vector<64x1xf32>
      %swap3A_80 = arith.constant 0 : index
      %swap3A_81 = arith.constant 0 : index
      %swap3A_82 = vector.load %arg10[%swap3A_80, %swap3A_81] : memref<64x1xf32, #tpu.memory_space<vmem>>, vector<64x1xf32>
      tpu.vector_store %arg10[%swap3A_80, %swap3A_81], %add3A_79 {strides = array<i32>} : memref<64x1xf32, #tpu.memory_space<vmem>>, vector<64x1xf32>,
    } else {
    }
    return
  }
  func.func @transform_0(%arg0: i32) -> (i32, i32, i32) {
    %c0_i32 = arith.constant 0 : i32
    %c0_i32_0 = arith.constant 0 : i32
    %c0_i32_1 = arith.constant 0 : i32
    return %c0_i32, %arg0, %c0_i32_0 : i32, i32, i32
  }
  func.func @transform_1(%arg0: i32) -> (i32, i32) {
    %c0_i32 = arith.constant 0 : i32
    %c0_i32_0 = arith.constant 0 : i32
    return %arg0, %c0_i32 : i32, i32
  }
  func.func @transform_2(%arg0: i32) -> (i32, i32) {
    %c0_i32 = arith.constant 0 : i32
    %c0_i32_0 = arith.constant 0 : i32
    return %arg0, %c0_i32 : i32, i32
  }
  func.func @transform_3(%arg0: i32) -> (i32, i32) {
    %c0_i32 = arith.constant 0 : i32
    %c0_i32_0 = arith.constant 0 : i32
    %c0_i32_1 = arith.constant 0 : i32
    return %c0_i32, %c0_i32_0 : i32, i32
  }
  func.func @transform_4(%arg0: i32) -> (i32, i32) {
    %c0_i32 = arith.constant 0 : i32
    %c0_i32_0 = arith.constant 0 : i32
    return %arg0, %c0_i32 : i32, i32
  }
  func.func @transform_5(%arg0: i32) -> (i32, i32) {
    %c0_i32 = arith.constant 0 : i32
    %c0_i32_0 = arith.constant 0 : i32
    %c0_i32_1 = arith.constant 0 : i32
    return %c0_i32, %c0_i32_0 : i32, i32
  }
  func.func @transform_6(%arg0: i32) -> (i32, i32) {
    %c0_i32 = arith.constant 0 : i32
    %c0_i32_0 = arith.constant 0 : i32
    %c0_i32_1 = arith.constant 0 : i32
    return %c0_i32, %c0_i32_0 : i32, i32
  }
  func.func @transform_7(%arg0: i32) -> (i32, i32) {
    %c0_i32 = arith.constant 0 : i32
    %c0_i32_0 = arith.constant 0 : i32
    %c0_i32_1 = arith.constant 0 : i32
    return %c0_i32, %c0_i32_0 : i32, i32
  }
  func.func @transform_8(%arg0: i32) -> (i32, i32) {
    %c0_i32 = arith.constant 0 : i32
    %c0_i32_0 = arith.constant 0 : i32
    %c0_i32_1 = arith.constant 0 : i32
    return %c0_i32, %c0_i32_0 : i32, i32
  }
  func.func @transform_9(%arg0: i32) -> (i32, i32) {
    %c0_i32 = arith.constant 0 : i32
    %c0_i32_0 = arith.constant 0 : i32
    %c0_i32_1 = arith.constant 0 : i32
    return %c0_i32, %c0_i32_0 : i32, i32
  }
}

</mosaic_0001>

<sc_bundles>
// kernel: kernel.11.cloned.1.call-start
scs
__scs_entry_jumppad:
0x0: {  	(pc) =	sbr.rel $0x88, $3  }
0x1: {  	(tag) =	ssettag $0x0;
	lr =	simm.s32 $0x1  }
0x2: {  	[smem:$0x3F97] =	sst lr;
	_ =	strace $0xD0000000  }
0x3: {  	_ = 	snop  }
0x4: {  	_ = 	snop  }
0x5: {  	_ = 	snop  }
0x6: {  	_ = 	snop  }
0x7: {  	_ = 	snop  }
__scs_overlays_trampoline_lowered:
0x8: {  	[smem:$0x3FA6] =	sst s0  }
0x9: {  	[smem:$0x3FA7] =	sst s1  }
0xa: {  	[smem:$0x3FA8] =	sst s2  }
0xb: {  	[smem:$0x3FA9] =	sst s3  }
0xc: {  	[smem:$0x3FAA] =	sst s4  }
0xd: {  	[smem:$0x3FAB] =	sst s5  }
0xe: {  	[smem:$0x3FAC] =	sst s6  }
0xf: {  	[smem:$0x3FAD] =	sst s7  }
0x10: {  	[smem:$0x3FAE] =	sst s8  }
0x11: {  	[smem:$0x3FAF] =	sst s9;
	s0 =	simm.s32 @!p0 $0x0  }
0x12: {  	s1 =	sld [smem:$0x3F95];
	s0 =	simm.s32 @p0 $0x1  }
0x13: {  	[smem:$0x3FB0] =	sst s0;
	s0 =	simm.s32 @!p1 $0x0  }
0x14: {  	s2 =	sld [smem:$0x3F94];
	s0 =	simm.s32 @p1 $0x1  }
0x15: {  	[smem:$0x3FB1] =	sst s0;
	s0 =	simm.s32 @!p2 $0x0  }
0x16: {  	s3 =	sld [smem:$0x3FDB];
	s0 =	simm.s32 @p2 $0x1  }
0x17: {  	s4 =	simm.s32 $0x1BF5;
	[smem:$0x3FB3] =	sst s0  }
0x18: {  	s0 =	sld [smem:$0x3F96];
	_ =	swait.ge [sflag:s4], $0x0  }
0x19: {  	s7 =	sld [smem:$0x3F97]  }
0x1a: {  	s8 =	sadd.s32 $0xFFFFE003, lr  }
0x1b: {  	s9 =	sadd.s32 $0xFFFFFEF7, lr;
	s5 =	simm.s32 $0xFFFFFFFF;
	p2 =	slt.u32 s8, $0xFFFFF086  }
0x1c: {  	p1 =	slt.u32 s9, $0xF7A;
	s5 =	simm.s32 @!p2 $0x0  }
0x1d: {  	s5 =	simm.s32 @p1 $0x1;
	p0 =	seq.s32 s7, s2  }
0x1e: {  	s7 =	smul.u32 @!p0 $0xF7A, s2;
	p2 =	seq.s32 @!p0 s5, $0x0  }
0x1f: {  	s9 =	smul.u32 $0xF7A, s1;
	s8 =	simm.s32 @!p0 $0x1BF5;
	p2 =	por !p2, p0  }
0x20: {  	[sflag:s8] =	ssyncset.s32 @!p0 $0xFFFFF086;
	s6 =	sadd.s32 @!p0 s3, s7;
	s7 =	simm.s32 @!p0 $0x108  }
0x21: {  	s3 =	sadd.s32 s3, s9;
	s6 =	sadd.s32 @!p0 $0x88, s6;
	s7 =	simm.s32 @p2 $0x1082  }
0x22: {  	[simem:s7], [sflag:s8] =	dma.local @!p0 [hbm:s6], $0xF7A  }
0x23: {  	s9 =	sor.u32 $0xD0000000, s2;
	s6 =	simm.s32 $0x108;
	_ =	swait.ge @!p0 [sflag:s8], $0x0  }
0x24: {  	s3 =	sadd.s32 $0x88, s3;
	s6 =	simm.s32 @!p1 $0x1082;
	[sflag:s4] =	ssyncset.s32 $0xFFFFF086  }
0x25: {  	[simem:s6], [sflag:s4] =	dma.local [hbm:s3], $0xF7A  }
0x26: {  	[smem:$0x3F97] =	sst s1;
	(tag) =	ssettag s2;
	_ =	strace s9  }
0x27: {  	s1 =	sld [smem:$0x3FA7]  }
0x28: {  	s2 =	sld [smem:$0x3FA8]  }
0x29: {  	s4 =	sld [smem:$0x3FAA]  }
0x2a: {  	p0 =	seq.s32 s5, $0x0;
	s5 =	sld [smem:$0x3FAB]  }
0x2b: {  	s6 =	sld [smem:$0x3FAC]  }
0x2c: {  	s7 =	sld [smem:$0x3FAD]  }
0x2d: {  	s3 =	simm.s32 $0x108;
	s8 =	sld [smem:$0x3FAE]  }
0x2e: {  	s3 =	simm.s32 @!p0 $0x1082;
	s9 =	sld [smem:$0x3FAF]  }
0x2f: {  	lr =	sadd.s32 s0, s3;
	s0 =	sld [smem:$0x3FA6]  }
0x30: {  	s3 =	sld [smem:$0x3FA9]  }
0x31: {  	[smem:$0x3FB2] =	sst s10  }
0x32: {  	s10 =	sld [smem:$0x3FB0];
	_ =	sdelay $0x3  }
0x33: {  	p0 =	seq.s32 s10, $0x1;
	s10 =	sld [smem:$0x3FB2];
	_ =	sdelay $0x3  }
0x34: {  	[smem:$0x3FB2] =	sst s10  }
0x35: {  	s10 =	sld [smem:$0x3FB1];
	_ =	sdelay $0x3  }
0x36: {  	p1 =	seq.s32 s10, $0x1;
	s10 =	sld [smem:$0x3FB2];
	_ =	sdelay $0x3  }
0x37: {  	[smem:$0x3FB2] =	sst s10  }
0x38: {  	s10 =	sld [smem:$0x3FB3]  }
0x39: {  	_ = 	snop;
	(pc) =	sbr.ind lr, $3  }
0x3a: {  	_ = 	snop  }
0x3b: {  	_ = 	snop  }
0x3c: {  	p2 =	seq.s32 s10, $0x1;
	s10 =	sld [smem:$0x3FB2]  }
0x3d: {  	_ =	shalt  }
0x3e: {  	_ =	shalt  }
0x3f: {  	_ =	shalt  }
0x40: {  	_ =	shalt  }
0x41: {  	_ =	shalt  }
0x42: {  	_ =	shalt  }
0x43: {  	_ =	shalt  }
0x44: {  	_ =	shalt  }
0x45: {  	_ =	shalt  }
0x46: {  	_ =	shalt  }
0x47: {  	_ =	shalt  }
0x48: {  	_ =	shalt  }
0x49: {  	_ =	shalt  }
0x4a: {  	_ =	shalt  }
0x4b: {  	_ =	shalt  }
0x4c: {  	_ =	shalt  }
0x4d: {  	_ =	shalt  }
0x4e: {  	_ =	shalt  }
0x4f: {  	_ =	shalt  }
0x50: {  	_ =	shalt  }
0x51: {  	_ =	shalt  }
0x52: {  	_ =	shalt  }
0x53: {  	_ =	shalt  }
0x54: {  	_ =	shalt  }
0x55: {  	_ =	shalt  }
0x56: {  	_ =	shalt  }
0x57: {  	_ =	shalt  }
0x58: {  	_ =	shalt  }
0x59: {  	_ =	shalt  }
0x5a: {  	_ =	shalt  }
0x5b: {  	_ =	shalt  }
0x5c: {  	_ =	shalt  }
0x5d: {  	_ =	shalt  }
0x5e: {  	_ =	shalt  }
0x5f: {  	_ =	shalt  }
0x60: {  	_ =	shalt  }
0x61: {  	_ =	shalt  }
0x62: {  	_ =	shalt  }
0x63: {  	_ =	shalt  }
0x64: {  	_ =	shalt  }
0x65: {  	_ =	shalt  }
0x66: {  	_ =	shalt  }
0x67: {  	_ =	shalt  }
0x68: {  	_ =	shalt  }
0x69: {  	_ =	shalt  }
0x6a: {  	_ =	shalt  }
0x6b: {  	_ =	shalt  }
0x6c: {  	_ =	shalt  }
0x6d: {  	_ =	shalt  }
0x6e: {  	_ =	shalt  }
0x6f: {  	_ =	shalt  }
0x70: {  	_ =	shalt  }
0x71: {  	_ =	shalt  }
0x72: {  	_ =	shalt  }
0x73: {  	_ =	shalt  }
0x74: {  	_ =	shalt  }
0x75: {  	_ =	shalt  }
0x76: {  	_ =	shalt  }
0x77: {  	_ =	shalt  }
0x78: {  	_ =	shalt  }
0x79: {  	_ =	shalt  }
0x7a: {  	_ =	shalt  }
0x7b: {  	_ =	shalt  }
0x7c: {  	_ =	shalt  }
0x7d: {  	_ =	shalt  }
0x7e: {  	_ =	shalt  }
0x7f: {  	_ =	shalt  }
0x80: {  	_ =	shalt  }
0x81: {  	_ =	shalt  }
0x82: {  	_ =	shalt  }
0x83: {  	_ =	shalt  }
0x84: {  	_ =	shalt  }
0x85: {  	_ =	shalt  }
0x86: {  	_ =	shalt  }
0x87: {  	_ =	shalt  }
.Lfunc_end0:
.L_simem_size_0:
called_computation.1_lowered:
.L_overlay_start_0:
0x88: {  	s2 =	sld [smem:$0x3FD9]  }
0x89: {  	s3 =	sld [smem:$0x3FFE];
	_ =	sdelay $0x1  }
0x8a: {  	s1 =	srdreg.scid  }
0x8b: {  	s0 =	sand.u32 $0x1, s1  }
0x8c: {  	s16 =	sshll.u32 s0, $0xA;
	s2 =	sadd.s32 s3, s2  }
0x8d: {  	s2 =	sadd.s32 s2, s16  }
0x8e: {  	[smem:$0x3FBE] =	sst s2  }
0x8f: {  	_ = 	snop  }
0x90: {  	(tm) =	ssettm $0x1  }
0x91: {  	s17 =	sld [smem:$0x3FFB];
	_ =	sdelay $0x3  }
0x92: {  	_ =	strace s17  }
0x93: {  	s2 =	sld [smem:$0x3FFC];
	_ =	sdelay $0x3  }
0x94: {  	_ =	strace s2  }
0x95: {  	s2 =	sld [smem:$0x3FFD];
	_ =	sdelay $0x3  }
0x96: {  	_ =	strace s2  }
0x97: {  	_ =	strace $0x8FFFFFFF  }
0x98: {  	s18 =	sld [smem:$0x3FDB];
	_ =	sdelay $0x1  }
0x99: {  	s19 =	simm.s32 $_scs_section_size  }
0x9a: {  	s4 =	simm.s32 $_size__tile_overlayer_lowered;
	s5 =	simm.s32 $_tile_overlayer_lowered  }
0x9b: {  	s22 =	simm.s32 $0x1BFF;
	s21 =	sshll.u32 s5, $0x1;
	s2 =	sadd.s32 s19, s18  }
0x9c: {  	s6 =	simm.s32 $0x0;
	s20 =	sshll.u32 s4, $0x1;
	s4 =	sadd.s32 s21, s2  }
0x9d: {  	[timem:s6], [sflag:s22] =	dma.local [hbm:s4], s20  }
0x9e: {  	_ =	swait.ge [sflag:s22], s20  }
0x9f: {  	s3 =	ssub.s32 $0x0, s20;
	[sflag:s22] =	ssyncset.done $0x0  }
0xa0: {  	[sflag:s22] =	ssyncadd.s32 s3;
	_ =	sdelay $0x1  }
0xa1: {  	s23 =	simm.s32 $0x1B8B  }
0xa2: {  	_ =	swait.ge [sflag:s23], $0x1  }
0xa3: {  	[sflag:s23] =	ssyncset.done $0x0  }
0xa4: {  	s25 =	simm.s32 $0x1B8E;
	s24 =	sld [smem:$0x3FFE];
	[sflag:s23] =	ssyncadd.s32 $0xFFFFFFFF  }
0xa5: {  	s26 =	simm.s32 $execute0_lowered;
	[smem:$0x3FD2] =	sst s25  }
0xa6: {  	s4 =	sshll.u32 s26, $0x1;
	_ =	strace $0x80000049;
	[dreg:$0x1] =	wrdreg $0xFFFFFFFF  }
0xa7: {  	s28 =	simm.s32 $_size_execute0_lowered;
	s2 =	sadd.s32 s2, s4;
	[dreg:$0x0] =	wrdreg $0x0  }
0xa8: {  	s4 =	sshll.u32 s28, $0x1;
	[dreg:$0x2] =	wrdreg s2  }
0xa9: {  	[dreg:$0x3] =	wrdreg s4  }
0xaa: {  	[dreg:$0x4] =	wrdreg $0xC0  }
0xab: {  	_ =	task [dreg:s6], $0x5FFFF  }
0xac: {  	[dreg:$0x1] =	wrdreg $0xFFFFFFFF  }
0xad: {  	[dreg:$0x0] =	wrdreg $0x60  }
0xae: {  	[dreg:$0x2] =	wrdreg s24  }
0xaf: {  	[dreg:$0x3] =	wrdreg $0x150000  }
0xb0: {  	[dreg:$0x4] =	wrdreg $0x9  }
0xb1: {  	_ =	task.clear_ibuf [dreg:s6], $0x5FFFF;
	_ =	strace $0x90000049  }
0xb2: {  	s29 =	simm.s32 $0x9;
	_ =	strace $0x8000004B  }
0xb3: {  	_ =	swait.ge [sflag:s29], $0x1  }
0xb4: {  	[sflag:s29] =	ssyncadd.s32 $0xFFFFFFFF  }
0xb5: {  	_ =	strace $0x9000004B  }
0xb6: {  	_ =	sfence  }
0xb7: {  	s30 =	sld [smem:$0x0];
	_ =	sdelay $0x2  }
0xb8: {  	s31 =	sshll.u32 s1, $0xD;
	s1 =	sshrl.u32 s1, $0x2  }
0xb9: {  	s3 =	sand.u32 $0x4000, s31;
	s1 =	sadd.s32 s1, s30  }
0xba: {  	s0 =	sor.u32 s3, s0;
	s1 =	sshll.u32 s1, $0x11  }
0xbb: {  	s0 =	sor.u32 s1, s0  }
0xbc: {  	s0 =	sadd.s32 $0x8F2B, s0  }
0xbd: {  	[sflag:s0] =	ssyncadd.remote.s32 $0x1  }
0xbe: {  	_ =	sfence.sel $0xFFFF  }
0xbf: {  	[dreg:$0x0] =	wrdreg $0xFFFFFFFF;
	(pc) =	sbr.abs _section_cstart, $3  }
0xc0: {  	[dreg:$0x1] =	wrdreg $0xFFFFFFFF  }
0xc1: {  	_ =	task.clear_ibuf [dreg:s6], $0x2FFFF;
	_ =	strace $0x9FFFFFFF  }
0xc2: {  	(tm) =	ssettm $0x7FFFFFFF  }
0xc3: {  	_ =	shalt  }
tec
execute0_lowered:
.L_overlay_start_1:
0x0: {  	(tag) =	ssettag $0x1  }
0x1: {  	s0 =	srdreg.scid;
	s6 =	rddreg [dreg:$0x0]  }
0x2: {  	s10 =	stileid.u32;
	s2 =	rddreg [dreg:$0x1]  }
0x3: {  	s3 =	simm.s32 $0x0;
	s12 =	simm.s32 $0x3;
	s14 =	simm.s32 $0x80  }
0x4: {  	s15 =	simm.s32 $0x5000;
	s16 =	simm.s32 $0x7000;
	s18 =	simm.s32 $0x9000  }
0x5: {  	s20 =	simm.s32 $0xB000;
	s22 =	simm.s32 $0xD000;
	s23 =	simm.s32 $0x280  }
0x6: {  	s28 =	simm.s32 $0x380;
	s29 =	simm.s32 $0x13000;
	s30 =	simm.s32 $0x1  }
0x7: {  	s31 =	simm.s32 $0x2;
	s13 =	simm.s32 $0x0;
	s5 =	smul.u32 $0x14000, s10  }
0x8: {  	s0 =	sand.u32 $0x1, s0;
	[smem:$0x7FF] =	sst s3;
	s8 =	smul.u32 $0x28000, s10  }
0x9: {  	s26 =	sshll.u32 s10, $0x6;
	s1 =	sshll.u32 s0, $0x4;
	s4 =	smul.u32 $0x140000, s0  }
0xa: {  	_ =	strace $0x8000004A;
	s0 =	ssub.s32 $0x2, s0;
	s1 =	sor.u32 s10, s1  }
0xb: {  	s24 =	sshrl.u32 s0, $0x1;
	s25 =	sshrl.u32 s8, $0x2;
	s1 =	smul.u32 $0x2800, s1  }
0xc: {  	s5 =	sadd.s32 s5, s4;
	s4 =	sadd.s32 $0x16000, s6;
	s0 =	ssub.s32 s0, s24  }
0xd: {  	s11 =	sadd.s32 s25, s2;
	s24 =	simm.s32 $0xF000;
	s25 =	simm.s32 $0x300  }
.Ltmp0:
0xe: {  	s7 =	sshrl.u32 s5, $0x3;
	s5 =	sadd.s32 $0x2A000, s6;
	(pc) =	sbr.rel .LBB2_1-.Ltmp0, $4  }
0xf: {  	s10 =	smax.u32 s0, $0x1;
	s11 =	sshrl.u32 s11, $0x3;
	s1 =	sshrl.u32 s1, $0x3  }
0x10: {  	s0 =	simm.s32 $0x8;
	s9 =	sadd.s32 s7, s6;
	s1 =	sadd.s32 s1, s6  }
0x11: {  	s6 =	sor.u32 $0x1C03, s26;
	s9 =	sadd.s32 $0x2B400, s9;
	s26 =	simm.s32 $0x11000  }
0x12: {  	s7 =	sadd.s32 $0x2000, s1;
	s8 =	sadd.s32 $0xC000, s1;
	s1 =	simm.s32 $0x10  }
.LBB2_4:
0x13: {  	_ =	swait.ge [sflag:s31], $0x2000  }
0x14: {  	[sflag:s31] =	ssyncset.done $0x0  }
0x15: {  	[sflag:s31] =	ssyncadd.s32 $0xFFFFE000  }
0x16: {  	_ =	swait.ge [sflag:s31], $0x2000  }
0x17: {  	[sflag:s31] =	ssyncset.done $0x0  }
0x18: {  	[sflag:s31] =	ssyncadd.s32 $0xFFFFE000  }
0x19: {  	_ =	swait.ge [sflag:s31], $0x2000  }
0x1a: {  	[sflag:s31] =	ssyncset.done $0x0  }
0x1b: {  	[sflag:s31] =	ssyncadd.s32 $0xFFFFE000  }
0x1c: {  	_ =	swait.ge [sflag:s31], $0x2000  }
0x1d: {  	[sflag:s31] =	ssyncset.done $0x0  }
0x1e: {  	[sflag:s31] =	ssyncadd.s32 $0xFFFFE000  }
0x1f: {  	_ =	swait.ge [sflag:s31], $0x2000  }
0x20: {  	[sflag:s31] =	ssyncset.done $0x0  }
0x21: {  	[sflag:s31] =	ssyncadd.s32 $0xFFFFE000  }
0x22: {  	_ =	swait.ge [sflag:s31], $0x2000  }
0x23: {  	[sflag:s31] =	ssyncset.done $0x0  }
0x24: {  	[sflag:s31] =	ssyncadd.s32 $0xFFFFE000  }
0x25: {  	_ =	swait.ge [sflag:s31], $0x2000  }
0x26: {  	s13 =	sadd.s32 $0x1, s13;
	[sflag:s31] =	ssyncset.done $0x0  }
0x27: {  	p0 =	sne.s32 s13, s10;
	[sflag:s31] =	ssyncadd.s32 $0xFFFFE000  }
.Ltmp1:
0x28: {  	[bflag:$0x0] =	sbarrier.arrive $0xFFFF;
	(pc) =	sbr.rel @!p0 .LBB2_5-.Ltmp1, $4  }
0x29: {  	[hbm:s9@s1], [sflag:s6] =	dma.strided [spmem:s11@s0], $0x1400, s30, $0x8   }
0x2a: {  	_ =	swait.ge [sflag:s12], $0x1400  }
0x2b: {  	[sflag:s12] =	ssyncset.done $0x0  }
0x2c: {  	[sflag:s12] =	ssyncadd.s32 $0xFFFFEC00  }
.LBB2_1:
0x2d: {  	[spmem:s11], [sflag:s6] =	dma.local [hbm:s5], $0x1400  }
0x2e: {  	_ =	swait.ge [sflag:s12], $0x1400  }
0x2f: {  	[sflag:s12] =	ssyncset.done $0x0  }
0x30: {  	[sflag:s12] =	ssyncadd.s32 $0xFFFFEC00  }
0x31: {  	[tilespmem:s3], [sflag:$0x3] =	stream.linear.gather [hbm4b:s7+s3], $0x2800, $0x38;
	[tilespmem:$0x1F000] =	vst v63  }
0x32: {  	_ =	swait.ge [sflag:s12], $0x2800  }
0x33: {  	[sflag:s12] =	ssyncset.done $0x0  }
0x34: {  	s17 =	simm.s32 $0x2800;
	[sflag:s12] =	ssyncadd.s32 $0xFFFFD800  }
0x35: {  	[tilespmem:s17], [sflag:$0x3] =	stream.linear.gather [hbm4b:s8+s3], $0x2800, $0x38;
	[tilespmem:$0x1F000] =	vst v63  }
0x36: {  	_ =	swait.ge [sflag:s12], $0x2800  }
0x37: {  	[sflag:s12] =	ssyncset.done $0x0  }
0x38: {  	[sflag:s12] =	ssyncadd.s32 $0xFFFFD800  }
0x39: {  	[bflag:$0x0] =	sbarrier.arrive $0xFFFF  }
0x3a: {  	[tilespmem:s15], [sflag:$0x1] =	stream.indirect.gather [hbm4b:s4+s14], $0x40, s3, s14, $0xb8;
	[tilespmem:$0x1F000] =	vst v63  }
0x3b: {  	_ = 	snop  }
0x3c: {  	[tilespmem:s16], [sflag:$0x1] =	stream.indirect.gather [hbm4b:s4+s14], $0x40, s14, s14, $0xb8;
	[tilespmem:$0x1F000] =	vst v63  }
0x3d: {  	s21 =	simm.s32 $0x100  }
0x3e: {  	[tilespmem:s18], [sflag:$0x1] =	stream.indirect.gather [hbm4b:s4+s14], $0x40, s21, s14, $0xb8;
	[tilespmem:$0x1F000] =	vst v63  }
0x3f: {  	s19 =	simm.s32 $0x180  }
0x40: {  	[tilespmem:s20], [sflag:$0x1] =	stream.indirect.gather [hbm4b:s4+s14], $0x40, s19, s14, $0xb8;
	[tilespmem:$0x1F000] =	vst v63  }
0x41: {  	s21 =	simm.s32 $0x200  }
0x42: {  	[tilespmem:s22], [sflag:$0x1] =	stream.indirect.gather [hbm4b:s4+s14], $0x40, s21, s14, $0xb8;
	[tilespmem:$0x1F000] =	vst v63  }
0x43: {  	_ = 	snop  }
0x44: {  	[tilespmem:s24], [sflag:$0x1] =	stream.indirect.gather [hbm4b:s4+s14], $0x40, s23, s14, $0xb8;
	[tilespmem:$0x1F000] =	vst v63  }
0x45: {  	_ = 	snop  }
0x46: {  	[tilespmem:s26], [sflag:$0x1] =	stream.indirect.gather [hbm4b:s4+s14], $0x40, s25, s14, $0xb8;
	[tilespmem:$0x1F000] =	vst v63  }
0x47: {  	s17 =	simm.s32 $0x0  }
0x48: {  	[tilespmem:s29], [sflag:$0x1] =	stream.indirect.gather [hbm4b:s4+s14], $0x40, s28, s14, $0xb8;
	[tilespmem:$0x1F000] =	vst v63  }
.LBB2_2:
0x49: {  	_ =	swait.ge [sflag:s30], $0x2000  }
0x4a: {  	s19 =	sshra.s32 s17, $0x2;
	[sflag:s30] =	ssyncset.done $0x0  }
0x4b: {  	s21 =	sadd.s32 $0x2800, s19;
	[sflag:s30] =	ssyncadd.s32 $0xFFFFE000  }
0x4c: {  	[spmem:s2] =	stream.indirect.scatter.add.f32 [tilespmem:s15], [sflag:$0x2], $0x40, s21, s14, $0xb8;
	[tilespmem:$0x1F000] =	vst v63  }
0x4d: {  	_ =	swait.ge [sflag:s30], $0x2000  }
0x4e: {  	[sflag:s30] =	ssyncset.done $0x0  }
0x4f: {  	s21 =	sadd.s32 $0x2880, s19;
	[sflag:s30] =	ssyncadd.s32 $0xFFFFE000  }
0x50: {  	[spmem:s2] =	stream.indirect.scatter.add.f32 [tilespmem:s16], [sflag:$0x2], $0x40, s21, s14, $0xb8;
	[tilespmem:$0x1F000] =	vst v63  }
0x51: {  	_ =	swait.ge [sflag:s30], $0x2000  }
0x52: {  	[sflag:s30] =	ssyncset.done $0x0  }
0x53: {  	s21 =	sadd.s32 $0x2900, s19;
	[sflag:s30] =	ssyncadd.s32 $0xFFFFE000  }
0x54: {  	[spmem:s2] =	stream.indirect.scatter.add.f32 [tilespmem:s18], [sflag:$0x2], $0x40, s21, s14, $0xb8;
	[tilespmem:$0x1F000] =	vst v63  }
0x55: {  	_ =	swait.ge [sflag:s30], $0x2000  }
0x56: {  	[sflag:s30] =	ssyncset.done $0x0  }
0x57: {  	s21 =	sadd.s32 $0x2980, s19;
	[sflag:s30] =	ssyncadd.s32 $0xFFFFE000  }
0x58: {  	[spmem:s2] =	stream.indirect.scatter.add.f32 [tilespmem:s20], [sflag:$0x2], $0x40, s21, s14, $0xb8;
	[tilespmem:$0x1F000] =	vst v63  }
0x59: {  	_ =	swait.ge [sflag:s30], $0x2000  }
0x5a: {  	[sflag:s30] =	ssyncset.done $0x0  }
0x5b: {  	s21 =	sadd.s32 $0x2A00, s19;
	[sflag:s30] =	ssyncadd.s32 $0xFFFFE000  }
0x5c: {  	[spmem:s2] =	stream.indirect.scatter.add.f32 [tilespmem:s22], [sflag:$0x2], $0x40, s21, s14, $0xb8;
	[tilespmem:$0x1F000] =	vst v63  }
0x5d: {  	_ =	swait.ge [sflag:s30], $0x2000  }
0x5e: {  	[sflag:s30] =	ssyncset.done $0x0  }
0x5f: {  	s21 =	sadd.s32 $0x2A80, s19;
	[sflag:s30] =	ssyncadd.s32 $0xFFFFE000  }
0x60: {  	[spmem:s2] =	stream.indirect.scatter.add.f32 [tilespmem:s24], [sflag:$0x2], $0x40, s21, s14, $0xb8;
	[tilespmem:$0x1F000] =	vst v63  }
0x61: {  	_ =	swait.ge [sflag:s30], $0x2000  }
0x62: {  	[sflag:s30] =	ssyncset.done $0x0  }
0x63: {  	s21 =	sadd.s32 $0x2B00, s19;
	[sflag:s30] =	ssyncadd.s32 $0xFFFFE000  }
0x64: {  	[spmem:s2] =	stream.indirect.scatter.add.f32 [tilespmem:s26], [sflag:$0x2], $0x40, s21, s14, $0xb8;
	[tilespmem:$0x1F000] =	vst v63  }
0x65: {  	_ =	swait.ge [sflag:s30], $0x2000  }
0x66: {  	p0 =	seq.s32 s17, $0x9000;
	[sflag:s30] =	ssyncset.done $0x0  }
.Ltmp2:
0x67: {  	s21 =	sadd.s32 $0x2B80, s19;
	[sflag:s30] =	ssyncadd.s32 $0xFFFFE000;
	(pc) =	sbr.rel @p0 .LBB2_4-.Ltmp2, $4  }
0x68: {  	[spmem:s2] =	stream.indirect.scatter.add.f32 [tilespmem:s29], [sflag:$0x2], $0x40, s21, s14, $0xb8;
	[tilespmem:$0x1F000] =	vst v63  }
0x69: {  	_ =	swait.ge [sflag:s31], $0x2000  }
0x6a: {  	[sflag:s31] =	ssyncset.done $0x0  }
0x6b: {  	[sflag:s31] =	ssyncadd.s32 $0xFFFFE000  }
0x6c: {  	s21 =	sadd.s32 $0x400, s19  }
0x6d: {  	[tilespmem:s15], [sflag:$0x1] =	stream.indirect.gather [hbm4b:s4+s14], $0x40, s21, s14, $0xb8;
	[tilespmem:$0x1F000] =	vst v63  }
0x6e: {  	_ =	swait.ge [sflag:s31], $0x2000  }
0x6f: {  	[sflag:s31] =	ssyncset.done $0x0  }
0x70: {  	s21 =	sadd.s32 $0x480, s19;
	[sflag:s31] =	ssyncadd.s32 $0xFFFFE000  }
0x71: {  	[tilespmem:s16], [sflag:$0x1] =	stream.indirect.gather [hbm4b:s4+s14], $0x40, s21, s14, $0xb8;
	[tilespmem:$0x1F000] =	vst v63  }
0x72: {  	_ =	swait.ge [sflag:s31], $0x2000  }
0x73: {  	[sflag:s31] =	ssyncset.done $0x0  }
0x74: {  	s21 =	sadd.s32 $0x500, s19;
	[sflag:s31] =	ssyncadd.s32 $0xFFFFE000  }
0x75: {  	[tilespmem:s18], [sflag:$0x1] =	stream.indirect.gather [hbm4b:s4+s14], $0x40, s21, s14, $0xb8;
	[tilespmem:$0x1F000] =	vst v63  }
0x76: {  	_ =	swait.ge [sflag:s31], $0x2000  }
0x77: {  	[sflag:s31] =	ssyncset.done $0x0  }
0x78: {  	s21 =	sadd.s32 $0x580, s19;
	[sflag:s31] =	ssyncadd.s32 $0xFFFFE000  }
0x79: {  	[tilespmem:s20], [sflag:$0x1] =	stream.indirect.gather [hbm4b:s4+s14], $0x40, s21, s14, $0xb8;
	[tilespmem:$0x1F000] =	vst v63  }
0x7a: {  	_ =	swait.ge [sflag:s31], $0x2000  }
0x7b: {  	[sflag:s31] =	ssyncset.done $0x0  }
0x7c: {  	s21 =	sadd.s32 $0x600, s19;
	[sflag:s31] =	ssyncadd.s32 $0xFFFFE000  }
0x7d: {  	[tilespmem:s22], [sflag:$0x1] =	stream.indirect.gather [hbm4b:s4+s14], $0x40, s21, s14, $0xb8;
	[tilespmem:$0x1F000] =	vst v63  }
0x7e: {  	_ =	swait.ge [sflag:s31], $0x2000  }
0x7f: {  	[sflag:s31] =	ssyncset.done $0x0  }
0x80: {  	s21 =	sadd.s32 $0x680, s19;
	[sflag:s31] =	ssyncadd.s32 $0xFFFFE000  }
0x81: {  	[tilespmem:s24], [sflag:$0x1] =	stream.indirect.gather [hbm4b:s4+s14], $0x40, s21, s14, $0xb8;
	[tilespmem:$0x1F000] =	vst v63  }
0x82: {  	_ =	swait.ge [sflag:s31], $0x2000  }
0x83: {  	[sflag:s31] =	ssyncset.done $0x0  }
0x84: {  	s21 =	sadd.s32 $0x700, s19;
	[sflag:s31] =	ssyncadd.s32 $0xFFFFE000  }
0x85: {  	[tilespmem:s26], [sflag:$0x1] =	stream.indirect.gather [hbm4b:s4+s14], $0x40, s21, s14, $0xb8;
	[tilespmem:$0x1F000] =	vst v63  }
.Ltmp3:
0x86: {  	_ = 	snop;
	(pc) =	sbr.rel .LBB2_2-.Ltmp3, $4  }
0x87: {  	_ =	swait.ge [sflag:s31], $0x2000  }
0x88: {  	[sflag:s31] =	ssyncset.done $0x0  }
0x89: {  	s17 =	sadd.s32 $0x1000, s17;
	s21 =	sadd.s32 $0x780, s19;
	[sflag:s31] =	ssyncadd.s32 $0xFFFFE000  }
0x8a: {  	[tilespmem:s29], [sflag:$0x1] =	stream.indirect.gather [hbm4b:s4+s14], $0x40, s21, s14, $0xb8;
	[tilespmem:$0x1F000] =	vst v63  }
.LBB2_5:
0x8b: {  	_ =	sfence.sel $0x180000  }
0x8c: {  	[bflag:$0x0] =	sbarrier.arrive $0xFFFF  }
0x8d: {  	_ =	strace $0x9000004A  }
0x8e: {  	s0 =	stileid.u32;
	[bflag:$0x2] =	sbarrier.arrive $0xFFFF  }
0x8f: {  	p0 =	sne.s32 s0, $0x0;
	s0 =	rddreg [dreg:$0x2]  }
0x90: {  	s0 =	sadd.s32 @!p0 $0x100000, s0  }
0x91: {  	[sflag:s0] =	ssyncadd.tile.s32 @!p0 $0x1;
	_ =	shalt  }
.Lfunc_end2:
_tile_overlayer_lowered:
.L_overlay_start_2:
0x92: {  	(tag) =	ssettag $0x2  }
0x93: {  	s0 =	rddreg [dreg:$0x0];
	s2 =	stileid.u32  }
0x94: {  	s1 =	rddreg [dreg:$0x1];
	p0 =	sne.s32 s2, $0x0  }
0x95: {  	s3 =	rddreg [dreg:$0x2];
	[bflag:$0x3] =	sbarrier.arrive $0xFFFF;
	s2 =	simm.s32 @!p0 $0x1C03  }
0x96: {  	[timem:s3], [sflag:s2] =	dma.local @!p0 [hbm:s0], s1  }
0x97: {  	s0 =	simm.s32 @!p0 $0x3  }
0x98: {  	_ =	swait.ge @!p0 [sflag:s0], s1  }
0x99: {  	s1 =	ssub.s32 @!p0 $0x0, s1;
	[sflag:s0] =	ssyncset.done @!p0 $0x0  }
0x9a: {  	[sflag:s0] =	ssyncadd.s32 @!p0 s1  }
0x9b: {  	[bflag:$0x3] =	sbarrier.arrive $0xFFFF  }
0x9c: {  	_ =	shalt  }

// kernel: kernel.14.cloned.1.call-start
scs
__scs_entry_jumppad:
0x0: {  	(pc) =	sbr.rel $0x88, $3  }
0x1: {  	(tag) =	ssettag $0x0;
	lr =	simm.s32 $0x1  }
0x2: {  	[smem:$0x3F97] =	sst lr;
	_ =	strace $0xD0000000  }
0x3: {  	_ = 	snop  }
0x4: {  	_ = 	snop  }
0x5: {  	_ = 	snop  }
0x6: {  	_ = 	snop  }
0x7: {  	_ = 	snop  }
__scs_overlays_trampoline_lowered:
0x8: {  	[smem:$0x3FA6] =	sst s0  }
0x9: {  	[smem:$0x3FA7] =	sst s1  }
0xa: {  	[smem:$0x3FA8] =	sst s2  }
0xb: {  	[smem:$0x3FA9] =	sst s3  }
0xc: {  	[smem:$0x3FAA] =	sst s4  }
0xd: {  	[smem:$0x3FAB] =	sst s5  }
0xe: {  	[smem:$0x3FAC] =	sst s6  }
0xf: {  	[smem:$0x3FAD] =	sst s7  }
0x10: {  	[smem:$0x3FAE] =	sst s8  }
0x11: {  	[smem:$0x3FAF] =	sst s9;
	s0 =	simm.s32 @!p0 $0x0  }
0x12: {  	s1 =	sld [smem:$0x3F95];
	s0 =	simm.s32 @p0 $0x1  }
0x13: {  	[smem:$0x3FB0] =	sst s0;
	s0 =	simm.s32 @!p1 $0x0  }
0x14: {  	s2 =	sld [smem:$0x3F94];
	s0 =	simm.s32 @p1 $0x1  }
0x15: {  	[smem:$0x3FB1] =	sst s0;
	s0 =	simm.s32 @!p2 $0x0  }
0x16: {  	s3 =	sld [smem:$0x3FDB];
	s0 =	simm.s32 @p2 $0x1  }
0x17: {  	s4 =	simm.s32 $0x1BF5;
	[smem:$0x3FB3] =	sst s0  }
0x18: {  	s0 =	sld [smem:$0x3F96];
	_ =	swait.ge [sflag:s4], $0x0  }
0x19: {  	s7 =	sld [smem:$0x3F97]  }
0x1a: {  	s8 =	sadd.s32 $0xFFFFE003, lr  }
0x1b: {  	s9 =	sadd.s32 $0xFFFFFEF7, lr;
	s5 =	simm.s32 $0xFFFFFFFF;
	p2 =	slt.u32 s8, $0xFFFFF086  }
0x1c: {  	p1 =	slt.u32 s9, $0xF7A;
	s5 =	simm.s32 @!p2 $0x0  }
0x1d: {  	s5 =	simm.s32 @p1 $0x1;
	p0 =	seq.s32 s7, s2  }
0x1e: {  	s7 =	smul.u32 @!p0 $0xF7A, s2;
	p2 =	seq.s32 @!p0 s5, $0x0  }
0x1f: {  	s9 =	smul.u32 $0xF7A, s1;
	s8 =	simm.s32 @!p0 $0x1BF5;
	p2 =	por !p2, p0  }
0x20: {  	[sflag:s8] =	ssyncset.s32 @!p0 $0xFFFFF086;
	s6 =	sadd.s32 @!p0 s3, s7;
	s7 =	simm.s32 @!p0 $0x108  }
0x21: {  	s3 =	sadd.s32 s3, s9;
	s6 =	sadd.s32 @!p0 $0x88, s6;
	s7 =	simm.s32 @p2 $0x1082  }
0x22: {  	[simem:s7], [sflag:s8] =	dma.local @!p0 [hbm:s6], $0xF7A  }
0x23: {  	s9 =	sor.u32 $0xD0000000, s2;
	s6 =	simm.s32 $0x108;
	_ =	swait.ge @!p0 [sflag:s8], $0x0  }
0x24: {  	s3 =	sadd.s32 $0x88, s3;
	s6 =	simm.s32 @!p1 $0x1082;
	[sflag:s4] =	ssyncset.s32 $0xFFFFF086  }
0x25: {  	[simem:s6], [sflag:s4] =	dma.local [hbm:s3], $0xF7A  }
0x26: {  	[smem:$0x3F97] =	sst s1;
	(tag) =	ssettag s2;
	_ =	strace s9  }
0x27: {  	s1 =	sld [smem:$0x3FA7]  }
0x28: {  	s2 =	sld [smem:$0x3FA8]  }
0x29: {  	s4 =	sld [smem:$0x3FAA]  }
0x2a: {  	p0 =	seq.s32 s5, $0x0;
	s5 =	sld [smem:$0x3FAB]  }
0x2b: {  	s6 =	sld [smem:$0x3FAC]  }
0x2c: {  	s7 =	sld [smem:$0x3FAD]  }
0x2d: {  	s3 =	simm.s32 $0x108;
	s8 =	sld [smem:$0x3FAE]  }
0x2e: {  	s3 =	simm.s32 @!p0 $0x1082;
	s9 =	sld [smem:$0x3FAF]  }
0x2f: {  	lr =	sadd.s32 s0, s3;
	s0 =	sld [smem:$0x3FA6]  }
0x30: {  	s3 =	sld [smem:$0x3FA9]  }
0x31: {  	[smem:$0x3FB2] =	sst s10  }
0x32: {  	s10 =	sld [smem:$0x3FB0];
	_ =	sdelay $0x3  }
0x33: {  	p0 =	seq.s32 s10, $0x1;
	s10 =	sld [smem:$0x3FB2];
	_ =	sdelay $0x3  }
0x34: {  	[smem:$0x3FB2] =	sst s10  }
0x35: {  	s10 =	sld [smem:$0x3FB1];
	_ =	sdelay $0x3  }
0x36: {  	p1 =	seq.s32 s10, $0x1;
	s10 =	sld [smem:$0x3FB2];
	_ =	sdelay $0x3  }
0x37: {  	[smem:$0x3FB2] =	sst s10  }
0x38: {  	s10 =	sld [smem:$0x3FB3]  }
0x39: {  	_ = 	snop;
	(pc) =	sbr.ind lr, $3  }
0x3a: {  	_ = 	snop  }
0x3b: {  	_ = 	snop  }
0x3c: {  	p2 =	seq.s32 s10, $0x1;
	s10 =	sld [smem:$0x3FB2]  }
0x3d: {  	_ =	shalt  }
0x3e: {  	_ =	shalt  }
0x3f: {  	_ =	shalt  }
0x40: {  	_ =	shalt  }
0x41: {  	_ =	shalt  }
0x42: {  	_ =	shalt  }
0x43: {  	_ =	shalt  }
0x44: {  	_ =	shalt  }
0x45: {  	_ =	shalt  }
0x46: {  	_ =	shalt  }
0x47: {  	_ =	shalt  }
0x48: {  	_ =	shalt  }
0x49: {  	_ =	shalt  }
0x4a: {  	_ =	shalt  }
0x4b: {  	_ =	shalt  }
0x4c: {  	_ =	shalt  }
0x4d: {  	_ =	shalt  }
0x4e: {  	_ =	shalt  }
0x4f: {  	_ =	shalt  }
0x50: {  	_ =	shalt  }
0x51: {  	_ =	shalt  }
0x52: {  	_ =	shalt  }
0x53: {  	_ =	shalt  }
0x54: {  	_ =	shalt  }
0x55: {  	_ =	shalt  }
0x56: {  	_ =	shalt  }
0x57: {  	_ =	shalt  }
0x58: {  	_ =	shalt  }
0x59: {  	_ =	shalt  }
0x5a: {  	_ =	shalt  }
0x5b: {  	_ =	shalt  }
0x5c: {  	_ =	shalt  }
0x5d: {  	_ =	shalt  }
0x5e: {  	_ =	shalt  }
0x5f: {  	_ =	shalt  }
0x60: {  	_ =	shalt  }
0x61: {  	_ =	shalt  }
0x62: {  	_ =	shalt  }
0x63: {  	_ =	shalt  }
0x64: {  	_ =	shalt  }
0x65: {  	_ =	shalt  }
0x66: {  	_ =	shalt  }
0x67: {  	_ =	shalt  }
0x68: {  	_ =	shalt  }
0x69: {  	_ =	shalt  }
0x6a: {  	_ =	shalt  }
0x6b: {  	_ =	shalt  }
0x6c: {  	_ =	shalt  }
0x6d: {  	_ =	shalt  }
0x6e: {  	_ =	shalt  }
0x6f: {  	_ =	shalt  }
0x70: {  	_ =	shalt  }
0x71: {  	_ =	shalt  }
0x72: {  	_ =	shalt  }
0x73: {  	_ =	shalt  }
0x74: {  	_ =	shalt  }
0x75: {  	_ =	shalt  }
0x76: {  	_ =	shalt  }
0x77: {  	_ =	shalt  }
0x78: {  	_ =	shalt  }
0x79: {  	_ =	shalt  }
0x7a: {  	_ =	shalt  }
0x7b: {  	_ =	shalt  }
0x7c: {  	_ =	shalt  }
0x7d: {  	_ =	shalt  }
0x7e: {  	_ =	shalt  }
0x7f: {  	_ =	shalt  }
0x80: {  	_ =	shalt  }
0x81: {  	_ =	shalt  }
0x82: {  	_ =	shalt  }
0x83: {  	_ =	shalt  }
0x84: {  	_ =	shalt  }
0x85: {  	_ =	shalt  }
0x86: {  	_ =	shalt  }
0x87: {  	_ =	shalt  }
.Lfunc_end0:
.L_simem_size_0:
called_computation.2_lowered:
.L_overlay_start_0:
0x88: {  	s2 =	sld [smem:$0x3FD9]  }
0x89: {  	s3 =	sld [smem:$0x3FFE];
	_ =	sdelay $0x1  }
0x8a: {  	s1 =	srdreg.scid  }
0x8b: {  	s0 =	sand.u32 $0x1, s1  }
0x8c: {  	s16 =	sshll.u32 s0, $0xA;
	s2 =	sadd.s32 s3, s2  }
0x8d: {  	s2 =	sadd.s32 s2, s16  }
0x8e: {  	[smem:$0x3FBE] =	sst s2  }
0x8f: {  	_ = 	snop  }
0x90: {  	(tm) =	ssettm $0x1  }
0x91: {  	s17 =	sld [smem:$0x3FFB];
	_ =	sdelay $0x3  }
0x92: {  	_ =	strace s17  }
0x93: {  	s2 =	sld [smem:$0x3FFC];
	_ =	sdelay $0x3  }
0x94: {  	_ =	strace s2  }
0x95: {  	s2 =	sld [smem:$0x3FFD];
	_ =	sdelay $0x3  }
0x96: {  	_ =	strace s2  }
0x97: {  	_ =	strace $0x8FFFFFFF  }
0x98: {  	s18 =	sld [smem:$0x3FDB];
	_ =	sdelay $0x1  }
0x99: {  	s19 =	simm.s32 $_scs_section_size  }
0x9a: {  	s4 =	simm.s32 $_size__tile_overlayer_lowered;
	s5 =	simm.s32 $_tile_overlayer_lowered  }
0x9b: {  	s22 =	simm.s32 $0x1BFF;
	s21 =	sshll.u32 s5, $0x1;
	s2 =	sadd.s32 s19, s18  }
0x9c: {  	s6 =	simm.s32 $0x0;
	s20 =	sshll.u32 s4, $0x1;
	s4 =	sadd.s32 s21, s2  }
0x9d: {  	[timem:s6], [sflag:s22] =	dma.local [hbm:s4], s20  }
0x9e: {  	_ =	swait.ge [sflag:s22], s20  }
0x9f: {  	s3 =	ssub.s32 $0x0, s20;
	[sflag:s22] =	ssyncset.done $0x0  }
0xa0: {  	[sflag:s22] =	ssyncadd.s32 s3;
	_ =	sdelay $0x1  }
0xa1: {  	s23 =	simm.s32 $0x1B8B  }
0xa2: {  	_ =	swait.ge [sflag:s23], $0x1  }
0xa3: {  	[sflag:s23] =	ssyncset.done $0x0  }
0xa4: {  	s25 =	simm.s32 $0x1B8E;
	s24 =	sld [smem:$0x3FFE];
	[sflag:s23] =	ssyncadd.s32 $0xFFFFFFFF  }
0xa5: {  	s26 =	simm.s32 $execute0_lowered;
	[smem:$0x3FD2] =	sst s25  }
0xa6: {  	s4 =	sshll.u32 s26, $0x1;
	_ =	strace $0x8000004C;
	[dreg:$0x1] =	wrdreg $0xFFFFFFFF  }
0xa7: {  	s28 =	simm.s32 $_size_execute0_lowered;
	s2 =	sadd.s32 s2, s4;
	[dreg:$0x0] =	wrdreg $0x0  }
0xa8: {  	s4 =	sshll.u32 s28, $0x1;
	[dreg:$0x2] =	wrdreg s2  }
0xa9: {  	[dreg:$0x3] =	wrdreg s4  }
0xaa: {  	[dreg:$0x4] =	wrdreg $0xC0  }
0xab: {  	_ =	task [dreg:s6], $0x5FFFF  }
0xac: {  	[dreg:$0x1] =	wrdreg $0xFFFFFFFF  }
0xad: {  	[dreg:$0x0] =	wrdreg $0x60  }
0xae: {  	[dreg:$0x2] =	wrdreg s24  }
0xaf: {  	[dreg:$0x3] =	wrdreg $0x150000  }
0xb0: {  	[dreg:$0x4] =	wrdreg $0x9  }
0xb1: {  	_ =	task.clear_ibuf [dreg:s6], $0x5FFFF;
	_ =	strace $0x9000004C  }
0xb2: {  	s29 =	simm.s32 $0x9;
	_ =	strace $0x8000004E  }
0xb3: {  	_ =	swait.ge [sflag:s29], $0x1  }
0xb4: {  	[sflag:s29] =	ssyncadd.s32 $0xFFFFFFFF  }
0xb5: {  	_ =	strace $0x9000004E  }
0xb6: {  	_ =	sfence  }
0xb7: {  	s30 =	sld [smem:$0x0];
	_ =	sdelay $0x2  }
0xb8: {  	s31 =	sshll.u32 s1, $0xD;
	s1 =	sshrl.u32 s1, $0x2  }
0xb9: {  	s3 =	sand.u32 $0x4000, s31;
	s1 =	sadd.s32 s1, s30  }
0xba: {  	s0 =	sor.u32 s3, s0;
	s1 =	sshll.u32 s1, $0x11  }
0xbb: {  	s0 =	sor.u32 s1, s0  }
0xbc: {  	s0 =	sadd.s32 $0x8F2B, s0  }
0xbd: {  	[sflag:s0] =	ssyncadd.remote.s32 $0x1  }
0xbe: {  	_ =	sfence.sel $0xFFFF  }
0xbf: {  	[dreg:$0x0] =	wrdreg $0xFFFFFFFF;
	(pc) =	sbr.abs _section_cstart, $3  }
0xc0: {  	[dreg:$0x1] =	wrdreg $0xFFFFFFFF  }
0xc1: {  	_ =	task.clear_ibuf [dreg:s6], $0x2FFFF;
	_ =	strace $0x9FFFFFFF  }
0xc2: {  	(tm) =	ssettm $0x7FFFFFFF  }
0xc3: {  	_ =	shalt  }
tec
execute0_lowered:
.L_overlay_start_1:
0x0: {  	(tag) =	ssettag $0x1  }
0x1: {  	s0 =	srdreg.scid;
	s6 =	rddreg [dreg:$0x0]  }
0x2: {  	s10 =	stileid.u32;
	s2 =	rddreg [dreg:$0x1]  }
0x3: {  	s3 =	simm.s32 $0x0;
	s12 =	simm.s32 $0x3;
	s14 =	simm.s32 $0x80  }
0x4: {  	s15 =	simm.s32 $0x5000;
	s16 =	simm.s32 $0x7000;
	s18 =	simm.s32 $0x9000  }
0x5: {  	s20 =	simm.s32 $0xB000;
	s22 =	simm.s32 $0xD000;
	s23 =	simm.s32 $0x280  }
0x6: {  	s28 =	simm.s32 $0x380;
	s29 =	simm.s32 $0x13000;
	s30 =	simm.s32 $0x1  }
0x7: {  	s31 =	simm.s32 $0x2;
	s13 =	simm.s32 $0x0;
	s5 =	smul.u32 $0x14000, s10  }
0x8: {  	s0 =	sand.u32 $0x1, s0;
	[smem:$0x7FF] =	sst s3;
	s8 =	smul.u32 $0x28000, s10  }
0x9: {  	s26 =	sshll.u32 s10, $0x6;
	s1 =	sshll.u32 s0, $0x4;
	s4 =	smul.u32 $0x140000, s0  }
0xa: {  	_ =	strace $0x8000004D;
	s0 =	ssub.s32 $0x2, s0;
	s1 =	sor.u32 s10, s1  }
0xb: {  	s24 =	sshrl.u32 s0, $0x1;
	s25 =	sshrl.u32 s8, $0x2;
	s1 =	smul.u32 $0x2800, s1  }
0xc: {  	s5 =	sadd.s32 s5, s4;
	s4 =	sadd.s32 $0x16000, s6;
	s0 =	ssub.s32 s0, s24  }
0xd: {  	s11 =	sadd.s32 s25, s2;
	s24 =	simm.s32 $0xF000;
	s25 =	simm.s32 $0x300  }
.Ltmp0:
0xe: {  	s7 =	sshrl.u32 s5, $0x3;
	s5 =	sadd.s32 $0x2A000, s6;
	(pc) =	sbr.rel .LBB2_1-.Ltmp0, $4  }
0xf: {  	s10 =	smax.u32 s0, $0x1;
	s11 =	sshrl.u32 s11, $0x3;
	s1 =	sshrl.u32 s1, $0x3  }
0x10: {  	s0 =	simm.s32 $0x8;
	s9 =	sadd.s32 s7, s6;
	s1 =	sadd.s32 s1, s6  }
0x11: {  	s6 =	sor.u32 $0x1C03, s26;
	s9 =	sadd.s32 $0x2B400, s9;
	s26 =	simm.s32 $0x11000  }
0x12: {  	s7 =	sadd.s32 $0x2000, s1;
	s8 =	sadd.s32 $0xC000, s1;
	s1 =	simm.s32 $0x10  }
.LBB2_4:
0x13: {  	_ =	swait.ge [sflag:s31], $0x2000  }
0x14: {  	[sflag:s31] =	ssyncset.done $0x0  }
0x15: {  	[sflag:s31] =	ssyncadd.s32 $0xFFFFE000  }
0x16: {  	_ =	swait.ge [sflag:s31], $0x2000  }
0x17: {  	[sflag:s31] =	ssyncset.done $0x0  }
0x18: {  	[sflag:s31] =	ssyncadd.s32 $0xFFFFE000  }
0x19: {  	_ =	swait.ge [sflag:s31], $0x2000  }
0x1a: {  	[sflag:s31] =	ssyncset.done $0x0  }
0x1b: {  	[sflag:s31] =	ssyncadd.s32 $0xFFFFE000  }
0x1c: {  	_ =	swait.ge [sflag:s31], $0x2000  }
0x1d: {  	[sflag:s31] =	ssyncset.done $0x0  }
0x1e: {  	[sflag:s31] =	ssyncadd.s32 $0xFFFFE000  }
0x1f: {  	_ =	swait.ge [sflag:s31], $0x2000  }
0x20: {  	[sflag:s31] =	ssyncset.done $0x0  }
0x21: {  	[sflag:s31] =	ssyncadd.s32 $0xFFFFE000  }
0x22: {  	_ =	swait.ge [sflag:s31], $0x2000  }
0x23: {  	[sflag:s31] =	ssyncset.done $0x0  }
0x24: {  	[sflag:s31] =	ssyncadd.s32 $0xFFFFE000  }
0x25: {  	_ =	swait.ge [sflag:s31], $0x2000  }
0x26: {  	s13 =	sadd.s32 $0x1, s13;
	[sflag:s31] =	ssyncset.done $0x0  }
0x27: {  	p0 =	sne.s32 s13, s10;
	[sflag:s31] =	ssyncadd.s32 $0xFFFFE000  }
.Ltmp1:
0x28: {  	[bflag:$0x0] =	sbarrier.arrive $0xFFFF;
	(pc) =	sbr.rel @!p0 .LBB2_5-.Ltmp1, $4  }
0x29: {  	[hbm:s9@s1], [sflag:s6] =	dma.strided [spmem:s11@s0], $0x1400, s30, $0x8   }
0x2a: {  	_ =	swait.ge [sflag:s12], $0x1400  }
0x2b: {  	[sflag:s12] =	ssyncset.done $0x0  }
0x2c: {  	[sflag:s12] =	ssyncadd.s32 $0xFFFFEC00  }
.LBB2_1:
0x2d: {  	[spmem:s11], [sflag:s6] =	dma.local [hbm:s5], $0x1400  }
0x2e: {  	_ =	swait.ge [sflag:s12], $0x1400  }
0x2f: {  	[sflag:s12] =	ssyncset.done $0x0  }
0x30: {  	[sflag:s12] =	ssyncadd.s32 $0xFFFFEC00  }
0x31: {  	[tilespmem:s3], [sflag:$0x3] =	stream.linear.gather [hbm4b:s7+s3], $0x2800, $0x38;
	[tilespmem:$0x1F000] =	vst v63  }
0x32: {  	_ =	swait.ge [sflag:s12], $0x2800  }
0x33: {  	[sflag:s12] =	ssyncset.done $0x0  }
0x34: {  	s17 =	simm.s32 $0x2800;
	[sflag:s12] =	ssyncadd.s32 $0xFFFFD800  }
0x35: {  	[tilespmem:s17], [sflag:$0x3] =	stream.linear.gather [hbm4b:s8+s3], $0x2800, $0x38;
	[tilespmem:$0x1F000] =	vst v63  }
0x36: {  	_ =	swait.ge [sflag:s12], $0x2800  }
0x37: {  	[sflag:s12] =	ssyncset.done $0x0  }
0x38: {  	[sflag:s12] =	ssyncadd.s32 $0xFFFFD800  }
0x39: {  	[bflag:$0x0] =	sbarrier.arrive $0xFFFF  }
0x3a: {  	[tilespmem:s15], [sflag:$0x1] =	stream.indirect.gather [hbm4b:s4+s14], $0x40, s3, s14, $0xb8;
	[tilespmem:$0x1F000] =	vst v63  }
0x3b: {  	_ = 	snop  }
0x3c: {  	[tilespmem:s16], [sflag:$0x1] =	stream.indirect.gather [hbm4b:s4+s14], $0x40, s14, s14, $0xb8;
	[tilespmem:$0x1F000] =	vst v63  }
0x3d: {  	s21 =	simm.s32 $0x100  }
0x3e: {  	[tilespmem:s18], [sflag:$0x1] =	stream.indirect.gather [hbm4b:s4+s14], $0x40, s21, s14, $0xb8;
	[tilespmem:$0x1F000] =	vst v63  }
0x3f: {  	s19 =	simm.s32 $0x180  }
0x40: {  	[tilespmem:s20], [sflag:$0x1] =	stream.indirect.gather [hbm4b:s4+s14], $0x40, s19, s14, $0xb8;
	[tilespmem:$0x1F000] =	vst v63  }
0x41: {  	s21 =	simm.s32 $0x200  }
0x42: {  	[tilespmem:s22], [sflag:$0x1] =	stream.indirect.gather [hbm4b:s4+s14], $0x40, s21, s14, $0xb8;
	[tilespmem:$0x1F000] =	vst v63  }
0x43: {  	_ = 	snop  }
0x44: {  	[tilespmem:s24], [sflag:$0x1] =	stream.indirect.gather [hbm4b:s4+s14], $0x40, s23, s14, $0xb8;
	[tilespmem:$0x1F000] =	vst v63  }
0x45: {  	_ = 	snop  }
0x46: {  	[tilespmem:s26], [sflag:$0x1] =	stream.indirect.gather [hbm4b:s4+s14], $0x40, s25, s14, $0xb8;
	[tilespmem:$0x1F000] =	vst v63  }
0x47: {  	s17 =	simm.s32 $0x0  }
0x48: {  	[tilespmem:s29], [sflag:$0x1] =	stream.indirect.gather [hbm4b:s4+s14], $0x40, s28, s14, $0xb8;
	[tilespmem:$0x1F000] =	vst v63  }
.LBB2_2:
0x49: {  	_ =	swait.ge [sflag:s30], $0x2000  }
0x4a: {  	s19 =	sshra.s32 s17, $0x2;
	[sflag:s30] =	ssyncset.done $0x0  }
0x4b: {  	s21 =	sadd.s32 $0x2800, s19;
	[sflag:s30] =	ssyncadd.s32 $0xFFFFE000  }
0x4c: {  	[spmem:s2] =	stream.indirect.scatter.add.f32 [tilespmem:s15], [sflag:$0x2], $0x40, s21, s14, $0xb8;
	[tilespmem:$0x1F000] =	vst v63  }
0x4d: {  	_ =	swait.ge [sflag:s30], $0x2000  }
0x4e: {  	[sflag:s30] =	ssyncset.done $0x0  }
0x4f: {  	s21 =	sadd.s32 $0x2880, s19;
	[sflag:s30] =	ssyncadd.s32 $0xFFFFE000  }
0x50: {  	[spmem:s2] =	stream.indirect.scatter.add.f32 [tilespmem:s16], [sflag:$0x2], $0x40, s21, s14, $0xb8;
	[tilespmem:$0x1F000] =	vst v63  }
0x51: {  	_ =	swait.ge [sflag:s30], $0x2000  }
0x52: {  	[sflag:s30] =	ssyncset.done $0x0  }
0x53: {  	s21 =	sadd.s32 $0x2900, s19;
	[sflag:s30] =	ssyncadd.s32 $0xFFFFE000  }
0x54: {  	[spmem:s2] =	stream.indirect.scatter.add.f32 [tilespmem:s18], [sflag:$0x2], $0x40, s21, s14, $0xb8;
	[tilespmem:$0x1F000] =	vst v63  }
0x55: {  	_ =	swait.ge [sflag:s30], $0x2000  }
0x56: {  	[sflag:s30] =	ssyncset.done $0x0  }
0x57: {  	s21 =	sadd.s32 $0x2980, s19;
	[sflag:s30] =	ssyncadd.s32 $0xFFFFE000  }
0x58: {  	[spmem:s2] =	stream.indirect.scatter.add.f32 [tilespmem:s20], [sflag:$0x2], $0x40, s21, s14, $0xb8;
	[tilespmem:$0x1F000] =	vst v63  }
0x59: {  	_ =	swait.ge [sflag:s30], $0x2000  }
0x5a: {  	[sflag:s30] =	ssyncset.done $0x0  }
0x5b: {  	s21 =	sadd.s32 $0x2A00, s19;
	[sflag:s30] =	ssyncadd.s32 $0xFFFFE000  }
0x5c: {  	[spmem:s2] =	stream.indirect.scatter.add.f32 [tilespmem:s22], [sflag:$0x2], $0x40, s21, s14, $0xb8;
	[tilespmem:$0x1F000] =	vst v63  }
0x5d: {  	_ =	swait.ge [sflag:s30], $0x2000  }
0x5e: {  	[sflag:s30] =	ssyncset.done $0x0  }
0x5f: {  	s21 =	sadd.s32 $0x2A80, s19;
	[sflag:s30] =	ssyncadd.s32 $0xFFFFE000  }
0x60: {  	[spmem:s2] =	stream.indirect.scatter.add.f32 [tilespmem:s24], [sflag:$0x2], $0x40, s21, s14, $0xb8;
	[tilespmem:$0x1F000] =	vst v63  }
0x61: {  	_ =	swait.ge [sflag:s30], $0x2000  }
0x62: {  	[sflag:s30] =	ssyncset.done $0x0  }
0x63: {  	s21 =	sadd.s32 $0x2B00, s19;
	[sflag:s30] =	ssyncadd.s32 $0xFFFFE000  }
0x64: {  	[spmem:s2] =	stream.indirect.scatter.add.f32 [tilespmem:s26], [sflag:$0x2], $0x40, s21, s14, $0xb8;
	[tilespmem:$0x1F000] =	vst v63  }
0x65: {  	_ =	swait.ge [sflag:s30], $0x2000  }
0x66: {  	p0 =	seq.s32 s17, $0x9000;
	[sflag:s30] =	ssyncset.done $0x0  }
.Ltmp2:
0x67: {  	s21 =	sadd.s32 $0x2B80, s19;
	[sflag:s30] =	ssyncadd.s32 $0xFFFFE000;
	(pc) =	sbr.rel @p0 .LBB2_4-.Ltmp2, $4  }
0x68: {  	[spmem:s2] =	stream.indirect.scatter.add.f32 [tilespmem:s29], [sflag:$0x2], $0x40, s21, s14, $0xb8;
	[tilespmem:$0x1F000] =	vst v63  }
0x69: {  	_ =	swait.ge [sflag:s31], $0x2000  }
0x6a: {  	[sflag:s31] =	ssyncset.done $0x0  }
0x6b: {  	[sflag:s31] =	ssyncadd.s32 $0xFFFFE000  }
0x6c: {  	s21 =	sadd.s32 $0x400, s19  }
0x6d: {  	[tilespmem:s15], [sflag:$0x1] =	stream.indirect.gather [hbm4b:s4+s14], $0x40, s21, s14, $0xb8;
	[tilespmem:$0x1F000] =	vst v63  }
0x6e: {  	_ =	swait.ge [sflag:s31], $0x2000  }
0x6f: {  	[sflag:s31] =	ssyncset.done $0x0  }
0x70: {  	s21 =	sadd.s32 $0x480, s19;
	[sflag:s31] =	ssyncadd.s32 $0xFFFFE000  }
0x71: {  	[tilespmem:s16], [sflag:$0x1] =	stream.indirect.gather [hbm4b:s4+s14], $0x40, s21, s14, $0xb8;
	[tilespmem:$0x1F000] =	vst v63  }
0x72: {  	_ =	swait.ge [sflag:s31], $0x2000  }
0x73: {  	[sflag:s31] =	ssyncset.done $0x0  }
0x74: {  	s21 =	sadd.s32 $0x500, s19;
	[sflag:s31] =	ssyncadd.s32 $0xFFFFE000  }
0x75: {  	[tilespmem:s18], [sflag:$0x1] =	stream.indirect.gather [hbm4b:s4+s14], $0x40, s21, s14, $0xb8;
	[tilespmem:$0x1F000] =	vst v63  }
0x76: {  	_ =	swait.ge [sflag:s31], $0x2000  }
0x77: {  	[sflag:s31] =	ssyncset.done $0x0  }
0x78: {  	s21 =	sadd.s32 $0x580, s19;
	[sflag:s31] =	ssyncadd.s32 $0xFFFFE000  }
0x79: {  	[tilespmem:s20], [sflag:$0x1] =	stream.indirect.gather [hbm4b:s4+s14], $0x40, s21, s14, $0xb8;
	[tilespmem:$0x1F000] =	vst v63  }
0x7a: {  	_ =	swait.ge [sflag:s31], $0x2000  }
0x7b: {  	[sflag:s31] =	ssyncset.done $0x0  }
0x7c: {  	s21 =	sadd.s32 $0x600, s19;
	[sflag:s31] =	ssyncadd.s32 $0xFFFFE000  }
0x7d: {  	[tilespmem:s22], [sflag:$0x1] =	stream.indirect.gather [hbm4b:s4+s14], $0x40, s21, s14, $0xb8;
	[tilespmem:$0x1F000] =	vst v63  }
0x7e: {  	_ =	swait.ge [sflag:s31], $0x2000  }
0x7f: {  	[sflag:s31] =	ssyncset.done $0x0  }
0x80: {  	s21 =	sadd.s32 $0x680, s19;
	[sflag:s31] =	ssyncadd.s32 $0xFFFFE000  }
0x81: {  	[tilespmem:s24], [sflag:$0x1] =	stream.indirect.gather [hbm4b:s4+s14], $0x40, s21, s14, $0xb8;
	[tilespmem:$0x1F000] =	vst v63  }
0x82: {  	_ =	swait.ge [sflag:s31], $0x2000  }
0x83: {  	[sflag:s31] =	ssyncset.done $0x0  }
0x84: {  	s21 =	sadd.s32 $0x700, s19;
	[sflag:s31] =	ssyncadd.s32 $0xFFFFE000  }
0x85: {  	[tilespmem:s26], [sflag:$0x1] =	stream.indirect.gather [hbm4b:s4+s14], $0x40, s21, s14, $0xb8;
	[tilespmem:$0x1F000] =	vst v63  }
.Ltmp3:
0x86: {  	_ = 	snop;
	(pc) =	sbr.rel .LBB2_2-.Ltmp3, $4  }
0x87: {  	_ =	swait.ge [sflag:s31], $0x2000  }
0x88: {  	[sflag:s31] =	ssyncset.done $0x0  }
0x89: {  	s17 =	sadd.s32 $0x1000, s17;
	s21 =	sadd.s32 $0x780, s19;
	[sflag:s31] =	ssyncadd.s32 $0xFFFFE000  }
0x8a: {  	[tilespmem:s29], [sflag:$0x1] =	stream.indirect.gather [hbm4b:s4+s14], $0x40, s21, s14, $0xb8;
	[tilespmem:$0x1F000] =	vst v63  }
.LBB2_5:
0x8b: {  	_ =	sfence.sel $0x180000  }
0x8c: {  	[bflag:$0x0] =	sbarrier.arrive $0xFFFF  }
0x8d: {  	_ =	strace $0x9000004D  }
0x8e: {  	s0 =	stileid.u32;
	[bflag:$0x2] =	sbarrier.arrive $0xFFFF  }
0x8f: {  	p0 =	sne.s32 s0, $0x0;
	s0 =	rddreg [dreg:$0x2]  }
0x90: {  	s0 =	sadd.s32 @!p0 $0x100000, s0  }
0x91: {  	[sflag:s0] =	ssyncadd.tile.s32 @!p0 $0x1;
	_ =	shalt  }
.Lfunc_end2:
_tile_overlayer_lowered:
.L_overlay_start_2:
0x92: {  	(tag) =	ssettag $0x2  }
0x93: {  	s0 =	rddreg [dreg:$0x0];
	s2 =	stileid.u32  }
0x94: {  	s1 =	rddreg [dreg:$0x1];
	p0 =	sne.s32 s2, $0x0  }
0x95: {  	s3 =	rddreg [dreg:$0x2];
	[bflag:$0x3] =	sbarrier.arrive $0xFFFF;
	s2 =	simm.s32 @!p0 $0x1C03  }
0x96: {  	[timem:s3], [sflag:s2] =	dma.local @!p0 [hbm:s0], s1  }
0x97: {  	s0 =	simm.s32 @!p0 $0x3  }
0x98: {  	_ =	swait.ge @!p0 [sflag:s0], s1  }
0x99: {  	s1 =	ssub.s32 @!p0 $0x0, s1;
	[sflag:s0] =	ssyncset.done @!p0 $0x0  }
0x9a: {  	[sflag:s0] =	ssyncadd.s32 @!p0 s1  }
0x9b: {  	[bflag:$0x3] =	sbarrier.arrive $0xFFFF  }
0x9c: {  	_ =	shalt  }

// kernel: kernel.8.cloned.1.call-start
scs
__scs_entry_jumppad:
0x0: {  	(pc) =	sbr.rel $0x88, $3  }
0x1: {  	(tag) =	ssettag $0x0;
	lr =	simm.s32 $0x1  }
0x2: {  	[smem:$0x3F97] =	sst lr;
	_ =	strace $0xD0000000  }
0x3: {  	_ = 	snop  }
0x4: {  	_ = 	snop  }
0x5: {  	_ = 	snop  }
0x6: {  	_ = 	snop  }
0x7: {  	_ = 	snop  }
__scs_overlays_trampoline_lowered:
0x8: {  	[smem:$0x3FA6] =	sst s0  }
0x9: {  	[smem:$0x3FA7] =	sst s1  }
0xa: {  	[smem:$0x3FA8] =	sst s2  }
0xb: {  	[smem:$0x3FA9] =	sst s3  }
0xc: {  	[smem:$0x3FAA] =	sst s4  }
0xd: {  	[smem:$0x3FAB] =	sst s5  }
0xe: {  	[smem:$0x3FAC] =	sst s6  }
0xf: {  	[smem:$0x3FAD] =	sst s7  }
0x10: {  	[smem:$0x3FAE] =	sst s8  }
0x11: {  	[smem:$0x3FAF] =	sst s9;
	s0 =	simm.s32 @!p0 $0x0  }
0x12: {  	s1 =	sld [smem:$0x3F95];
	s0 =	simm.s32 @p0 $0x1  }
0x13: {  	[smem:$0x3FB0] =	sst s0;
	s0 =	simm.s32 @!p1 $0x0  }
0x14: {  	s2 =	sld [smem:$0x3F94];
	s0 =	simm.s32 @p1 $0x1  }
0x15: {  	[smem:$0x3FB1] =	sst s0;
	s0 =	simm.s32 @!p2 $0x0  }
0x16: {  	s3 =	sld [smem:$0x3FDB];
	s0 =	simm.s32 @p2 $0x1  }
0x17: {  	s4 =	simm.s32 $0x1BF5;
	[smem:$0x3FB3] =	sst s0  }
0x18: {  	s0 =	sld [smem:$0x3F96];
	_ =	swait.ge [sflag:s4], $0x0  }
0x19: {  	s7 =	sld [smem:$0x3F97]  }
0x1a: {  	s8 =	sadd.s32 $0xFFFFE003, lr  }
0x1b: {  	s9 =	sadd.s32 $0xFFFFFEF7, lr;
	s5 =	simm.s32 $0xFFFFFFFF;
	p2 =	slt.u32 s8, $0xFFFFF086  }
0x1c: {  	p1 =	slt.u32 s9, $0xF7A;
	s5 =	simm.s32 @!p2 $0x0  }
0x1d: {  	s5 =	simm.s32 @p1 $0x1;
	p0 =	seq.s32 s7, s2  }
0x1e: {  	s7 =	smul.u32 @!p0 $0xF7A, s2;
	p2 =	seq.s32 @!p0 s5, $0x0  }
0x1f: {  	s9 =	smul.u32 $0xF7A, s1;
	s8 =	simm.s32 @!p0 $0x1BF5;
	p2 =	por !p2, p0  }
0x20: {  	[sflag:s8] =	ssyncset.s32 @!p0 $0xFFFFF086;
	s6 =	sadd.s32 @!p0 s3, s7;
	s7 =	simm.s32 @!p0 $0x108  }
0x21: {  	s3 =	sadd.s32 s3, s9;
	s6 =	sadd.s32 @!p0 $0x88, s6;
	s7 =	simm.s32 @p2 $0x1082  }
0x22: {  	[simem:s7], [sflag:s8] =	dma.local @!p0 [hbm:s6], $0xF7A  }
0x23: {  	s9 =	sor.u32 $0xD0000000, s2;
	s6 =	simm.s32 $0x108;
	_ =	swait.ge @!p0 [sflag:s8], $0x0  }
0x24: {  	s3 =	sadd.s32 $0x88, s3;
	s6 =	simm.s32 @!p1 $0x1082;
	[sflag:s4] =	ssyncset.s32 $0xFFFFF086  }
0x25: {  	[simem:s6], [sflag:s4] =	dma.local [hbm:s3], $0xF7A  }
0x26: {  	[smem:$0x3F97] =	sst s1;
	(tag) =	ssettag s2;
	_ =	strace s9  }
0x27: {  	s1 =	sld [smem:$0x3FA7]  }
0x28: {  	s2 =	sld [smem:$0x3FA8]  }
0x29: {  	s4 =	sld [smem:$0x3FAA]  }
0x2a: {  	p0 =	seq.s32 s5, $0x0;
	s5 =	sld [smem:$0x3FAB]  }
0x2b: {  	s6 =	sld [smem:$0x3FAC]  }
0x2c: {  	s7 =	sld [smem:$0x3FAD]  }
0x2d: {  	s3 =	simm.s32 $0x108;
	s8 =	sld [smem:$0x3FAE]  }
0x2e: {  	s3 =	simm.s32 @!p0 $0x1082;
	s9 =	sld [smem:$0x3FAF]  }
0x2f: {  	lr =	sadd.s32 s0, s3;
	s0 =	sld [smem:$0x3FA6]  }
0x30: {  	s3 =	sld [smem:$0x3FA9]  }
0x31: {  	[smem:$0x3FB2] =	sst s10  }
0x32: {  	s10 =	sld [smem:$0x3FB0];
	_ =	sdelay $0x3  }
0x33: {  	p0 =	seq.s32 s10, $0x1;
	s10 =	sld [smem:$0x3FB2];
	_ =	sdelay $0x3  }
0x34: {  	[smem:$0x3FB2] =	sst s10  }
0x35: {  	s10 =	sld [smem:$0x3FB1];
	_ =	sdelay $0x3  }
0x36: {  	p1 =	seq.s32 s10, $0x1;
	s10 =	sld [smem:$0x3FB2];
	_ =	sdelay $0x3  }
0x37: {  	[smem:$0x3FB2] =	sst s10  }
0x38: {  	s10 =	sld [smem:$0x3FB3]  }
0x39: {  	_ = 	snop;
	(pc) =	sbr.ind lr, $3  }
0x3a: {  	_ = 	snop  }
0x3b: {  	_ = 	snop  }
0x3c: {  	p2 =	seq.s32 s10, $0x1;
	s10 =	sld [smem:$0x3FB2]  }
0x3d: {  	_ =	shalt  }
0x3e: {  	_ =	shalt  }
0x3f: {  	_ =	shalt  }
0x40: {  	_ =	shalt  }
0x41: {  	_ =	shalt  }
0x42: {  	_ =	shalt  }
0x43: {  	_ =	shalt  }
0x44: {  	_ =	shalt  }
0x45: {  	_ =	shalt  }
0x46: {  	_ =	shalt  }
0x47: {  	_ =	shalt  }
0x48: {  	_ =	shalt  }
0x49: {  	_ =	shalt  }
0x4a: {  	_ =	shalt  }
0x4b: {  	_ =	shalt  }
0x4c: {  	_ =	shalt  }
0x4d: {  	_ =	shalt  }
0x4e: {  	_ =	shalt  }
0x4f: {  	_ =	shalt  }
0x50: {  	_ =	shalt  }
0x51: {  	_ =	shalt  }
0x52: {  	_ =	shalt  }
0x53: {  	_ =	shalt  }
0x54: {  	_ =	shalt  }
0x55: {  	_ =	shalt  }
0x56: {  	_ =	shalt  }
0x57: {  	_ =	shalt  }
0x58: {  	_ =	shalt  }
0x59: {  	_ =	shalt  }
0x5a: {  	_ =	shalt  }
0x5b: {  	_ =	shalt  }
0x5c: {  	_ =	shalt  }
0x5d: {  	_ =	shalt  }
0x5e: {  	_ =	shalt  }
0x5f: {  	_ =	shalt  }
0x60: {  	_ =	shalt  }
0x61: {  	_ =	shalt  }
0x62: {  	_ =	shalt  }
0x63: {  	_ =	shalt  }
0x64: {  	_ =	shalt  }
0x65: {  	_ =	shalt  }
0x66: {  	_ =	shalt  }
0x67: {  	_ =	shalt  }
0x68: {  	_ =	shalt  }
0x69: {  	_ =	shalt  }
0x6a: {  	_ =	shalt  }
0x6b: {  	_ =	shalt  }
0x6c: {  	_ =	shalt  }
0x6d: {  	_ =	shalt  }
0x6e: {  	_ =	shalt  }
0x6f: {  	_ =	shalt  }
0x70: {  	_ =	shalt  }
0x71: {  	_ =	shalt  }
0x72: {  	_ =	shalt  }
0x73: {  	_ =	shalt  }
0x74: {  	_ =	shalt  }
0x75: {  	_ =	shalt  }
0x76: {  	_ =	shalt  }
0x77: {  	_ =	shalt  }
0x78: {  	_ =	shalt  }
0x79: {  	_ =	shalt  }
0x7a: {  	_ =	shalt  }
0x7b: {  	_ =	shalt  }
0x7c: {  	_ =	shalt  }
0x7d: {  	_ =	shalt  }
0x7e: {  	_ =	shalt  }
0x7f: {  	_ =	shalt  }
0x80: {  	_ =	shalt  }
0x81: {  	_ =	shalt  }
0x82: {  	_ =	shalt  }
0x83: {  	_ =	shalt  }
0x84: {  	_ =	shalt  }
0x85: {  	_ =	shalt  }
0x86: {  	_ =	shalt  }
0x87: {  	_ =	shalt  }
.Lfunc_end0:
.L_simem_size_0:
called_computation_lowered:
.L_overlay_start_0:
0x88: {  	s2 =	sld [smem:$0x3FD9]  }
0x89: {  	s3 =	sld [smem:$0x3FFE];
	_ =	sdelay $0x1  }
0x8a: {  	s1 =	srdreg.scid  }
0x8b: {  	s0 =	sand.u32 $0x1, s1  }
0x8c: {  	s16 =	sshll.u32 s0, $0xA;
	s2 =	sadd.s32 s3, s2  }
0x8d: {  	s2 =	sadd.s32 s2, s16  }
0x8e: {  	[smem:$0x3FBE] =	sst s2  }
0x8f: {  	_ = 	snop  }
0x90: {  	(tm) =	ssettm $0x1  }
0x91: {  	s17 =	sld [smem:$0x3FFB];
	_ =	sdelay $0x3  }
0x92: {  	_ =	strace s17  }
0x93: {  	s2 =	sld [smem:$0x3FFC];
	_ =	sdelay $0x3  }
0x94: {  	_ =	strace s2  }
0x95: {  	s2 =	sld [smem:$0x3FFD];
	_ =	sdelay $0x3  }
0x96: {  	_ =	strace s2  }
0x97: {  	_ =	strace $0x8FFFFFFF  }
0x98: {  	s18 =	sld [smem:$0x3FDB];
	_ =	sdelay $0x1  }
0x99: {  	s19 =	simm.s32 $_scs_section_size  }
0x9a: {  	s4 =	simm.s32 $_size__tile_overlayer_lowered;
	s5 =	simm.s32 $_tile_overlayer_lowered  }
0x9b: {  	s22 =	simm.s32 $0x1BFF;
	s21 =	sshll.u32 s5, $0x1;
	s2 =	sadd.s32 s19, s18  }
0x9c: {  	s6 =	simm.s32 $0x0;
	s20 =	sshll.u32 s4, $0x1;
	s4 =	sadd.s32 s21, s2  }
0x9d: {  	[timem:s6], [sflag:s22] =	dma.local [hbm:s4], s20  }
0x9e: {  	_ =	swait.ge [sflag:s22], s20  }
0x9f: {  	s3 =	ssub.s32 $0x0, s20;
	[sflag:s22] =	ssyncset.done $0x0  }
0xa0: {  	[sflag:s22] =	ssyncadd.s32 s3;
	_ =	sdelay $0x1  }
0xa1: {  	s23 =	simm.s32 $0x1B8B  }
0xa2: {  	_ =	swait.ge [sflag:s23], $0x1  }
0xa3: {  	[sflag:s23] =	ssyncset.done $0x0  }
0xa4: {  	s25 =	simm.s32 $0x1B8E;
	s24 =	sld [smem:$0x3FFE];
	[sflag:s23] =	ssyncadd.s32 $0xFFFFFFFF  }
0xa5: {  	s26 =	simm.s32 $execute0_lowered;
	[smem:$0x3FD2] =	sst s25  }
0xa6: {  	s4 =	sshll.u32 s26, $0x1;
	_ =	strace $0x80000046;
	[dreg:$0x1] =	wrdreg $0xFFFFFFFF  }
0xa7: {  	s28 =	simm.s32 $_size_execute0_lowered;
	s2 =	sadd.s32 s2, s4;
	[dreg:$0x0] =	wrdreg $0x0  }
0xa8: {  	s4 =	sshll.u32 s28, $0x1;
	[dreg:$0x2] =	wrdreg s2  }
0xa9: {  	[dreg:$0x3] =	wrdreg s4  }
0xaa: {  	[dreg:$0x4] =	wrdreg $0xC0  }
0xab: {  	_ =	task [dreg:s6], $0x5FFFF  }
0xac: {  	[dreg:$0x1] =	wrdreg $0xFFFFFFFF  }
0xad: {  	[dreg:$0x0] =	wrdreg $0x60  }
0xae: {  	[dreg:$0x2] =	wrdreg s24  }
0xaf: {  	[dreg:$0x3] =	wrdreg $0x30000  }
0xb0: {  	[dreg:$0x4] =	wrdreg $0x9  }
0xb1: {  	_ =	task.clear_ibuf [dreg:s6], $0x5FFFF;
	_ =	strace $0x90000046  }
0xb2: {  	s29 =	simm.s32 $0x9;
	_ =	strace $0x80000048  }
0xb3: {  	_ =	swait.ge [sflag:s29], $0x1  }
0xb4: {  	[sflag:s29] =	ssyncadd.s32 $0xFFFFFFFF  }
0xb5: {  	_ =	strace $0x90000048  }
0xb6: {  	_ =	sfence  }
0xb7: {  	s30 =	sld [smem:$0x0];
	_ =	sdelay $0x2  }
0xb8: {  	s31 =	sshll.u32 s1, $0xD;
	s1 =	sshrl.u32 s1, $0x2  }
0xb9: {  	s3 =	sand.u32 $0x4000, s31;
	s1 =	sadd.s32 s1, s30  }
0xba: {  	s0 =	sor.u32 s3, s0;
	s1 =	sshll.u32 s1, $0x11  }
0xbb: {  	s0 =	sor.u32 s1, s0  }
0xbc: {  	s0 =	sadd.s32 $0x8F2B, s0  }
0xbd: {  	[sflag:s0] =	ssyncadd.remote.s32 $0x1  }
0xbe: {  	_ =	sfence.sel $0xFFFF  }
0xbf: {  	[dreg:$0x0] =	wrdreg $0xFFFFFFFF;
	(pc) =	sbr.abs _section_cstart, $3  }
0xc0: {  	[dreg:$0x1] =	wrdreg $0xFFFFFFFF  }
0xc1: {  	_ =	task.clear_ibuf [dreg:s6], $0x2FFFF;
	_ =	strace $0x9FFFFFFF  }
0xc2: {  	(tm) =	ssettm $0x7FFFFFFF  }
0xc3: {  	_ =	shalt  }
tec
execute0_lowered:
.L_overlay_start_1:
0x0: {  	(tag) =	ssettag $0x1  }
0x1: {  	s6 =	rddreg [dreg:$0x0]  }
0x2: {  	s1 =	rddreg [dreg:$0x1]  }
0x3: {  	s0 =	rddreg [dreg:$0x2]  }
0x4: {  	s3 =	simm.s32 $0x0;
	s2 =	srdreg.scid;
	s13 =	simm.s32 $0x80  }
0x5: {  	s14 =	simm.s32 $0x10;
	s15 =	simm.s32 $0x2;
	s16 =	simm.s32 $0x0  }
0x6: {  	[smem:$0x7FF] =	sst s3;
	s7 =	sand.u32 $0x1, s2;
	s2 =	stileid.u32  }
0x7: {  	s4 =	sadd.s32 $0x16600, s6;
	s5 =	sadd.s32 $0x16000, s6;
	s8 =	smul.u32 $0x140000, s7  }
0x8: {  	_ =	strace $0x80000047;
	s9 =	smul.u32 $0x14000, s2;
	s10 =	sshll.u32 s7, $0x4  }
0x9: {  	s7 =	ssub.s32 $0x2, s7;
	s11 =	smul.u32 $0xA000, s2;
	s31 =	sshll.u32 s2, $0x6  }
0xa: {  	s10 =	sor.u32 s2, s10;
	s28 =	sshrl.u32 s7, $0x1;
	s8 =	sadd.s32 s9, s8  }
0xb: {  	s26 =	smul.u32 $0x2800, s10;
	s10 =	ssub.s32 s7, s28;
	s30 =	sshrl.u32 s11, $0x2  }
0xc: {  	s11 =	simm.s32 $0x1;
	s8 =	sshrl.u32 s8, $0x3;
	s12 =	sadd.s32 s30, s1  }
0xd: {  	s9 =	smax.u32 s10, $0x1;
	s8 =	sadd.s32 s8, s6;
	s29 =	sshrl.u32 s26, $0x3  }
0xe: {  	s10 =	sshrl.u32 s12, $0x3;
	s12 =	simm.s32 $0x2800;
	s7 =	sadd.s32 s6, s29  }
0xf: {  	s6 =	sor.u32 $0x1C01, s31;
	s8 =	sadd.s32 $0x16800, s8;
	s7 =	sadd.s32 $0xC000, s7  }
.LBB2_1:
0x10: {  	[spmem:s10], [sflag:s6] =	dma.local [hbm:s5], $0x500  }
0x11: {  	_ =	swait.ge [sflag:s11], $0x500  }
0x12: {  	[sflag:s11] =	ssyncset.done $0x0  }
0x13: {  	[sflag:s11] =	ssyncadd.s32 $0xFFFFFB00  }
0x14: {  	[tilespmem:s3], [sflag:$0x1] =	stream.linear.gather [hbm4b:s7+s3], $0x2800, $0x38;
	[tilespmem:$0x5800] =	vst v63  }
0x15: {  	_ =	swait.ge [sflag:s11], $0x2800  }
0x16: {  	[sflag:s11] =	ssyncset.done $0x0  }
0x17: {  	[sflag:s11] =	ssyncadd.s32 $0xFFFFD800  }
0x18: {  	[tilespmem:s12], [sflag:$0x1] =	stream.linear.gather [hbm4b:s4+s3], $0x800, $0x38;
	[tilespmem:$0x5800] =	vst v63  }
0x19: {  	_ =	swait.ge [sflag:s11], $0x800  }
0x1a: {  	[sflag:s11] =	ssyncset.done $0x0  }
0x1b: {  	[sflag:s11] =	ssyncadd.s32 $0xFFFFF800  }
0x1c: {  	s17 =	simm.s32 $0x0;
	[bflag:$0x0] =	sbarrier.arrive $0xFFFF  }
0x1d: {  	[spmem:s1] =	stream.indirect.scatter.add.f32 [tilespmem:s12], [sflag:$0x1], $0x10, s17, s13, $0xb8;
	[tilespmem:$0x5800] =	vst v63  }
0x1e: {  	_ =	swait.ge [sflag:s11], $0x800  }
0x1f: {  	s17 =	simm.s32 $0x200;
	[sflag:s11] =	ssyncset.done $0x0  }
.LBB2_2:
0x20: {  	s18 =	sshra.s32 s17, $0x2;
	[sflag:s11] =	ssyncadd.s32 $0xFFFFF800;
	p0 =	sne.s32 s17, $0x9E00  }
0x21: {  	[spmem:s1] =	stream.indirect.scatter.add.f32 [tilespmem:s12], [sflag:$0x1], $0x10, s18, s13, $0xb8;
	[tilespmem:$0x5800] =	vst v63  }
.Ltmp0:
0x22: {  	_ = 	snop;
	(pc) =	sbr.rel @p0 .LBB2_2-.Ltmp0, $4  }
0x23: {  	_ = 	snop  }
0x24: {  	s17 =	sadd.s32 $0x200, s17  }
0x25: {  	_ =	swait.ge [sflag:s11], $0x800  }
0x26: {  	[sflag:s11] =	ssyncset.done $0x0  }
0x27: {  	s16 =	sadd.s32 $0x1, s16  }
0x28: {  	[sflag:s11] =	ssyncadd.s32 $0xFFFFF800;
	p0 =	sne.s32 s16, s9  }
.Ltmp1:
0x29: {  	[bflag:$0x0] =	sbarrier.arrive $0xFFFF;
	(pc) =	sbr.rel @p0 .LBB2_1-.Ltmp1, $4  }
0x2a: {  	[hbm:s8@s14], [sflag:s6] =	dma.strided [spmem:s10@s15], $0x500, s11, $0x2   }
0x2b: {  	_ =	swait.ge [sflag:s11], $0x500  }
0x2c: {  	[sflag:s11] =	ssyncset.done $0x0  }
0x2d: {  	[sflag:s11] =	ssyncadd.s32 $0xFFFFFB00  }
0x2e: {  	_ =	sfence.sel $0x180000  }
0x2f: {  	[bflag:$0x0] =	sbarrier.arrive $0xFFFF  }
0x30: {  	p0 =	sne.s32 s2, $0x0;
	_ =	strace $0x90000047  }
0x31: {  	s0 =	sadd.s32 @!p0 $0x100000, s0;
	[bflag:$0x2] =	sbarrier.arrive $0xFFFF  }
0x32: {  	[sflag:s0] =	ssyncadd.tile.s32 @!p0 $0x1;
	_ =	shalt  }
.Lfunc_end2:
_tile_overlayer_lowered:
.L_overlay_start_2:
0x33: {  	(tag) =	ssettag $0x2  }
0x34: {  	s0 =	rddreg [dreg:$0x0];
	s2 =	stileid.u32  }
0x35: {  	s1 =	rddreg [dreg:$0x1];
	p0 =	sne.s32 s2, $0x0  }
0x36: {  	s3 =	rddreg [dreg:$0x2];
	[bflag:$0x3] =	sbarrier.arrive $0xFFFF;
	s2 =	simm.s32 @!p0 $0x1C01  }
0x37: {  	[timem:s3], [sflag:s2] =	dma.local @!p0 [hbm:s0], s1  }
0x38: {  	s0 =	simm.s32 @!p0 $0x1  }
0x39: {  	_ =	swait.ge @!p0 [sflag:s0], s1  }
0x3a: {  	s1 =	ssub.s32 @!p0 $0x0, s1;
	[sflag:s0] =	ssyncset.done @!p0 $0x0  }
0x3b: {  	[sflag:s0] =	ssyncadd.s32 @!p0 s1  }
0x3c: {  	[bflag:$0x3] =	sbarrier.arrive $0xFFFF  }
0x3d: {  	_ =	shalt  }

</sc_bundles>
